<compile_context>
chip_gen: v7x
topology: tpu7x:2x2x1
jax: 0.10.2.dev20260603
libtpu: 0.0.44.dev20260713+nightly
codegen_flags: <defaults>
</compile_context>

<pallas_src>
import functools

import jax
import jax.numpy as jnp
from jax import lax
from jax.experimental import pallas as pl
from jax.experimental.pallas import tpu as pltpu
from jax.experimental.pallas import tpu_sc as plsc

NC = 2
NS = 16
NW = NC * NS
LANES = 16
C = 640
DPAD = 48


def _sc_lookup(x_flat, tbl_pad, d):
    n = x_flat.shape[0]
    assert n % (NW * C) == 0
    rpw = n // NW
    nchunks = rpw // C
    assert nchunks % 2 == 0
    groups = C // LANES
    gsz = LANES * d

    mesh = plsc.VectorSubcoreMesh(core_axis_name="c", subcore_axis_name="s")

    @functools.partial(
        pl.kernel,
        mesh=mesh,
        out_type=jax.ShapeDtypeStruct((n * d,), jnp.float32),
        scratch_types=[
            pltpu.VMEM((rpw,), jnp.int32),
            pltpu.VMEM(tbl_pad.shape, jnp.float32),
            pltpu.VMEM((C * d,), jnp.float32),
            pltpu.VMEM((C * d,), jnp.float32),
            pltpu.SemaphoreType.DMA,
            pltpu.SemaphoreType.DMA,
        ],
        compiler_params=pltpu.CompilerParams(
            use_tc_tiling_on_sc=False,
            needs_layout_passes=False,
            disable_bounds_checks=True,
        ),
    )
    def k(x_hbm, tbl_hbm, out_hbm, idx_v, tbl_v, rows0, rows1, wsem0, wsem1):
        rows = (rows0, rows1)
        wsem = (wsem0, wsem1)
        wid = lax.axis_index("s") * NC + lax.axis_index("c")
        wbase = wid * rpw
        pltpu.sync_copy(x_hbm.at[pl.ds(wbase, rpw)], idx_v)
        pltpu.sync_copy(tbl_hbm, tbl_v)

        lanes = lax.iota(jnp.int32, LANES)
        tail_mask = lanes < (DPAD - d)
        tail_off = lanes + ((LANES - 1) * d + 2 * LANES)

        def expand(chunk, rows_v):
            @plsc.parallel_loop(0, groups, unroll=2)
            def g_body(g):
                vidx = idx_v[pl.ds(chunk * C + g * LANES, LANES)]
                sbase = g * gsz
                for l in range(LANES):
                    xj = vidx[l]
                    rb = sbase + l * d
                    for kk in range(DPAD // LANES):
                        v = tbl_v[xj, pl.ds(kk * LANES, LANES)]
                        if l == LANES - 1 and kk == DPAD // LANES - 1:
                            plsc.store_scatter(
                                rows_v, [tail_off + sbase], v, mask=tail_mask
                            )
                        else:
                            rows_v[pl.ds(rb + kk * LANES, LANES)] = v

        def out_slice(chunk):
            return out_hbm.at[pl.ds((wbase + chunk * C) * d, C * d)]

        def cc_body(cc, carry):
            for b in range(2):
                chunk = cc * 2 + b

                @pl.when(chunk >= 2)
                def _():
                    pltpu.make_async_copy(rows[b], out_slice(chunk - 2), wsem[b]).wait()

                expand(chunk, rows[b])
                pltpu.async_copy(rows[b], out_slice(chunk), wsem[b])
            return carry

        lax.fori_loop(0, nchunks // 2, cc_body, 0)
        pltpu.make_async_copy(rows0, out_slice(nchunks - 2), wsem0).wait()
        pltpu.make_async_copy(rows1, out_slice(nchunks - 1), wsem1).wait()

    return k(x_flat, tbl_pad)


def kernel(x, table):
    b, t = x.shape
    d = table.shape[1]
    x_flat = x.astype(jnp.int32).reshape(-1)
    tbl_pad = jnp.pad(table.astype(jnp.float32), ((0, 0), (0, DPAD - d)))
    out = _sc_lookup(x_flat, tbl_pad, d)
    return out.reshape(b, t, d)

# --- scband reference (transcript-rebuilt; emitter-appended) ---
"""Pipeline reference for scband-my-model-61933428412805 (READ-ONLY COPY).

The authoritative reference and input builder live on the scoring server;
editing this copy changes nothing except your own understanding.
"""

import jax, jax.numpy as jnp
import numpy as np

def setup_inputs(seed: int = 0) -> dict:
    key = jax.random.key(seed)
    k1, k2 = jax.random.split(key)
    x = jax.random.randint(k1, (4096, 200), 0, 20, dtype=jnp.int64) if jax.config.jax_enable_x64 else jax.random.randint(k1, (4096, 200), 0, 20, dtype=jnp.int32)
    table = jax.random.normal(k2, (20, 40), dtype=jnp.float32)
    return {"x": x, "table": table}

def reference(x, table):
    # nn.Embedding forward: row gather from the embedding table
    return jnp.take(table, x, axis=0)

if __name__ == "__main__":
    import jax
    _d = setup_inputs()
    print(jax.jit(kernel)(*tuple(_d.values())))

</pallas_src>

<mosaic_0001>
#map = affine_map<(d0, d1) -> (0)>
#map1 = affine_map<(d0, d1) -> (0, 0)>
module attributes {stable_mosaic.version = 14 : i64} {
  func.func @k(%arg0: i32, %arg1: i32, %arg2: memref<819200xi32, #tpu.memory_space<hbm>>, %arg3: memref<20x48xf32, #tpu.memory_space<hbm>>, %arg4: memref<32768000xf32, #tpu.memory_space<hbm>>, %arg5: memref<25600xi32, #tpu.memory_space<vmem>>, %arg6: memref<20x48xf32, #tpu.memory_space<vmem>>, %arg7: memref<25600xf32, #tpu.memory_space<vmem>>, %arg8: memref<25600xf32, #tpu.memory_space<vmem>>, %arg9: memref<!tpu.dma_semaphore, #tpu.memory_space<semaphore_mem>>, %arg10: memref<!tpu.dma_semaphore, #tpu.memory_space<semaphore_mem>>) attributes {dimension_semantics = [#tpu.dimension_semantics<core_parallel>, #tpu.dimension_semantics<subcore_parallel>], iteration_bounds = array<i64: 2, 16>, scalar_prefetch = 0 : i64, scratch_operands = 6 : i64, tpu.core_type = #tpu.core_type<sc_vector_subcore>, window_params = [{transform_indices = #map}, {transform_indices = #map1}, {transform_indices = #map}]} {
    %mul3A = arith.constant 2 : i32
    %mul3A_0 = arith.muli %arg1, %mul3A : i32
    %add3A = arith.addi %mul3A_0, %arg0 : i32
    %mul3A_1 = arith.constant 25600 : i32
    %mul3A_2 = arith.muli %add3A, %mul3A_1 : i32
    "tpu.region"() ({
      %run_scoped3A = tpu.sem_alloc : memref<!tpu.dma_semaphore, #tpu.memory_space<semaphore_mem>>
      %dma_start3A = tpu.memref_slice %arg2[%mul3A_2] : memref<819200xi32, #tpu.memory_space<hbm>> -> memref<25600xi32, #tpu.memory_space<hbm>>
      %dma_start3A_24 = tpu.memref_slice %arg2[%mul3A_2] : memref<819200xi32, #tpu.memory_space<hbm>> -> memref<25600xi32, #tpu.memory_space<hbm>>
      tpu.enqueue_dma source(%dma_start3A_24 : memref<25600xi32, #tpu.memory_space<hbm>>) target(%arg5 : memref<25600xi32, #tpu.memory_space<vmem>>) target_semaphore(%run_scoped3A : memref<!tpu.dma_semaphore, #tpu.memory_space<semaphore_mem>>)
      %dma_wait3A_25 = tpu.memref_slice %arg2[%mul3A_2] : memref<819200xi32, #tpu.memory_space<hbm>> -> memref<25600xi32, #tpu.memory_space<hbm>>
      %dma_wait3A_26 = tpu.memref_slice %arg2[%mul3A_2] : memref<819200xi32, #tpu.memory_space<hbm>> -> memref<25600xi32, #tpu.memory_space<hbm>>
      tpu.wait_dma2 semaphore(%run_scoped3A : memref<!tpu.dma_semaphore, #tpu.memory_space<semaphore_mem>>) src(%dma_wait3A_26 : memref<25600xi32, #tpu.memory_space<hbm>>) dst(%arg5 : memref<25600xi32, #tpu.memory_space<vmem>>)
      tpu.yield
    }) : () -> ()
    "tpu.region"() ({
      %run_scoped3A = tpu.sem_alloc : memref<!tpu.dma_semaphore, #tpu.memory_space<semaphore_mem>>
      tpu.enqueue_dma source(%arg3 : memref<20x48xf32, #tpu.memory_space<hbm>>) target(%arg6 : memref<20x48xf32, #tpu.memory_space<vmem>>) target_semaphore(%run_scoped3A : memref<!tpu.dma_semaphore, #tpu.memory_space<semaphore_mem>>)
      tpu.wait_dma2 semaphore(%run_scoped3A : memref<!tpu.dma_semaphore, #tpu.memory_space<semaphore_mem>>) src(%arg3 : memref<20x48xf32, #tpu.memory_space<hbm>>) dst(%arg6 : memref<20x48xf32, #tpu.memory_space<vmem>>)
      tpu.yield
    }) : () -> ()
    %iota3A = tpu.iota {dimensions = array<i32: 0>} : vector<16xi32>
    %lt3A = arith.constant 8 : i32
    %lt3A_3 = vector.broadcast %lt3A : i32 to vector<16xi32>
    %lt3A_4 = arith.cmpi slt, %iota3A, %lt3A_3 : vector<16xi32>
    %add3A_5 = arith.constant 632 : i32
    %add3A_6 = vector.broadcast %add3A_5 : i32 to vector<16xi32>
    %add3A_7 = arith.addi %iota3A, %add3A_6 : vector<16xi32>
    %scan3A = arith.constant 0 : i32
    %scan3A_8 = arith.constant 0 : i32
    %scan3A_9 = arith.constant 20 : i32
    %scan3A_10 = arith.addi %scan3A_8, %scan3A_9 : i32
    %scan3A_11 = arith.constant 1 : i32
    scf.for %scan3A_24 = %scan3A_8 to %scan3A_10 step %scan3A_11  : i32 {
      %mul3A_25 = arith.constant 2 : i32
      %mul3A_26 = arith.muli %scan3A_24, %mul3A_25 : i32
      %add3A_27 = arith.constant 0 : i32
      %add3A_28 = arith.addi %mul3A_26, %add3A_27 : i32
      %ge3A = arith.constant 2 : i32
      %ge3A_29 = arith.cmpi sge, %add3A_28, %ge3A : i32
      %convert_element_type3A = arith.extui %ge3A_29 : i1 to i32
      %cond3A = arith.constant 0 : i32
      %cond3A_30 = arith.cmpi ne, %convert_element_type3A, %cond3A : i32
      scf.if %cond3A_30 {
        %sub3A = arith.constant 2 : i32
        %sub3A_58 = arith.subi %add3A_28, %sub3A : i32
        %mul3A_59 = arith.constant 640 : i32
        %mul3A_60 = arith.muli %sub3A_58, %mul3A_59 : i32
        %add3A_61 = arith.addi %mul3A_2, %mul3A_60 : i32
        %mul3A_62 = arith.constant 40 : i32
        %mul3A_63 = arith.muli %add3A_61, %mul3A_62 : i32
        %dma_wait3A_64 = tpu.memref_slice %arg4[%mul3A_63] : memref<32768000xf32, #tpu.memory_space<hbm>> -> memref<25600xf32, #tpu.memory_space<hbm>>
        %dma_wait3A_65 = tpu.memref_slice %arg4[%mul3A_63] : memref<32768000xf32, #tpu.memory_space<hbm>> -> memref<25600xf32, #tpu.memory_space<hbm>>
        tpu.wait_dma2 semaphore(%arg9 : memref<!tpu.dma_semaphore, #tpu.memory_space<semaphore_mem>>) src(%arg7 : memref<25600xf32, #tpu.memory_space<vmem>>) dst(%dma_wait3A_65 : memref<25600xf32, #tpu.memory_space<hbm>>)
      } else {
      }
      %parallel_loop3A = arith.constant 0 : i32
      %parallel_loop3A_31 = arith.constant 40 : i32
      %parallel_loop3A_32 = arith.constant 1 : i32
      scf.for %parallel_loop3A_58 = %parallel_loop3A to %parallel_loop3A_31 step %parallel_loop3A_32  : i32 {
        %parallel_loop3A_59 = arith.constant 640 : i32
        %parallel_loop3A_60 = arith.muli %add3A_28, %parallel_loop3A_59 : i32
        %parallel_loop3A_61 = arith.constant 16 : i32
        %parallel_loop3A_62 = arith.muli %parallel_loop3A_58, %parallel_loop3A_61 : i32
        %parallel_loop3A_63 = arith.addi %parallel_loop3A_60, %parallel_loop3A_62 : i32
        %parallel_loop3A_64 = arith.index_cast %parallel_loop3A_63 : i32 to index
        %parallel_loop3A_65 = tpu.vector_load %arg5[%parallel_loop3A_64] {strides = array<i32>} : memref<25600xi32, #tpu.memory_space<vmem>>, vector<16xi32>,
        %parallel_loop3A_66 = arith.constant 640 : i32
        %parallel_loop3A_67 = arith.muli %parallel_loop3A_58, %parallel_loop3A_66 : i32
        %parallel_loop3A_68 = vector.extract_strided_slice %parallel_loop3A_65 {offsets = [0], sizes = [1], strides = [1]} : vector<16xi32> to vector<1xi32>
        %parallel_loop3A_69 = vector.extract %parallel_loop3A_68[0] : i32 from vector<1xi32>
        %parallel_loop3A_70 = arith.constant 0 : i32
        %parallel_loop3A_71 = arith.addi %parallel_loop3A_67, %parallel_loop3A_70 : i32
        %parallel_loop3A_72 = arith.index_cast %parallel_loop3A_69 : i32 to index
        %parallel_loop3A_73 = arith.constant 0 : index
        %parallel_loop3A_74 = tpu.vector_load %arg6[%parallel_loop3A_72, %parallel_loop3A_73] {strides = array<i32>} : memref<20x48xf32, #tpu.memory_space<vmem>>, vector<16xf32>,
        %parallel_loop3A_75 = arith.constant 0 : i32
        %parallel_loop3A_76 = arith.addi %parallel_loop3A_71, %parallel_loop3A_75 : i32
        %parallel_loop3A_77 = arith.index_cast %parallel_loop3A_76 : i32 to index
        %parallel_loop3A_78 = tpu.vector_load %arg7[%parallel_loop3A_77] {strides = array<i32>} : memref<25600xf32, #tpu.memory_space<vmem>>, vector<16xf32>,
        tpu.vector_store %arg7[%parallel_loop3A_77], %parallel_loop3A_74 {strides = array<i32>} : memref<25600xf32, #tpu.memory_space<vmem>>, vector<16xf32>,
        %parallel_loop3A_79 = arith.index_cast %parallel_loop3A_69 : i32 to index
        %parallel_loop3A_80 = arith.constant 16 : index
        %parallel_loop3A_81 = tpu.vector_load %arg6[%parallel_loop3A_79, %parallel_loop3A_80] {strides = array<i32>} : memref<20x48xf32, #tpu.memory_space<vmem>>, vector<16xf32>,
        %parallel_loop3A_82 = arith.constant 16 : i32
        %parallel_loop3A_83 = arith.addi %parallel_loop3A_71, %parallel_loop3A_82 : i32
        %parallel_loop3A_84 = arith.index_cast %parallel_loop3A_83 : i32 to index
        %parallel_loop3A_85 = tpu.vector_load %arg7[%parallel_loop3A_84] {strides = array<i32>} : memref<25600xf32, #tpu.memory_space<vmem>>, vector<16xf32>,
        tpu.vector_store %arg7[%parallel_loop3A_84], %parallel_loop3A_81 {strides = array<i32>} : memref<25600xf32, #tpu.memory_space<vmem>>, vector<16xf32>,
        %parallel_loop3A_86 = arith.index_cast %parallel_loop3A_69 : i32 to index
        %parallel_loop3A_87 = arith.constant 32 : index
        %parallel_loop3A_88 = tpu.vector_load %arg6[%parallel_loop3A_86, %parallel_loop3A_87] {strides = array<i32>} : memref<20x48xf32, #tpu.memory_space<vmem>>, vector<16xf32>,
        %parallel_loop3A_89 = arith.constant 32 : i32
        %parallel_loop3A_90 = arith.addi %parallel_loop3A_71, %parallel_loop3A_89 : i32
        %parallel_loop3A_91 = arith.index_cast %parallel_loop3A_90 : i32 to index
        %parallel_loop3A_92 = tpu.vector_load %arg7[%parallel_loop3A_91] {strides = array<i32>} : memref<25600xf32, #tpu.memory_space<vmem>>, vector<16xf32>,
        tpu.vector_store %arg7[%parallel_loop3A_91], %parallel_loop3A_88 {strides = array<i32>} : memref<25600xf32, #tpu.memory_space<vmem>>, vector<16xf32>,
        %parallel_loop3A_93 = vector.extract_strided_slice %parallel_loop3A_65 {offsets = [1], sizes = [1], strides = [1]} : vector<16xi32> to vector<1xi32>
        %parallel_loop3A_94 = vector.extract %parallel_loop3A_93[0] : i32 from vector<1xi32>
        %parallel_loop3A_95 = arith.constant 40 : i32
        %parallel_loop3A_96 = arith.addi %parallel_loop3A_67, %parallel_loop3A_95 : i32
        %parallel_loop3A_97 = arith.index_cast %parallel_loop3A_94 : i32 to index
        %parallel_loop3A_98 = arith.constant 0 : index
        %parallel_loop3A_99 = tpu.vector_load %arg6[%parallel_loop3A_97, %parallel_loop3A_98] {strides = array<i32>} : memref<20x48xf32, #tpu.memory_space<vmem>>, vector<16xf32>,
        %parallel_loop3A_100 = arith.constant 0 : i32
        %parallel_loop3A_101 = arith.addi %parallel_loop3A_96, %parallel_loop3A_100 : i32
        %parallel_loop3A_102 = arith.index_cast %parallel_loop3A_101 : i32 to index
        %parallel_loop3A_103 = tpu.vector_load %arg7[%parallel_loop3A_102] {strides = array<i32>} : memref<25600xf32, #tpu.memory_space<vmem>>, vector<16xf32>,
        tpu.vector_store %arg7[%parallel_loop3A_102], %parallel_loop3A_99 {strides = array<i32>} : memref<25600xf32, #tpu.memory_space<vmem>>, vector<16xf32>,
        %parallel_loop3A_104 = arith.index_cast %parallel_loop3A_94 : i32 to index
        %parallel_loop3A_105 = arith.constant 16 : index
        %parallel_loop3A_106 = tpu.vector_load %arg6[%parallel_loop3A_104, %parallel_loop3A_105] {strides = array<i32>} : memref<20x48xf32, #tpu.memory_space<vmem>>, vector<16xf32>,
        %parallel_loop3A_107 = arith.constant 16 : i32
        %parallel_loop3A_108 = arith.addi %parallel_loop3A_96, %parallel_loop3A_107 : i32
        %parallel_loop3A_109 = arith.index_cast %parallel_loop3A_108 : i32 to index
        %parallel_loop3A_110 = tpu.vector_load %arg7[%parallel_loop3A_109] {strides = array<i32>} : memref<25600xf32, #tpu.memory_space<vmem>>, vector<16xf32>,
        tpu.vector_store %arg7[%parallel_loop3A_109], %parallel_loop3A_106 {strides = array<i32>} : memref<25600xf32, #tpu.memory_space<vmem>>, vector<16xf32>,
        %parallel_loop3A_111 = arith.index_cast %parallel_loop3A_94 : i32 to index
        %parallel_loop3A_112 = arith.constant 32 : index
        %parallel_loop3A_113 = tpu.vector_load %arg6[%parallel_loop3A_111, %parallel_loop3A_112] {strides = array<i32>} : memref<20x48xf32, #tpu.memory_space<vmem>>, vector<16xf32>,
        %parallel_loop3A_114 = arith.constant 32 : i32
        %parallel_loop3A_115 = arith.addi %parallel_loop3A_96, %parallel_loop3A_114 : i32
        %parallel_loop3A_116 = arith.index_cast %parallel_loop3A_115 : i32 to index
        %parallel_loop3A_117 = tpu.vector_load %arg7[%parallel_loop3A_116] {strides = array<i32>} : memref<25600xf32, #tpu.memory_space<vmem>>, vector<16xf32>,
        tpu.vector_store %arg7[%parallel_loop3A_116], %parallel_loop3A_113 {strides = array<i32>} : memref<25600xf32, #tpu.memory_space<vmem>>, vector<16xf32>,
        %parallel_loop3A_118 = vector.extract_strided_slice %parallel_loop3A_65 {offsets = [2], sizes = [1], strides = [1]} : vector<16xi32> to vector<1xi32>
        %parallel_loop3A_119 = vector.extract %parallel_loop3A_118[0] : i32 from vector<1xi32>
        %parallel_loop3A_120 = arith.constant 80 : i32
        %parallel_loop3A_121 = arith.addi %parallel_loop3A_67, %parallel_loop3A_120 : i32
        %parallel_loop3A_122 = arith.index_cast %parallel_loop3A_119 : i32 to index
        %parallel_loop3A_123 = arith.constant 0 : index
        %parallel_loop3A_124 = tpu.vector_load %arg6[%parallel_loop3A_122, %parallel_loop3A_123] {strides = array<i32>} : memref<20x48xf32, #tpu.memory_space<vmem>>, vector<16xf32>,
        %parallel_loop3A_125 = arith.constant 0 : i32
        %parallel_loop3A_126 = arith.addi %parallel_loop3A_121, %parallel_loop3A_125 : i32
        %parallel_loop3A_127 = arith.index_cast %parallel_loop3A_126 : i32 to index
        %parallel_loop3A_128 = tpu.vector_load %arg7[%parallel_loop3A_127] {strides = array<i32>} : memref<25600xf32, #tpu.memory_space<vmem>>, vector<16xf32>,
        tpu.vector_store %arg7[%parallel_loop3A_127], %parallel_loop3A_124 {strides = array<i32>} : memref<25600xf32, #tpu.memory_space<vmem>>, vector<16xf32>,
        %parallel_loop3A_129 = arith.index_cast %parallel_loop3A_119 : i32 to index
        %parallel_loop3A_130 = arith.constant 16 : index
        %parallel_loop3A_131 = tpu.vector_load %arg6[%parallel_loop3A_129, %parallel_loop3A_130] {strides = array<i32>} : memref<20x48xf32, #tpu.memory_space<vmem>>, vector<16xf32>,
        %parallel_loop3A_132 = arith.constant 16 : i32
        %parallel_loop3A_133 = arith.addi %parallel_loop3A_121, %parallel_loop3A_132 : i32
        %parallel_loop3A_134 = arith.index_cast %parallel_loop3A_133 : i32 to index
        %parallel_loop3A_135 = tpu.vector_load %arg7[%parallel_loop3A_134] {strides = array<i32>} : memref<25600xf32, #tpu.memory_space<vmem>>, vector<16xf32>,
        tpu.vector_store %arg7[%parallel_loop3A_134], %parallel_loop3A_131 {strides = array<i32>} : memref<25600xf32, #tpu.memory_space<vmem>>, vector<16xf32>,
        %parallel_loop3A_136 = arith.index_cast %parallel_loop3A_119 : i32 to index
        %parallel_loop3A_137 = arith.constant 32 : index
        %parallel_loop3A_138 = tpu.vector_load %arg6[%parallel_loop3A_136, %parallel_loop3A_137] {strides = array<i32>} : memref<20x48xf32, #tpu.memory_space<vmem>>, vector<16xf32>,
        %parallel_loop3A_139 = arith.constant 32 : i32
        %parallel_loop3A_140 = arith.addi %parallel_loop3A_121, %parallel_loop3A_139 : i32
        %parallel_loop3A_141 = arith.index_cast %parallel_loop3A_140 : i32 to index
        %parallel_loop3A_142 = tpu.vector_load %arg7[%parallel_loop3A_141] {strides = array<i32>} : memref<25600xf32, #tpu.memory_space<vmem>>, vector<16xf32>,
        tpu.vector_store %arg7[%parallel_loop3A_141], %parallel_loop3A_138 {strides = array<i32>} : memref<25600xf32, #tpu.memory_space<vmem>>, vector<16xf32>,
        %parallel_loop3A_143 = vector.extract_strided_slice %parallel_loop3A_65 {offsets = [3], sizes = [1], strides = [1]} : vector<16xi32> to vector<1xi32>
        %parallel_loop3A_144 = vector.extract %parallel_loop3A_143[0] : i32 from vector<1xi32>
        %parallel_loop3A_145 = arith.constant 120 : i32
        %parallel_loop3A_146 = arith.addi %parallel_loop3A_67, %parallel_loop3A_145 : i32
        %parallel_loop3A_147 = arith.index_cast %parallel_loop3A_144 : i32 to index
        %parallel_loop3A_148 = arith.constant 0 : index
        %parallel_loop3A_149 = tpu.vector_load %arg6[%parallel_loop3A_147, %parallel_loop3A_148] {strides = array<i32>} : memref<20x48xf32, #tpu.memory_space<vmem>>, vector<16xf32>,
        %parallel_loop3A_150 = arith.constant 0 : i32
        %parallel_loop3A_151 = arith.addi %parallel_loop3A_146, %parallel_loop3A_150 : i32
        %parallel_loop3A_152 = arith.index_cast %parallel_loop3A_151 : i32 to index
        %parallel_loop3A_153 = tpu.vector_load %arg7[%parallel_loop3A_152] {strides = array<i32>} : memref<25600xf32, #tpu.memory_space<vmem>>, vector<16xf32>,
        tpu.vector_store %arg7[%parallel_loop3A_152], %parallel_loop3A_149 {strides = array<i32>} : memref<25600xf32, #tpu.memory_space<vmem>>, vector<16xf32>,
        %parallel_loop3A_154 = arith.index_cast %parallel_loop3A_144 : i32 to index
        %parallel_loop3A_155 = arith.constant 16 : index
        %parallel_loop3A_156 = tpu.vector_load %arg6[%parallel_loop3A_154, %parallel_loop3A_155] {strides = array<i32>} : memref<20x48xf32, #tpu.memory_space<vmem>>, vector<16xf32>,
        %parallel_loop3A_157 = arith.constant 16 : i32
        %parallel_loop3A_158 = arith.addi %parallel_loop3A_146, %parallel_loop3A_157 : i32
        %parallel_loop3A_159 = arith.index_cast %parallel_loop3A_158 : i32 to index
        %parallel_loop3A_160 = tpu.vector_load %arg7[%parallel_loop3A_159] {strides = array<i32>} : memref<25600xf32, #tpu.memory_space<vmem>>, vector<16xf32>,
        tpu.vector_store %arg7[%parallel_loop3A_159], %parallel_loop3A_156 {strides = array<i32>} : memref<25600xf32, #tpu.memory_space<vmem>>, vector<16xf32>,
        %parallel_loop3A_161 = arith.index_cast %parallel_loop3A_144 : i32 to index
        %parallel_loop3A_162 = arith.constant 32 : index
        %parallel_loop3A_163 = tpu.vector_load %arg6[%parallel_loop3A_161, %parallel_loop3A_162] {strides = array<i32>} : memref<20x48xf32, #tpu.memory_space<vmem>>, vector<16xf32>,
        %parallel_loop3A_164 = arith.constant 32 : i32
        %parallel_loop3A_165 = arith.addi %parallel_loop3A_146, %parallel_loop3A_164 : i32
        %parallel_loop3A_166 = arith.index_cast %parallel_loop3A_165 : i32 to index
        %parallel_loop3A_167 = tpu.vector_load %arg7[%parallel_loop3A_166] {strides = array<i32>} : memref<25600xf32, #tpu.memory_space<vmem>>, vector<16xf32>,
        tpu.vector_store %arg7[%parallel_loop3A_166], %parallel_loop3A_163 {strides = array<i32>} : memref<25600xf32, #tpu.memory_space<vmem>>, vector<16xf32>,
        %parallel_loop3A_168 = vector.extract_strided_slice %parallel_loop3A_65 {offsets = [4], sizes = [1], strides = [1]} : vector<16xi32> to vector<1xi32>
        %parallel_loop3A_169 = vector.extract %parallel_loop3A_168[0] : i32 from vector<1xi32>
        %parallel_loop3A_170 = arith.constant 160 : i32
        %parallel_loop3A_171 = arith.addi %parallel_loop3A_67, %parallel_loop3A_170 : i32
        %parallel_loop3A_172 = arith.index_cast %parallel_loop3A_169 : i32 to index
        %parallel_loop3A_173 = arith.constant 0 : index
        %parallel_loop3A_174 = tpu.vector_load %arg6[%parallel_loop3A_172, %parallel_loop3A_173] {strides = array<i32>} : memref<20x48xf32, #tpu.memory_space<vmem>>, vector<16xf32>,
        %parallel_loop3A_175 = arith.constant 0 : i32
        %parallel_loop3A_176 = arith.addi %parallel_loop3A_171, %parallel_loop3A_175 : i32
        %parallel_loop3A_177 = arith.index_cast %parallel_loop3A_176 : i32 to index
        %parallel_loop3A_178 = tpu.vector_load %arg7[%parallel_loop3A_177] {strides = array<i32>} : memref<25600xf32, #tpu.memory_space<vmem>>, vector<16xf32>,
        tpu.vector_store %arg7[%parallel_loop3A_177], %parallel_loop3A_174 {strides = array<i32>} : memref<25600xf32, #tpu.memory_space<vmem>>, vector<16xf32>,
        %parallel_loop3A_179 = arith.index_cast %parallel_loop3A_169 : i32 to index
        %parallel_loop3A_180 = arith.constant 16 : index
        %parallel_loop3A_181 = tpu.vector_load %arg6[%parallel_loop3A_179, %parallel_loop3A_180] {strides = array<i32>} : memref<20x48xf32, #tpu.memory_space<vmem>>, vector<16xf32>,
        %parallel_loop3A_182 = arith.constant 16 : i32
        %parallel_loop3A_183 = arith.addi %parallel_loop3A_171, %parallel_loop3A_182 : i32
        %parallel_loop3A_184 = arith.index_cast %parallel_loop3A_183 : i32 to index
        %parallel_loop3A_185 = tpu.vector_load %arg7[%parallel_loop3A_184] {strides = array<i32>} : memref<25600xf32, #tpu.memory_space<vmem>>, vector<16xf32>,
        tpu.vector_store %arg7[%parallel_loop3A_184], %parallel_loop3A_181 {strides = array<i32>} : memref<25600xf32, #tpu.memory_space<vmem>>, vector<16xf32>,
        %parallel_loop3A_186 = arith.index_cast %parallel_loop3A_169 : i32 to index
        %parallel_loop3A_187 = arith.constant 32 : index
        %parallel_loop3A_188 = tpu.vector_load %arg6[%parallel_loop3A_186, %parallel_loop3A_187] {strides = array<i32>} : memref<20x48xf32, #tpu.memory_space<vmem>>, vector<16xf32>,
        %parallel_loop3A_189 = arith.constant 32 : i32
        %parallel_loop3A_190 = arith.addi %parallel_loop3A_171, %parallel_loop3A_189 : i32
        %parallel_loop3A_191 = arith.index_cast %parallel_loop3A_190 : i32 to index
        %parallel_loop3A_192 = tpu.vector_load %arg7[%parallel_loop3A_191] {strides = array<i32>} : memref<25600xf32, #tpu.memory_space<vmem>>, vector<16xf32>,
        tpu.vector_store %arg7[%parallel_loop3A_191], %parallel_loop3A_188 {strides = array<i32>} : memref<25600xf32, #tpu.memory_space<vmem>>, vector<16xf32>,
        %parallel_loop3A_193 = vector.extract_strided_slice %parallel_loop3A_65 {offsets = [5], sizes = [1], strides = [1]} : vector<16xi32> to vector<1xi32>
        %parallel_loop3A_194 = vector.extract %parallel_loop3A_193[0] : i32 from vector<1xi32>
        %parallel_loop3A_195 = arith.constant 200 : i32
        %parallel_loop3A_196 = arith.addi %parallel_loop3A_67, %parallel_loop3A_195 : i32
        %parallel_loop3A_197 = arith.index_cast %parallel_loop3A_194 : i32 to index
        %parallel_loop3A_198 = arith.constant 0 : index
        %parallel_loop3A_199 = tpu.vector_load %arg6[%parallel_loop3A_197, %parallel_loop3A_198] {strides = array<i32>} : memref<20x48xf32, #tpu.memory_space<vmem>>, vector<16xf32>,
        %parallel_loop3A_200 = arith.constant 0 : i32
        %parallel_loop3A_201 = arith.addi %parallel_loop3A_196, %parallel_loop3A_200 : i32
        %parallel_loop3A_202 = arith.index_cast %parallel_loop3A_201 : i32 to index
        %parallel_loop3A_203 = tpu.vector_load %arg7[%parallel_loop3A_202] {strides = array<i32>} : memref<25600xf32, #tpu.memory_space<vmem>>, vector<16xf32>,
        tpu.vector_store %arg7[%parallel_loop3A_202], %parallel_loop3A_199 {strides = array<i32>} : memref<25600xf32, #tpu.memory_space<vmem>>, vector<16xf32>,
        %parallel_loop3A_204 = arith.index_cast %parallel_loop3A_194 : i32 to index
        %parallel_loop3A_205 = arith.constant 16 : index
        %parallel_loop3A_206 = tpu.vector_load %arg6[%parallel_loop3A_204, %parallel_loop3A_205] {strides = array<i32>} : memref<20x48xf32, #tpu.memory_space<vmem>>, vector<16xf32>,
        %parallel_loop3A_207 = arith.constant 16 : i32
        %parallel_loop3A_208 = arith.addi %parallel_loop3A_196, %parallel_loop3A_207 : i32
        %parallel_loop3A_209 = arith.index_cast %parallel_loop3A_208 : i32 to index
        %parallel_loop3A_210 = tpu.vector_load %arg7[%parallel_loop3A_209] {strides = array<i32>} : memref<25600xf32, #tpu.memory_space<vmem>>, vector<16xf32>,
        tpu.vector_store %arg7[%parallel_loop3A_209], %parallel_loop3A_206 {strides = array<i32>} : memref<25600xf32, #tpu.memory_space<vmem>>, vector<16xf32>,
        %parallel_loop3A_211 = arith.index_cast %parallel_loop3A_194 : i32 to index
        %parallel_loop3A_212 = arith.constant 32 : index
        %parallel_loop3A_213 = tpu.vector_load %arg6[%parallel_loop3A_211, %parallel_loop3A_212] {strides = array<i32>} : memref<20x48xf32, #tpu.memory_space<vmem>>, vector<16xf32>,
        %parallel_loop3A_214 = arith.constant 32 : i32
        %parallel_loop3A_215 = arith.addi %parallel_loop3A_196, %parallel_loop3A_214 : i32
        %parallel_loop3A_216 = arith.index_cast %parallel_loop3A_215 : i32 to index
        %parallel_loop3A_217 = tpu.vector_load %arg7[%parallel_loop3A_216] {strides = array<i32>} : memref<25600xf32, #tpu.memory_space<vmem>>, vector<16xf32>,
        tpu.vector_store %arg7[%parallel_loop3A_216], %parallel_loop3A_213 {strides = array<i32>} : memref<25600xf32, #tpu.memory_space<vmem>>, vector<16xf32>,
        %parallel_loop3A_218 = vector.extract_strided_slice %parallel_loop3A_65 {offsets = [6], sizes = [1], strides = [1]} : vector<16xi32> to vector<1xi32>
        %parallel_loop3A_219 = vector.extract %parallel_loop3A_218[0] : i32 from vector<1xi32>
        %parallel_loop3A_220 = arith.constant 240 : i32
        %parallel_loop3A_221 = arith.addi %parallel_loop3A_67, %parallel_loop3A_220 : i32
        %parallel_loop3A_222 = arith.index_cast %parallel_loop3A_219 : i32 to index
        %parallel_loop3A_223 = arith.constant 0 : index
        %parallel_loop3A_224 = tpu.vector_load %arg6[%parallel_loop3A_222, %parallel_loop3A_223] {strides = array<i32>} : memref<20x48xf32, #tpu.memory_space<vmem>>, vector<16xf32>,
        %parallel_loop3A_225 = arith.constant 0 : i32
        %parallel_loop3A_226 = arith.addi %parallel_loop3A_221, %parallel_loop3A_225 : i32
        %parallel_loop3A_227 = arith.index_cast %parallel_loop3A_226 : i32 to index
        %parallel_loop3A_228 = tpu.vector_load %arg7[%parallel_loop3A_227] {strides = array<i32>} : memref<25600xf32, #tpu.memory_space<vmem>>, vector<16xf32>,
        tpu.vector_store %arg7[%parallel_loop3A_227], %parallel_loop3A_224 {strides = array<i32>} : memref<25600xf32, #tpu.memory_space<vmem>>, vector<16xf32>,
        %parallel_loop3A_229 = arith.index_cast %parallel_loop3A_219 : i32 to index
        %parallel_loop3A_230 = arith.constant 16 : index
        %parallel_loop3A_231 = tpu.vector_load %arg6[%parallel_loop3A_229, %parallel_loop3A_230] {strides = array<i32>} : memref<20x48xf32, #tpu.memory_space<vmem>>, vector<16xf32>,
        %parallel_loop3A_232 = arith.constant 16 : i32
        %parallel_loop3A_233 = arith.addi %parallel_loop3A_221, %parallel_loop3A_232 : i32
        %parallel_loop3A_234 = arith.index_cast %parallel_loop3A_233 : i32 to index
        %parallel_loop3A_235 = tpu.vector_load %arg7[%parallel_loop3A_234] {strides = array<i32>} : memref<25600xf32, #tpu.memory_space<vmem>>, vector<16xf32>,
        tpu.vector_store %arg7[%parallel_loop3A_234], %parallel_loop3A_231 {strides = array<i32>} : memref<25600xf32, #tpu.memory_space<vmem>>, vector<16xf32>,
        %parallel_loop3A_236 = arith.index_cast %parallel_loop3A_219 : i32 to index
        %parallel_loop3A_237 = arith.constant 32 : index
        %parallel_loop3A_238 = tpu.vector_load %arg6[%parallel_loop3A_236, %parallel_loop3A_237] {strides = array<i32>} : memref<20x48xf32, #tpu.memory_space<vmem>>, vector<16xf32>,
        %parallel_loop3A_239 = arith.constant 32 : i32
        %parallel_loop3A_240 = arith.addi %parallel_loop3A_221, %parallel_loop3A_239 : i32
        %parallel_loop3A_241 = arith.index_cast %parallel_loop3A_240 : i32 to index
        %parallel_loop3A_242 = tpu.vector_load %arg7[%parallel_loop3A_241] {strides = array<i32>} : memref<25600xf32, #tpu.memory_space<vmem>>, vector<16xf32>,
        tpu.vector_store %arg7[%parallel_loop3A_241], %parallel_loop3A_238 {strides = array<i32>} : memref<25600xf32, #tpu.memory_space<vmem>>, vector<16xf32>,
        %parallel_loop3A_243 = vector.extract_strided_slice %parallel_loop3A_65 {offsets = [7], sizes = [1], strides = [1]} : vector<16xi32> to vector<1xi32>
        %parallel_loop3A_244 = vector.extract %parallel_loop3A_243[0] : i32 from vector<1xi32>
        %parallel_loop3A_245 = arith.constant 280 : i32
        %parallel_loop3A_246 = arith.addi %parallel_loop3A_67, %parallel_loop3A_245 : i32
        %parallel_loop3A_247 = arith.index_cast %parallel_loop3A_244 : i32 to index
        %parallel_loop3A_248 = arith.constant 0 : index
        %parallel_loop3A_249 = tpu.vector_load %arg6[%parallel_loop3A_247, %parallel_loop3A_248] {strides = array<i32>} : memref<20x48xf32, #tpu.memory_space<vmem>>, vector<16xf32>,
        %parallel_loop3A_250 = arith.constant 0 : i32
        %parallel_loop3A_251 = arith.addi %parallel_loop3A_246, %parallel_loop3A_250 : i32
        %parallel_loop3A_252 = arith.index_cast %parallel_loop3A_251 : i32 to index
        %parallel_loop3A_253 = tpu.vector_load %arg7[%parallel_loop3A_252] {strides = array<i32>} : memref<25600xf32, #tpu.memory_space<vmem>>, vector<16xf32>,
        tpu.vector_store %arg7[%parallel_loop3A_252], %parallel_loop3A_249 {strides = array<i32>} : memref<25600xf32, #tpu.memory_space<vmem>>, vector<16xf32>,
        %parallel_loop3A_254 = arith.index_cast %parallel_loop3A_244 : i32 to index
        %parallel_loop3A_255 = arith.constant 16 : index
        %parallel_loop3A_256 = tpu.vector_load %arg6[%parallel_loop3A_254, %parallel_loop3A_255] {strides = array<i32>} : memref<20x48xf32, #tpu.memory_space<vmem>>, vector<16xf32>,
        %parallel_loop3A_257 = arith.constant 16 : i32
        %parallel_loop3A_258 = arith.addi %parallel_loop3A_246, %parallel_loop3A_257 : i32
        %parallel_loop3A_259 = arith.index_cast %parallel_loop3A_258 : i32 to index
        %parallel_loop3A_260 = tpu.vector_load %arg7[%parallel_loop3A_259] {strides = array<i32>} : memref<25600xf32, #tpu.memory_space<vmem>>, vector<16xf32>,
        tpu.vector_store %arg7[%parallel_loop3A_259], %parallel_loop3A_256 {strides = array<i32>} : memref<25600xf32, #tpu.memory_space<vmem>>, vector<16xf32>,
        %parallel_loop3A_261 = arith.index_cast %parallel_loop3A_244 : i32 to index
        %parallel_loop3A_262 = arith.constant 32 : index
        %parallel_loop3A_263 = tpu.vector_load %arg6[%parallel_loop3A_261, %parallel_loop3A_262] {strides = array<i32>} : memref<20x48xf32, #tpu.memory_space<vmem>>, vector<16xf32>,
        %parallel_loop3A_264 = arith.constant 32 : i32
        %parallel_loop3A_265 = arith.addi %parallel_loop3A_246, %parallel_loop3A_264 : i32
        %parallel_loop3A_266 = arith.index_cast %parallel_loop3A_265 : i32 to index
        %parallel_loop3A_267 = tpu.vector_load %arg7[%parallel_loop3A_266] {strides = array<i32>} : memref<25600xf32, #tpu.memory_space<vmem>>, vector<16xf32>,
        tpu.vector_store %arg7[%parallel_loop3A_266], %parallel_loop3A_263 {strides = array<i32>} : memref<25600xf32, #tpu.memory_space<vmem>>, vector<16xf32>,
        %parallel_loop3A_268 = vector.extract_strided_slice %parallel_loop3A_65 {offsets = [8], sizes = [1], strides = [1]} : vector<16xi32> to vector<1xi32>
        %parallel_loop3A_269 = vector.extract %parallel_loop3A_268[0] : i32 from vector<1xi32>
        %parallel_loop3A_270 = arith.constant 320 : i32
        %parallel_loop3A_271 = arith.addi %parallel_loop3A_67, %parallel_loop3A_270 : i32
        %parallel_loop3A_272 = arith.index_cast %parallel_loop3A_269 : i32 to index
        %parallel_loop3A_273 = arith.constant 0 : index
        %parallel_loop3A_274 = tpu.vector_load %arg6[%parallel_loop3A_272, %parallel_loop3A_273] {strides = array<i32>} : memref<20x48xf32, #tpu.memory_space<vmem>>, vector<16xf32>,
        %parallel_loop3A_275 = arith.constant 0 : i32
        %parallel_loop3A_276 = arith.addi %parallel_loop3A_271, %parallel_loop3A_275 : i32
        %parallel_loop3A_277 = arith.index_cast %parallel_loop3A_276 : i32 to index
        %parallel_loop3A_278 = tpu.vector_load %arg7[%parallel_loop3A_277] {strides = array<i32>} : memref<25600xf32, #tpu.memory_space<vmem>>, vector<16xf32>,
        tpu.vector_store %arg7[%parallel_loop3A_277], %parallel_loop3A_274 {strides = array<i32>} : memref<25600xf32, #tpu.memory_space<vmem>>, vector<16xf32>,
        %parallel_loop3A_279 = arith.index_cast %parallel_loop3A_269 : i32 to index
        %parallel_loop3A_280 = arith.constant 16 : index
        %parallel_loop3A_281 = tpu.vector_load %arg6[%parallel_loop3A_279, %parallel_loop3A_280] {strides = array<i32>} : memref<20x48xf32, #tpu.memory_space<vmem>>, vector<16xf32>,
        %parallel_loop3A_282 = arith.constant 16 : i32
        %parallel_loop3A_283 = arith.addi %parallel_loop3A_271, %parallel_loop3A_282 : i32
        %parallel_loop3A_284 = arith.index_cast %parallel_loop3A_283 : i32 to index
        %parallel_loop3A_285 = tpu.vector_load %arg7[%parallel_loop3A_284] {strides = array<i32>} : memref<25600xf32, #tpu.memory_space<vmem>>, vector<16xf32>,
        tpu.vector_store %arg7[%parallel_loop3A_284], %parallel_loop3A_281 {strides = array<i32>} : memref<25600xf32, #tpu.memory_space<vmem>>, vector<16xf32>,
        %parallel_loop3A_286 = arith.index_cast %parallel_loop3A_269 : i32 to index
        %parallel_loop3A_287 = arith.constant 32 : index
        %parallel_loop3A_288 = tpu.vector_load %arg6[%parallel_loop3A_286, %parallel_loop3A_287] {strides = array<i32>} : memref<20x48xf32, #tpu.memory_space<vmem>>, vector<16xf32>,
        %parallel_loop3A_289 = arith.constant 32 : i32
        %parallel_loop3A_290 = arith.addi %parallel_loop3A_271, %parallel_loop3A_289 : i32
        %parallel_loop3A_291 = arith.index_cast %parallel_loop3A_290 : i32 to index
        %parallel_loop3A_292 = tpu.vector_load %arg7[%parallel_loop3A_291] {strides = array<i32>} : memref<25600xf32, #tpu.memory_space<vmem>>, vector<16xf32>,
        tpu.vector_store %arg7[%parallel_loop3A_291], %parallel_loop3A_288 {strides = array<i32>} : memref<25600xf32, #tpu.memory_space<vmem>>, vector<16xf32>,
        %parallel_loop3A_293 = vector.extract_strided_slice %parallel_loop3A_65 {offsets = [9], sizes = [1], strides = [1]} : vector<16xi32> to vector<1xi32>
        %parallel_loop3A_294 = vector.extract %parallel_loop3A_293[0] : i32 from vector<1xi32>
        %parallel_loop3A_295 = arith.constant 360 : i32
        %parallel_loop3A_296 = arith.addi %parallel_loop3A_67, %parallel_loop3A_295 : i32
        %parallel_loop3A_297 = arith.index_cast %parallel_loop3A_294 : i32 to index
        %parallel_loop3A_298 = arith.constant 0 : index
        %parallel_loop3A_299 = tpu.vector_load %arg6[%parallel_loop3A_297, %parallel_loop3A_298] {strides = array<i32>} : memref<20x48xf32, #tpu.memory_space<vmem>>, vector<16xf32>,
        %parallel_loop3A_300 = arith.constant 0 : i32
        %parallel_loop3A_301 = arith.addi %parallel_loop3A_296, %parallel_loop3A_300 : i32
        %parallel_loop3A_302 = arith.index_cast %parallel_loop3A_301 : i32 to index
        %parallel_loop3A_303 = tpu.vector_load %arg7[%parallel_loop3A_302] {strides = array<i32>} : memref<25600xf32, #tpu.memory_space<vmem>>, vector<16xf32>,
        tpu.vector_store %arg7[%parallel_loop3A_302], %parallel_loop3A_299 {strides = array<i32>} : memref<25600xf32, #tpu.memory_space<vmem>>, vector<16xf32>,
        %parallel_loop3A_304 = arith.index_cast %parallel_loop3A_294 : i32 to index
        %parallel_loop3A_305 = arith.constant 16 : index
        %parallel_loop3A_306 = tpu.vector_load %arg6[%parallel_loop3A_304, %parallel_loop3A_305] {strides = array<i32>} : memref<20x48xf32, #tpu.memory_space<vmem>>, vector<16xf32>,
        %parallel_loop3A_307 = arith.constant 16 : i32
        %parallel_loop3A_308 = arith.addi %parallel_loop3A_296, %parallel_loop3A_307 : i32
        %parallel_loop3A_309 = arith.index_cast %parallel_loop3A_308 : i32 to index
        %parallel_loop3A_310 = tpu.vector_load %arg7[%parallel_loop3A_309] {strides = array<i32>} : memref<25600xf32, #tpu.memory_space<vmem>>, vector<16xf32>,
        tpu.vector_store %arg7[%parallel_loop3A_309], %parallel_loop3A_306 {strides = array<i32>} : memref<25600xf32, #tpu.memory_space<vmem>>, vector<16xf32>,
        %parallel_loop3A_311 = arith.index_cast %parallel_loop3A_294 : i32 to index
        %parallel_loop3A_312 = arith.constant 32 : index
        %parallel_loop3A_313 = tpu.vector_load %arg6[%parallel_loop3A_311, %parallel_loop3A_312] {strides = array<i32>} : memref<20x48xf32, #tpu.memory_space<vmem>>, vector<16xf32>,
        %parallel_loop3A_314 = arith.constant 32 : i32
        %parallel_loop3A_315 = arith.addi %parallel_loop3A_296, %parallel_loop3A_314 : i32
        %parallel_loop3A_316 = arith.index_cast %parallel_loop3A_315 : i32 to index
        %parallel_loop3A_317 = tpu.vector_load %arg7[%parallel_loop3A_316] {strides = array<i32>} : memref<25600xf32, #tpu.memory_space<vmem>>, vector<16xf32>,
        tpu.vector_store %arg7[%parallel_loop3A_316], %parallel_loop3A_313 {strides = array<i32>} : memref<25600xf32, #tpu.memory_space<vmem>>, vector<16xf32>,
        %parallel_loop3A_318 = vector.extract_strided_slice %parallel_loop3A_65 {offsets = [10], sizes = [1], strides = [1]} : vector<16xi32> to vector<1xi32>
        %parallel_loop3A_319 = vector.extract %parallel_loop3A_318[0] : i32 from vector<1xi32>
        %parallel_loop3A_320 = arith.constant 400 : i32
        %parallel_loop3A_321 = arith.addi %parallel_loop3A_67, %parallel_loop3A_320 : i32
        %parallel_loop3A_322 = arith.index_cast %parallel_loop3A_319 : i32 to index
        %parallel_loop3A_323 = arith.constant 0 : index
        %parallel_loop3A_324 = tpu.vector_load %arg6[%parallel_loop3A_322, %parallel_loop3A_323] {strides = array<i32>} : memref<20x48xf32, #tpu.memory_space<vmem>>, vector<16xf32>,
        %parallel_loop3A_325 = arith.constant 0 : i32
        %parallel_loop3A_326 = arith.addi %parallel_loop3A_321, %parallel_loop3A_325 : i32
        %parallel_loop3A_327 = arith.index_cast %parallel_loop3A_326 : i32 to index
        %parallel_loop3A_328 = tpu.vector_load %arg7[%parallel_loop3A_327] {strides = array<i32>} : memref<25600xf32, #tpu.memory_space<vmem>>, vector<16xf32>,
        tpu.vector_store %arg7[%parallel_loop3A_327], %parallel_loop3A_324 {strides = array<i32>} : memref<25600xf32, #tpu.memory_space<vmem>>, vector<16xf32>,
        %parallel_loop3A_329 = arith.index_cast %parallel_loop3A_319 : i32 to index
        %parallel_loop3A_330 = arith.constant 16 : index
        %parallel_loop3A_331 = tpu.vector_load %arg6[%parallel_loop3A_329, %parallel_loop3A_330] {strides = array<i32>} : memref<20x48xf32, #tpu.memory_space<vmem>>, vector<16xf32>,
        %parallel_loop3A_332 = arith.constant 16 : i32
        %parallel_loop3A_333 = arith.addi %parallel_loop3A_321, %parallel_loop3A_332 : i32
        %parallel_loop3A_334 = arith.index_cast %parallel_loop3A_333 : i32 to index
        %parallel_loop3A_335 = tpu.vector_load %arg7[%parallel_loop3A_334] {strides = array<i32>} : memref<25600xf32, #tpu.memory_space<vmem>>, vector<16xf32>,
        tpu.vector_store %arg7[%parallel_loop3A_334], %parallel_loop3A_331 {strides = array<i32>} : memref<25600xf32, #tpu.memory_space<vmem>>, vector<16xf32>,
        %parallel_loop3A_336 = arith.index_cast %parallel_loop3A_319 : i32 to index
        %parallel_loop3A_337 = arith.constant 32 : index
        %parallel_loop3A_338 = tpu.vector_load %arg6[%parallel_loop3A_336, %parallel_loop3A_337] {strides = array<i32>} : memref<20x48xf32, #tpu.memory_space<vmem>>, vector<16xf32>,
        %parallel_loop3A_339 = arith.constant 32 : i32
        %parallel_loop3A_340 = arith.addi %parallel_loop3A_321, %parallel_loop3A_339 : i32
        %parallel_loop3A_341 = arith.index_cast %parallel_loop3A_340 : i32 to index
        %parallel_loop3A_342 = tpu.vector_load %arg7[%parallel_loop3A_341] {strides = array<i32>} : memref<25600xf32, #tpu.memory_space<vmem>>, vector<16xf32>,
        tpu.vector_store %arg7[%parallel_loop3A_341], %parallel_loop3A_338 {strides = array<i32>} : memref<25600xf32, #tpu.memory_space<vmem>>, vector<16xf32>,
        %parallel_loop3A_343 = vector.extract_strided_slice %parallel_loop3A_65 {offsets = [11], sizes = [1], strides = [1]} : vector<16xi32> to vector<1xi32>
        %parallel_loop3A_344 = vector.extract %parallel_loop3A_343[0] : i32 from vector<1xi32>
        %parallel_loop3A_345 = arith.constant 440 : i32
        %parallel_loop3A_346 = arith.addi %parallel_loop3A_67, %parallel_loop3A_345 : i32
        %parallel_loop3A_347 = arith.index_cast %parallel_loop3A_344 : i32 to index
        %parallel_loop3A_348 = arith.constant 0 : index
        %parallel_loop3A_349 = tpu.vector_load %arg6[%parallel_loop3A_347, %parallel_loop3A_348] {strides = array<i32>} : memref<20x48xf32, #tpu.memory_space<vmem>>, vector<16xf32>,
        %parallel_loop3A_350 = arith.constant 0 : i32
        %parallel_loop3A_351 = arith.addi %parallel_loop3A_346, %parallel_loop3A_350 : i32
        %parallel_loop3A_352 = arith.index_cast %parallel_loop3A_351 : i32 to index
        %parallel_loop3A_353 = tpu.vector_load %arg7[%parallel_loop3A_352] {strides = array<i32>} : memref<25600xf32, #tpu.memory_space<vmem>>, vector<16xf32>,
        tpu.vector_store %arg7[%parallel_loop3A_352], %parallel_loop3A_349 {strides = array<i32>} : memref<25600xf32, #tpu.memory_space<vmem>>, vector<16xf32>,
        %parallel_loop3A_354 = arith.index_cast %parallel_loop3A_344 : i32 to index
        %parallel_loop3A_355 = arith.constant 16 : index
        %parallel_loop3A_356 = tpu.vector_load %arg6[%parallel_loop3A_354, %parallel_loop3A_355] {strides = array<i32>} : memref<20x48xf32, #tpu.memory_space<vmem>>, vector<16xf32>,
        %parallel_loop3A_357 = arith.constant 16 : i32
        %parallel_loop3A_358 = arith.addi %parallel_loop3A_346, %parallel_loop3A_357 : i32
        %parallel_loop3A_359 = arith.index_cast %parallel_loop3A_358 : i32 to index
        %parallel_loop3A_360 = tpu.vector_load %arg7[%parallel_loop3A_359] {strides = array<i32>} : memref<25600xf32, #tpu.memory_space<vmem>>, vector<16xf32>,
        tpu.vector_store %arg7[%parallel_loop3A_359], %parallel_loop3A_356 {strides = array<i32>} : memref<25600xf32, #tpu.memory_space<vmem>>, vector<16xf32>,
        %parallel_loop3A_361 = arith.index_cast %parallel_loop3A_344 : i32 to index
        %parallel_loop3A_362 = arith.constant 32 : index
        %parallel_loop3A_363 = tpu.vector_load %arg6[%parallel_loop3A_361, %parallel_loop3A_362] {strides = array<i32>} : memref<20x48xf32, #tpu.memory_space<vmem>>, vector<16xf32>,
        %parallel_loop3A_364 = arith.constant 32 : i32
        %parallel_loop3A_365 = arith.addi %parallel_loop3A_346, %parallel_loop3A_364 : i32
        %parallel_loop3A_366 = arith.index_cast %parallel_loop3A_365 : i32 to index
        %parallel_loop3A_367 = tpu.vector_load %arg7[%parallel_loop3A_366] {strides = array<i32>} : memref<25600xf32, #tpu.memory_space<vmem>>, vector<16xf32>,
        tpu.vector_store %arg7[%parallel_loop3A_366], %parallel_loop3A_363 {strides = array<i32>} : memref<25600xf32, #tpu.memory_space<vmem>>, vector<16xf32>,
        %parallel_loop3A_368 = vector.extract_strided_slice %parallel_loop3A_65 {offsets = [12], sizes = [1], strides = [1]} : vector<16xi32> to vector<1xi32>
        %parallel_loop3A_369 = vector.extract %parallel_loop3A_368[0] : i32 from vector<1xi32>
        %parallel_loop3A_370 = arith.constant 480 : i32
        %parallel_loop3A_371 = arith.addi %parallel_loop3A_67, %parallel_loop3A_370 : i32
        %parallel_loop3A_372 = arith.index_cast %parallel_loop3A_369 : i32 to index
        %parallel_loop3A_373 = arith.constant 0 : index
        %parallel_loop3A_374 = tpu.vector_load %arg6[%parallel_loop3A_372, %parallel_loop3A_373] {strides = array<i32>} : memref<20x48xf32, #tpu.memory_space<vmem>>, vector<16xf32>,
        %parallel_loop3A_375 = arith.constant 0 : i32
        %parallel_loop3A_376 = arith.addi %parallel_loop3A_371, %parallel_loop3A_375 : i32
        %parallel_loop3A_377 = arith.index_cast %parallel_loop3A_376 : i32 to index
        %parallel_loop3A_378 = tpu.vector_load %arg7[%parallel_loop3A_377] {strides = array<i32>} : memref<25600xf32, #tpu.memory_space<vmem>>, vector<16xf32>,
        tpu.vector_store %arg7[%parallel_loop3A_377], %parallel_loop3A_374 {strides = array<i32>} : memref<25600xf32, #tpu.memory_space<vmem>>, vector<16xf32>,
        %parallel_loop3A_379 = arith.index_cast %parallel_loop3A_369 : i32 to index
        %parallel_loop3A_380 = arith.constant 16 : index
        %parallel_loop3A_381 = tpu.vector_load %arg6[%parallel_loop3A_379, %parallel_loop3A_380] {strides = array<i32>} : memref<20x48xf32, #tpu.memory_space<vmem>>, vector<16xf32>,
        %parallel_loop3A_382 = arith.constant 16 : i32
        %parallel_loop3A_383 = arith.addi %parallel_loop3A_371, %parallel_loop3A_382 : i32
        %parallel_loop3A_384 = arith.index_cast %parallel_loop3A_383 : i32 to index
        %parallel_loop3A_385 = tpu.vector_load %arg7[%parallel_loop3A_384] {strides = array<i32>} : memref<25600xf32, #tpu.memory_space<vmem>>, vector<16xf32>,
        tpu.vector_store %arg7[%parallel_loop3A_384], %parallel_loop3A_381 {strides = array<i32>} : memref<25600xf32, #tpu.memory_space<vmem>>, vector<16xf32>,
        %parallel_loop3A_386 = arith.index_cast %parallel_loop3A_369 : i32 to index
        %parallel_loop3A_387 = arith.constant 32 : index
        %parallel_loop3A_388 = tpu.vector_load %arg6[%parallel_loop3A_386, %parallel_loop3A_387] {strides = array<i32>} : memref<20x48xf32, #tpu.memory_space<vmem>>, vector<16xf32>,
        %parallel_loop3A_389 = arith.constant 32 : i32
        %parallel_loop3A_390 = arith.addi %parallel_loop3A_371, %parallel_loop3A_389 : i32
        %parallel_loop3A_391 = arith.index_cast %parallel_loop3A_390 : i32 to index
        %parallel_loop3A_392 = tpu.vector_load %arg7[%parallel_loop3A_391] {strides = array<i32>} : memref<25600xf32, #tpu.memory_space<vmem>>, vector<16xf32>,
        tpu.vector_store %arg7[%parallel_loop3A_391], %parallel_loop3A_388 {strides = array<i32>} : memref<25600xf32, #tpu.memory_space<vmem>>, vector<16xf32>,
        %parallel_loop3A_393 = vector.extract_strided_slice %parallel_loop3A_65 {offsets = [13], sizes = [1], strides = [1]} : vector<16xi32> to vector<1xi32>
        %parallel_loop3A_394 = vector.extract %parallel_loop3A_393[0] : i32 from vector<1xi32>
        %parallel_loop3A_395 = arith.constant 520 : i32
        %parallel_loop3A_396 = arith.addi %parallel_loop3A_67, %parallel_loop3A_395 : i32
        %parallel_loop3A_397 = arith.index_cast %parallel_loop3A_394 : i32 to index
        %parallel_loop3A_398 = arith.constant 0 : index
        %parallel_loop3A_399 = tpu.vector_load %arg6[%parallel_loop3A_397, %parallel_loop3A_398] {strides = array<i32>} : memref<20x48xf32, #tpu.memory_space<vmem>>, vector<16xf32>,
        %parallel_loop3A_400 = arith.constant 0 : i32
        %parallel_loop3A_401 = arith.addi %parallel_loop3A_396, %parallel_loop3A_400 : i32
        %parallel_loop3A_402 = arith.index_cast %parallel_loop3A_401 : i32 to index
        %parallel_loop3A_403 = tpu.vector_load %arg7[%parallel_loop3A_402] {strides = array<i32>} : memref<25600xf32, #tpu.memory_space<vmem>>, vector<16xf32>,
        tpu.vector_store %arg7[%parallel_loop3A_402], %parallel_loop3A_399 {strides = array<i32>} : memref<25600xf32, #tpu.memory_space<vmem>>, vector<16xf32>,
        %parallel_loop3A_404 = arith.index_cast %parallel_loop3A_394 : i32 to index
        %parallel_loop3A_405 = arith.constant 16 : index
        %parallel_loop3A_406 = tpu.vector_load %arg6[%parallel_loop3A_404, %parallel_loop3A_405] {strides = array<i32>} : memref<20x48xf32, #tpu.memory_space<vmem>>, vector<16xf32>,
        %parallel_loop3A_407 = arith.constant 16 : i32
        %parallel_loop3A_408 = arith.addi %parallel_loop3A_396, %parallel_loop3A_407 : i32
        %parallel_loop3A_409 = arith.index_cast %parallel_loop3A_408 : i32 to index
        %parallel_loop3A_410 = tpu.vector_load %arg7[%parallel_loop3A_409] {strides = array<i32>} : memref<25600xf32, #tpu.memory_space<vmem>>, vector<16xf32>,
        tpu.vector_store %arg7[%parallel_loop3A_409], %parallel_loop3A_406 {strides = array<i32>} : memref<25600xf32, #tpu.memory_space<vmem>>, vector<16xf32>,
        %parallel_loop3A_411 = arith.index_cast %parallel_loop3A_394 : i32 to index
        %parallel_loop3A_412 = arith.constant 32 : index
        %parallel_loop3A_413 = tpu.vector_load %arg6[%parallel_loop3A_411, %parallel_loop3A_412] {strides = array<i32>} : memref<20x48xf32, #tpu.memory_space<vmem>>, vector<16xf32>,
        %parallel_loop3A_414 = arith.constant 32 : i32
        %parallel_loop3A_415 = arith.addi %parallel_loop3A_396, %parallel_loop3A_414 : i32
        %parallel_loop3A_416 = arith.index_cast %parallel_loop3A_415 : i32 to index
        %parallel_loop3A_417 = tpu.vector_load %arg7[%parallel_loop3A_416] {strides = array<i32>} : memref<25600xf32, #tpu.memory_space<vmem>>, vector<16xf32>,
        tpu.vector_store %arg7[%parallel_loop3A_416], %parallel_loop3A_413 {strides = array<i32>} : memref<25600xf32, #tpu.memory_space<vmem>>, vector<16xf32>,
        %parallel_loop3A_418 = vector.extract_strided_slice %parallel_loop3A_65 {offsets = [14], sizes = [1], strides = [1]} : vector<16xi32> to vector<1xi32>
        %parallel_loop3A_419 = vector.extract %parallel_loop3A_418[0] : i32 from vector<1xi32>
        %parallel_loop3A_420 = arith.constant 560 : i32
        %parallel_loop3A_421 = arith.addi %parallel_loop3A_67, %parallel_loop3A_420 : i32
        %parallel_loop3A_422 = arith.index_cast %parallel_loop3A_419 : i32 to index
        %parallel_loop3A_423 = arith.constant 0 : index
        %parallel_loop3A_424 = tpu.vector_load %arg6[%parallel_loop3A_422, %parallel_loop3A_423] {strides = array<i32>} : memref<20x48xf32, #tpu.memory_space<vmem>>, vector<16xf32>,
        %parallel_loop3A_425 = arith.constant 0 : i32
        %parallel_loop3A_426 = arith.addi %parallel_loop3A_421, %parallel_loop3A_425 : i32
        %parallel_loop3A_427 = arith.index_cast %parallel_loop3A_426 : i32 to index
        %parallel_loop3A_428 = tpu.vector_load %arg7[%parallel_loop3A_427] {strides = array<i32>} : memref<25600xf32, #tpu.memory_space<vmem>>, vector<16xf32>,
        tpu.vector_store %arg7[%parallel_loop3A_427], %parallel_loop3A_424 {strides = array<i32>} : memref<25600xf32, #tpu.memory_space<vmem>>, vector<16xf32>,
        %parallel_loop3A_429 = arith.index_cast %parallel_loop3A_419 : i32 to index
        %parallel_loop3A_430 = arith.constant 16 : index
        %parallel_loop3A_431 = tpu.vector_load %arg6[%parallel_loop3A_429, %parallel_loop3A_430] {strides = array<i32>} : memref<20x48xf32, #tpu.memory_space<vmem>>, vector<16xf32>,
        %parallel_loop3A_432 = arith.constant 16 : i32
        %parallel_loop3A_433 = arith.addi %parallel_loop3A_421, %parallel_loop3A_432 : i32
        %parallel_loop3A_434 = arith.index_cast %parallel_loop3A_433 : i32 to index
        %parallel_loop3A_435 = tpu.vector_load %arg7[%parallel_loop3A_434] {strides = array<i32>} : memref<25600xf32, #tpu.memory_space<vmem>>, vector<16xf32>,
        tpu.vector_store %arg7[%parallel_loop3A_434], %parallel_loop3A_431 {strides = array<i32>} : memref<25600xf32, #tpu.memory_space<vmem>>, vector<16xf32>,
        %parallel_loop3A_436 = arith.index_cast %parallel_loop3A_419 : i32 to index
        %parallel_loop3A_437 = arith.constant 32 : index
        %parallel_loop3A_438 = tpu.vector_load %arg6[%parallel_loop3A_436, %parallel_loop3A_437] {strides = array<i32>} : memref<20x48xf32, #tpu.memory_space<vmem>>, vector<16xf32>,
        %parallel_loop3A_439 = arith.constant 32 : i32
        %parallel_loop3A_440 = arith.addi %parallel_loop3A_421, %parallel_loop3A_439 : i32
        %parallel_loop3A_441 = arith.index_cast %parallel_loop3A_440 : i32 to index
        %parallel_loop3A_442 = tpu.vector_load %arg7[%parallel_loop3A_441] {strides = array<i32>} : memref<25600xf32, #tpu.memory_space<vmem>>, vector<16xf32>,
        tpu.vector_store %arg7[%parallel_loop3A_441], %parallel_loop3A_438 {strides = array<i32>} : memref<25600xf32, #tpu.memory_space<vmem>>, vector<16xf32>,
        %parallel_loop3A_443 = vector.extract_strided_slice %parallel_loop3A_65 {offsets = [15], sizes = [1], strides = [1]} : vector<16xi32> to vector<1xi32>
        %parallel_loop3A_444 = vector.extract %parallel_loop3A_443[0] : i32 from vector<1xi32>
        %parallel_loop3A_445 = arith.constant 600 : i32
        %parallel_loop3A_446 = arith.addi %parallel_loop3A_67, %parallel_loop3A_445 : i32
        %parallel_loop3A_447 = arith.index_cast %parallel_loop3A_444 : i32 to index
        %parallel_loop3A_448 = arith.constant 0 : index
        %parallel_loop3A_449 = tpu.vector_load %arg6[%parallel_loop3A_447, %parallel_loop3A_448] {strides = array<i32>} : memref<20x48xf32, #tpu.memory_space<vmem>>, vector<16xf32>,
        %parallel_loop3A_450 = arith.constant 0 : i32
        %parallel_loop3A_451 = arith.addi %parallel_loop3A_446, %parallel_loop3A_450 : i32
        %parallel_loop3A_452 = arith.index_cast %parallel_loop3A_451 : i32 to index
        %parallel_loop3A_453 = tpu.vector_load %arg7[%parallel_loop3A_452] {strides = array<i32>} : memref<25600xf32, #tpu.memory_space<vmem>>, vector<16xf32>,
        tpu.vector_store %arg7[%parallel_loop3A_452], %parallel_loop3A_449 {strides = array<i32>} : memref<25600xf32, #tpu.memory_space<vmem>>, vector<16xf32>,
        %parallel_loop3A_454 = arith.index_cast %parallel_loop3A_444 : i32 to index
        %parallel_loop3A_455 = arith.constant 16 : index
        %parallel_loop3A_456 = tpu.vector_load %arg6[%parallel_loop3A_454, %parallel_loop3A_455] {strides = array<i32>} : memref<20x48xf32, #tpu.memory_space<vmem>>, vector<16xf32>,
        %parallel_loop3A_457 = arith.constant 16 : i32
        %parallel_loop3A_458 = arith.addi %parallel_loop3A_446, %parallel_loop3A_457 : i32
        %parallel_loop3A_459 = arith.index_cast %parallel_loop3A_458 : i32 to index
        %parallel_loop3A_460 = tpu.vector_load %arg7[%parallel_loop3A_459] {strides = array<i32>} : memref<25600xf32, #tpu.memory_space<vmem>>, vector<16xf32>,
        tpu.vector_store %arg7[%parallel_loop3A_459], %parallel_loop3A_456 {strides = array<i32>} : memref<25600xf32, #tpu.memory_space<vmem>>, vector<16xf32>,
        %parallel_loop3A_461 = arith.index_cast %parallel_loop3A_444 : i32 to index
        %parallel_loop3A_462 = arith.constant 32 : index
        %parallel_loop3A_463 = tpu.vector_load %arg6[%parallel_loop3A_461, %parallel_loop3A_462] {strides = array<i32>} : memref<20x48xf32, #tpu.memory_space<vmem>>, vector<16xf32>,
        %parallel_loop3A_464 = vector.broadcast %parallel_loop3A_67 : i32 to vector<16xi32>
        %parallel_loop3A_465 = arith.addi %add3A_7, %parallel_loop3A_464 : vector<16xi32>
        tpu.vector_store_idx %arg7[%parallel_loop3A_465], %parallel_loop3A_463 masked %lt3A_4 : memref<25600xf32, #tpu.memory_space<vmem>>[vector<16xi32>], vector<16xf32>, vector<16xi1>
      } {sc.loop_unroll_factor = 2 : i64, sc.parallel_access}
      %mul3A_33 = arith.constant 640 : i32
      %mul3A_34 = arith.muli %add3A_28, %mul3A_33 : i32
      %add3A_35 = arith.addi %mul3A_2, %mul3A_34 : i32
      %mul3A_36 = arith.constant 40 : i32
      %mul3A_37 = arith.muli %add3A_35, %mul3A_36 : i32
      %dma_start3A = tpu.memref_slice %arg4[%mul3A_37] : memref<32768000xf32, #tpu.memory_space<hbm>> -> memref<25600xf32, #tpu.memory_space<hbm>>
      %dma_start3A_38 = tpu.memref_slice %arg4[%mul3A_37] : memref<32768000xf32, #tpu.memory_space<hbm>> -> memref<25600xf32, #tpu.memory_space<hbm>>
      tpu.enqueue_dma source(%arg7 : memref<25600xf32, #tpu.memory_space<vmem>>) target(%dma_start3A_38 : memref<25600xf32, #tpu.memory_space<hbm>>) target_semaphore(%arg9 : memref<!tpu.dma_semaphore, #tpu.memory_space<semaphore_mem>>)
      %mul3A_39 = arith.constant 2 : i32
      %mul3A_40 = arith.muli %scan3A_24, %mul3A_39 : i32
      %add3A_41 = arith.constant 1 : i32
      %add3A_42 = arith.addi %mul3A_40, %add3A_41 : i32
      %ge3A_43 = arith.constant 2 : i32
      %ge3A_44 = arith.cmpi sge, %add3A_42, %ge3A_43 : i32
      %convert_element_type3A_45 = arith.extui %ge3A_44 : i1 to i32
      %cond3A_46 = arith.constant 0 : i32
      %cond3A_47 = arith.cmpi ne, %convert_element_type3A_45, %cond3A_46 : i32
      scf.if %cond3A_47 {
        %sub3A = arith.constant 2 : i32
        %sub3A_58 = arith.subi %add3A_42, %sub3A : i32
        %mul3A_59 = arith.constant 640 : i32
        %mul3A_60 = arith.muli %sub3A_58, %mul3A_59 : i32
        %add3A_61 = arith.addi %mul3A_2, %mul3A_60 : i32
        %mul3A_62 = arith.constant 40 : i32
        %mul3A_63 = arith.muli %add3A_61, %mul3A_62 : i32
        %dma_wait3A_64 = tpu.memref_slice %arg4[%mul3A_63] : memref<32768000xf32, #tpu.memory_space<hbm>> -> memref<25600xf32, #tpu.memory_space<hbm>>
        %dma_wait3A_65 = tpu.memref_slice %arg4[%mul3A_63] : memref<32768000xf32, #tpu.memory_space<hbm>> -> memref<25600xf32, #tpu.memory_space<hbm>>
        tpu.wait_dma2 semaphore(%arg10 : memref<!tpu.dma_semaphore, #tpu.memory_space<semaphore_mem>>) src(%arg8 : memref<25600xf32, #tpu.memory_space<vmem>>) dst(%dma_wait3A_65 : memref<25600xf32, #tpu.memory_space<hbm>>)
      } else {
      }
      %parallel_loop3A_48 = arith.constant 0 : i32
      %parallel_loop3A_49 = arith.constant 40 : i32
      %parallel_loop3A_50 = arith.constant 1 : i32
      scf.for %parallel_loop3A_58 = %parallel_loop3A_48 to %parallel_loop3A_49 step %parallel_loop3A_50  : i32 {
        %parallel_loop3A_59 = arith.constant 640 : i32
        %parallel_loop3A_60 = arith.muli %add3A_42, %parallel_loop3A_59 : i32
        %parallel_loop3A_61 = arith.constant 16 : i32
        %parallel_loop3A_62 = arith.muli %parallel_loop3A_58, %parallel_loop3A_61 : i32
        %parallel_loop3A_63 = arith.addi %parallel_loop3A_60, %parallel_loop3A_62 : i32
        %parallel_loop3A_64 = arith.index_cast %parallel_loop3A_63 : i32 to index
        %parallel_loop3A_65 = tpu.vector_load %arg5[%parallel_loop3A_64] {strides = array<i32>} : memref<25600xi32, #tpu.memory_space<vmem>>, vector<16xi32>,
        %parallel_loop3A_66 = arith.constant 640 : i32
        %parallel_loop3A_67 = arith.muli %parallel_loop3A_58, %parallel_loop3A_66 : i32
        %parallel_loop3A_68 = vector.extract_strided_slice %parallel_loop3A_65 {offsets = [0], sizes = [1], strides = [1]} : vector<16xi32> to vector<1xi32>
        %parallel_loop3A_69 = vector.extract %parallel_loop3A_68[0] : i32 from vector<1xi32>
        %parallel_loop3A_70 = arith.constant 0 : i32
        %parallel_loop3A_71 = arith.addi %parallel_loop3A_67, %parallel_loop3A_70 : i32
        %parallel_loop3A_72 = arith.index_cast %parallel_loop3A_69 : i32 to index
        %parallel_loop3A_73 = arith.constant 0 : index
        %parallel_loop3A_74 = tpu.vector_load %arg6[%parallel_loop3A_72, %parallel_loop3A_73] {strides = array<i32>} : memref<20x48xf32, #tpu.memory_space<vmem>>, vector<16xf32>,
        %parallel_loop3A_75 = arith.constant 0 : i32
        %parallel_loop3A_76 = arith.addi %parallel_loop3A_71, %parallel_loop3A_75 : i32
        %parallel_loop3A_77 = arith.index_cast %parallel_loop3A_76 : i32 to index
        %parallel_loop3A_78 = tpu.vector_load %arg8[%parallel_loop3A_77] {strides = array<i32>} : memref<25600xf32, #tpu.memory_space<vmem>>, vector<16xf32>,
        tpu.vector_store %arg8[%parallel_loop3A_77], %parallel_loop3A_74 {strides = array<i32>} : memref<25600xf32, #tpu.memory_space<vmem>>, vector<16xf32>,
        %parallel_loop3A_79 = arith.index_cast %parallel_loop3A_69 : i32 to index
        %parallel_loop3A_80 = arith.constant 16 : index
        %parallel_loop3A_81 = tpu.vector_load %arg6[%parallel_loop3A_79, %parallel_loop3A_80] {strides = array<i32>} : memref<20x48xf32, #tpu.memory_space<vmem>>, vector<16xf32>,
        %parallel_loop3A_82 = arith.constant 16 : i32
        %parallel_loop3A_83 = arith.addi %parallel_loop3A_71, %parallel_loop3A_82 : i32
        %parallel_loop3A_84 = arith.index_cast %parallel_loop3A_83 : i32 to index
        %parallel_loop3A_85 = tpu.vector_load %arg8[%parallel_loop3A_84] {strides = array<i32>} : memref<25600xf32, #tpu.memory_space<vmem>>, vector<16xf32>,
        tpu.vector_store %arg8[%parallel_loop3A_84], %parallel_loop3A_81 {strides = array<i32>} : memref<25600xf32, #tpu.memory_space<vmem>>, vector<16xf32>,
        %parallel_loop3A_86 = arith.index_cast %parallel_loop3A_69 : i32 to index
        %parallel_loop3A_87 = arith.constant 32 : index
        %parallel_loop3A_88 = tpu.vector_load %arg6[%parallel_loop3A_86, %parallel_loop3A_87] {strides = array<i32>} : memref<20x48xf32, #tpu.memory_space<vmem>>, vector<16xf32>,
        %parallel_loop3A_89 = arith.constant 32 : i32
        %parallel_loop3A_90 = arith.addi %parallel_loop3A_71, %parallel_loop3A_89 : i32
        %parallel_loop3A_91 = arith.index_cast %parallel_loop3A_90 : i32 to index
        %parallel_loop3A_92 = tpu.vector_load %arg8[%parallel_loop3A_91] {strides = array<i32>} : memref<25600xf32, #tpu.memory_space<vmem>>, vector<16xf32>,
        tpu.vector_store %arg8[%parallel_loop3A_91], %parallel_loop3A_88 {strides = array<i32>} : memref<25600xf32, #tpu.memory_space<vmem>>, vector<16xf32>,
        %parallel_loop3A_93 = vector.extract_strided_slice %parallel_loop3A_65 {offsets = [1], sizes = [1], strides = [1]} : vector<16xi32> to vector<1xi32>
        %parallel_loop3A_94 = vector.extract %parallel_loop3A_93[0] : i32 from vector<1xi32>
        %parallel_loop3A_95 = arith.constant 40 : i32
        %parallel_loop3A_96 = arith.addi %parallel_loop3A_67, %parallel_loop3A_95 : i32
        %parallel_loop3A_97 = arith.index_cast %parallel_loop3A_94 : i32 to index
        %parallel_loop3A_98 = arith.constant 0 : index
        %parallel_loop3A_99 = tpu.vector_load %arg6[%parallel_loop3A_97, %parallel_loop3A_98] {strides = array<i32>} : memref<20x48xf32, #tpu.memory_space<vmem>>, vector<16xf32>,
        %parallel_loop3A_100 = arith.constant 0 : i32
        %parallel_loop3A_101 = arith.addi %parallel_loop3A_96, %parallel_loop3A_100 : i32
        %parallel_loop3A_102 = arith.index_cast %parallel_loop3A_101 : i32 to index
        %parallel_loop3A_103 = tpu.vector_load %arg8[%parallel_loop3A_102] {strides = array<i32>} : memref<25600xf32, #tpu.memory_space<vmem>>, vector<16xf32>,
        tpu.vector_store %arg8[%parallel_loop3A_102], %parallel_loop3A_99 {strides = array<i32>} : memref<25600xf32, #tpu.memory_space<vmem>>, vector<16xf32>,
        %parallel_loop3A_104 = arith.index_cast %parallel_loop3A_94 : i32 to index
        %parallel_loop3A_105 = arith.constant 16 : index
        %parallel_loop3A_106 = tpu.vector_load %arg6[%parallel_loop3A_104, %parallel_loop3A_105] {strides = array<i32>} : memref<20x48xf32, #tpu.memory_space<vmem>>, vector<16xf32>,
        %parallel_loop3A_107 = arith.constant 16 : i32
        %parallel_loop3A_108 = arith.addi %parallel_loop3A_96, %parallel_loop3A_107 : i32
        %parallel_loop3A_109 = arith.index_cast %parallel_loop3A_108 : i32 to index
        %parallel_loop3A_110 = tpu.vector_load %arg8[%parallel_loop3A_109] {strides = array<i32>} : memref<25600xf32, #tpu.memory_space<vmem>>, vector<16xf32>,
        tpu.vector_store %arg8[%parallel_loop3A_109], %parallel_loop3A_106 {strides = array<i32>} : memref<25600xf32, #tpu.memory_space<vmem>>, vector<16xf32>,
        %parallel_loop3A_111 = arith.index_cast %parallel_loop3A_94 : i32 to index
        %parallel_loop3A_112 = arith.constant 32 : index
        %parallel_loop3A_113 = tpu.vector_load %arg6[%parallel_loop3A_111, %parallel_loop3A_112] {strides = array<i32>} : memref<20x48xf32, #tpu.memory_space<vmem>>, vector<16xf32>,
        %parallel_loop3A_114 = arith.constant 32 : i32
        %parallel_loop3A_115 = arith.addi %parallel_loop3A_96, %parallel_loop3A_114 : i32
        %parallel_loop3A_116 = arith.index_cast %parallel_loop3A_115 : i32 to index
        %parallel_loop3A_117 = tpu.vector_load %arg8[%parallel_loop3A_116] {strides = array<i32>} : memref<25600xf32, #tpu.memory_space<vmem>>, vector<16xf32>,
        tpu.vector_store %arg8[%parallel_loop3A_116], %parallel_loop3A_113 {strides = array<i32>} : memref<25600xf32, #tpu.memory_space<vmem>>, vector<16xf32>,
        %parallel_loop3A_118 = vector.extract_strided_slice %parallel_loop3A_65 {offsets = [2], sizes = [1], strides = [1]} : vector<16xi32> to vector<1xi32>
        %parallel_loop3A_119 = vector.extract %parallel_loop3A_118[0] : i32 from vector<1xi32>
        %parallel_loop3A_120 = arith.constant 80 : i32
        %parallel_loop3A_121 = arith.addi %parallel_loop3A_67, %parallel_loop3A_120 : i32
        %parallel_loop3A_122 = arith.index_cast %parallel_loop3A_119 : i32 to index
        %parallel_loop3A_123 = arith.constant 0 : index
        %parallel_loop3A_124 = tpu.vector_load %arg6[%parallel_loop3A_122, %parallel_loop3A_123] {strides = array<i32>} : memref<20x48xf32, #tpu.memory_space<vmem>>, vector<16xf32>,
        %parallel_loop3A_125 = arith.constant 0 : i32
        %parallel_loop3A_126 = arith.addi %parallel_loop3A_121, %parallel_loop3A_125 : i32
        %parallel_loop3A_127 = arith.index_cast %parallel_loop3A_126 : i32 to index
        %parallel_loop3A_128 = tpu.vector_load %arg8[%parallel_loop3A_127] {strides = array<i32>} : memref<25600xf32, #tpu.memory_space<vmem>>, vector<16xf32>,
        tpu.vector_store %arg8[%parallel_loop3A_127], %parallel_loop3A_124 {strides = array<i32>} : memref<25600xf32, #tpu.memory_space<vmem>>, vector<16xf32>,
        %parallel_loop3A_129 = arith.index_cast %parallel_loop3A_119 : i32 to index
        %parallel_loop3A_130 = arith.constant 16 : index
        %parallel_loop3A_131 = tpu.vector_load %arg6[%parallel_loop3A_129, %parallel_loop3A_130] {strides = array<i32>} : memref<20x48xf32, #tpu.memory_space<vmem>>, vector<16xf32>,
        %parallel_loop3A_132 = arith.constant 16 : i32
        %parallel_loop3A_133 = arith.addi %parallel_loop3A_121, %parallel_loop3A_132 : i32
        %parallel_loop3A_134 = arith.index_cast %parallel_loop3A_133 : i32 to index
        %parallel_loop3A_135 = tpu.vector_load %arg8[%parallel_loop3A_134] {strides = array<i32>} : memref<25600xf32, #tpu.memory_space<vmem>>, vector<16xf32>,
        tpu.vector_store %arg8[%parallel_loop3A_134], %parallel_loop3A_131 {strides = array<i32>} : memref<25600xf32, #tpu.memory_space<vmem>>, vector<16xf32>,
        %parallel_loop3A_136 = arith.index_cast %parallel_loop3A_119 : i32 to index
        %parallel_loop3A_137 = arith.constant 32 : index
        %parallel_loop3A_138 = tpu.vector_load %arg6[%parallel_loop3A_136, %parallel_loop3A_137] {strides = array<i32>} : memref<20x48xf32, #tpu.memory_space<vmem>>, vector<16xf32>,
        %parallel_loop3A_139 = arith.constant 32 : i32
        %parallel_loop3A_140 = arith.addi %parallel_loop3A_121, %parallel_loop3A_139 : i32
        %parallel_loop3A_141 = arith.index_cast %parallel_loop3A_140 : i32 to index
        %parallel_loop3A_142 = tpu.vector_load %arg8[%parallel_loop3A_141] {strides = array<i32>} : memref<25600xf32, #tpu.memory_space<vmem>>, vector<16xf32>,
        tpu.vector_store %arg8[%parallel_loop3A_141], %parallel_loop3A_138 {strides = array<i32>} : memref<25600xf32, #tpu.memory_space<vmem>>, vector<16xf32>,
        %parallel_loop3A_143 = vector.extract_strided_slice %parallel_loop3A_65 {offsets = [3], sizes = [1], strides = [1]} : vector<16xi32> to vector<1xi32>
        %parallel_loop3A_144 = vector.extract %parallel_loop3A_143[0] : i32 from vector<1xi32>
        %parallel_loop3A_145 = arith.constant 120 : i32
        %parallel_loop3A_146 = arith.addi %parallel_loop3A_67, %parallel_loop3A_145 : i32
        %parallel_loop3A_147 = arith.index_cast %parallel_loop3A_144 : i32 to index
        %parallel_loop3A_148 = arith.constant 0 : index
        %parallel_loop3A_149 = tpu.vector_load %arg6[%parallel_loop3A_147, %parallel_loop3A_148] {strides = array<i32>} : memref<20x48xf32, #tpu.memory_space<vmem>>, vector<16xf32>,
        %parallel_loop3A_150 = arith.constant 0 : i32
        %parallel_loop3A_151 = arith.addi %parallel_loop3A_146, %parallel_loop3A_150 : i32
        %parallel_loop3A_152 = arith.index_cast %parallel_loop3A_151 : i32 to index
        %parallel_loop3A_153 = tpu.vector_load %arg8[%parallel_loop3A_152] {strides = array<i32>} : memref<25600xf32, #tpu.memory_space<vmem>>, vector<16xf32>,
        tpu.vector_store %arg8[%parallel_loop3A_152], %parallel_loop3A_149 {strides = array<i32>} : memref<25600xf32, #tpu.memory_space<vmem>>, vector<16xf32>,
        %parallel_loop3A_154 = arith.index_cast %parallel_loop3A_144 : i32 to index
        %parallel_loop3A_155 = arith.constant 16 : index
        %parallel_loop3A_156 = tpu.vector_load %arg6[%parallel_loop3A_154, %parallel_loop3A_155] {strides = array<i32>} : memref<20x48xf32, #tpu.memory_space<vmem>>, vector<16xf32>,
        %parallel_loop3A_157 = arith.constant 16 : i32
        %parallel_loop3A_158 = arith.addi %parallel_loop3A_146, %parallel_loop3A_157 : i32
        %parallel_loop3A_159 = arith.index_cast %parallel_loop3A_158 : i32 to index
        %parallel_loop3A_160 = tpu.vector_load %arg8[%parallel_loop3A_159] {strides = array<i32>} : memref<25600xf32, #tpu.memory_space<vmem>>, vector<16xf32>,
        tpu.vector_store %arg8[%parallel_loop3A_159], %parallel_loop3A_156 {strides = array<i32>} : memref<25600xf32, #tpu.memory_space<vmem>>, vector<16xf32>,
        %parallel_loop3A_161 = arith.index_cast %parallel_loop3A_144 : i32 to index
        %parallel_loop3A_162 = arith.constant 32 : index
        %parallel_loop3A_163 = tpu.vector_load %arg6[%parallel_loop3A_161, %parallel_loop3A_162] {strides = array<i32>} : memref<20x48xf32, #tpu.memory_space<vmem>>, vector<16xf32>,
        %parallel_loop3A_164 = arith.constant 32 : i32
        %parallel_loop3A_165 = arith.addi %parallel_loop3A_146, %parallel_loop3A_164 : i32
        %parallel_loop3A_166 = arith.index_cast %parallel_loop3A_165 : i32 to index
        %parallel_loop3A_167 = tpu.vector_load %arg8[%parallel_loop3A_166] {strides = array<i32>} : memref<25600xf32, #tpu.memory_space<vmem>>, vector<16xf32>,
        tpu.vector_store %arg8[%parallel_loop3A_166], %parallel_loop3A_163 {strides = array<i32>} : memref<25600xf32, #tpu.memory_space<vmem>>, vector<16xf32>,
        %parallel_loop3A_168 = vector.extract_strided_slice %parallel_loop3A_65 {offsets = [4], sizes = [1], strides = [1]} : vector<16xi32> to vector<1xi32>
        %parallel_loop3A_169 = vector.extract %parallel_loop3A_168[0] : i32 from vector<1xi32>
        %parallel_loop3A_170 = arith.constant 160 : i32
        %parallel_loop3A_171 = arith.addi %parallel_loop3A_67, %parallel_loop3A_170 : i32
        %parallel_loop3A_172 = arith.index_cast %parallel_loop3A_169 : i32 to index
        %parallel_loop3A_173 = arith.constant 0 : index
        %parallel_loop3A_174 = tpu.vector_load %arg6[%parallel_loop3A_172, %parallel_loop3A_173] {strides = array<i32>} : memref<20x48xf32, #tpu.memory_space<vmem>>, vector<16xf32>,
        %parallel_loop3A_175 = arith.constant 0 : i32
        %parallel_loop3A_176 = arith.addi %parallel_loop3A_171, %parallel_loop3A_175 : i32
        %parallel_loop3A_177 = arith.index_cast %parallel_loop3A_176 : i32 to index
        %parallel_loop3A_178 = tpu.vector_load %arg8[%parallel_loop3A_177] {strides = array<i32>} : memref<25600xf32, #tpu.memory_space<vmem>>, vector<16xf32>,
        tpu.vector_store %arg8[%parallel_loop3A_177], %parallel_loop3A_174 {strides = array<i32>} : memref<25600xf32, #tpu.memory_space<vmem>>, vector<16xf32>,
        %parallel_loop3A_179 = arith.index_cast %parallel_loop3A_169 : i32 to index
        %parallel_loop3A_180 = arith.constant 16 : index
        %parallel_loop3A_181 = tpu.vector_load %arg6[%parallel_loop3A_179, %parallel_loop3A_180] {strides = array<i32>} : memref<20x48xf32, #tpu.memory_space<vmem>>, vector<16xf32>,
        %parallel_loop3A_182 = arith.constant 16 : i32
        %parallel_loop3A_183 = arith.addi %parallel_loop3A_171, %parallel_loop3A_182 : i32
        %parallel_loop3A_184 = arith.index_cast %parallel_loop3A_183 : i32 to index
        %parallel_loop3A_185 = tpu.vector_load %arg8[%parallel_loop3A_184] {strides = array<i32>} : memref<25600xf32, #tpu.memory_space<vmem>>, vector<16xf32>,
        tpu.vector_store %arg8[%parallel_loop3A_184], %parallel_loop3A_181 {strides = array<i32>} : memref<25600xf32, #tpu.memory_space<vmem>>, vector<16xf32>,
        %parallel_loop3A_186 = arith.index_cast %parallel_loop3A_169 : i32 to index
        %parallel_loop3A_187 = arith.constant 32 : index
        %parallel_loop3A_188 = tpu.vector_load %arg6[%parallel_loop3A_186, %parallel_loop3A_187] {strides = array<i32>} : memref<20x48xf32, #tpu.memory_space<vmem>>, vector<16xf32>,
        %parallel_loop3A_189 = arith.constant 32 : i32
        %parallel_loop3A_190 = arith.addi %parallel_loop3A_171, %parallel_loop3A_189 : i32
        %parallel_loop3A_191 = arith.index_cast %parallel_loop3A_190 : i32 to index
        %parallel_loop3A_192 = tpu.vector_load %arg8[%parallel_loop3A_191] {strides = array<i32>} : memref<25600xf32, #tpu.memory_space<vmem>>, vector<16xf32>,
        tpu.vector_store %arg8[%parallel_loop3A_191], %parallel_loop3A_188 {strides = array<i32>} : memref<25600xf32, #tpu.memory_space<vmem>>, vector<16xf32>,
        %parallel_loop3A_193 = vector.extract_strided_slice %parallel_loop3A_65 {offsets = [5], sizes = [1], strides = [1]} : vector<16xi32> to vector<1xi32>
        %parallel_loop3A_194 = vector.extract %parallel_loop3A_193[0] : i32 from vector<1xi32>
        %parallel_loop3A_195 = arith.constant 200 : i32
        %parallel_loop3A_196 = arith.addi %parallel_loop3A_67, %parallel_loop3A_195 : i32
        %parallel_loop3A_197 = arith.index_cast %parallel_loop3A_194 : i32 to index
        %parallel_loop3A_198 = arith.constant 0 : index
        %parallel_loop3A_199 = tpu.vector_load %arg6[%parallel_loop3A_197, %parallel_loop3A_198] {strides = array<i32>} : memref<20x48xf32, #tpu.memory_space<vmem>>, vector<16xf32>,
        %parallel_loop3A_200 = arith.constant 0 : i32
        %parallel_loop3A_201 = arith.addi %parallel_loop3A_196, %parallel_loop3A_200 : i32
        %parallel_loop3A_202 = arith.index_cast %parallel_loop3A_201 : i32 to index
        %parallel_loop3A_203 = tpu.vector_load %arg8[%parallel_loop3A_202] {strides = array<i32>} : memref<25600xf32, #tpu.memory_space<vmem>>, vector<16xf32>,
        tpu.vector_store %arg8[%parallel_loop3A_202], %parallel_loop3A_199 {strides = array<i32>} : memref<25600xf32, #tpu.memory_space<vmem>>, vector<16xf32>,
        %parallel_loop3A_204 = arith.index_cast %parallel_loop3A_194 : i32 to index
        %parallel_loop3A_205 = arith.constant 16 : index
        %parallel_loop3A_206 = tpu.vector_load %arg6[%parallel_loop3A_204, %parallel_loop3A_205] {strides = array<i32>} : memref<20x48xf32, #tpu.memory_space<vmem>>, vector<16xf32>,
        %parallel_loop3A_207 = arith.constant 16 : i32
        %parallel_loop3A_208 = arith.addi %parallel_loop3A_196, %parallel_loop3A_207 : i32
        %parallel_loop3A_209 = arith.index_cast %parallel_loop3A_208 : i32 to index
        %parallel_loop3A_210 = tpu.vector_load %arg8[%parallel_loop3A_209] {strides = array<i32>} : memref<25600xf32, #tpu.memory_space<vmem>>, vector<16xf32>,
        tpu.vector_store %arg8[%parallel_loop3A_209], %parallel_loop3A_206 {strides = array<i32>} : memref<25600xf32, #tpu.memory_space<vmem>>, vector<16xf32>,
        %parallel_loop3A_211 = arith.index_cast %parallel_loop3A_194 : i32 to index
        %parallel_loop3A_212 = arith.constant 32 : index
        %parallel_loop3A_213 = tpu.vector_load %arg6[%parallel_loop3A_211, %parallel_loop3A_212] {strides = array<i32>} : memref<20x48xf32, #tpu.memory_space<vmem>>, vector<16xf32>,
        %parallel_loop3A_214 = arith.constant 32 : i32
        %parallel_loop3A_215 = arith.addi %parallel_loop3A_196, %parallel_loop3A_214 : i32
        %parallel_loop3A_216 = arith.index_cast %parallel_loop3A_215 : i32 to index
        %parallel_loop3A_217 = tpu.vector_load %arg8[%parallel_loop3A_216] {strides = array<i32>} : memref<25600xf32, #tpu.memory_space<vmem>>, vector<16xf32>,
        tpu.vector_store %arg8[%parallel_loop3A_216], %parallel_loop3A_213 {strides = array<i32>} : memref<25600xf32, #tpu.memory_space<vmem>>, vector<16xf32>,
        %parallel_loop3A_218 = vector.extract_strided_slice %parallel_loop3A_65 {offsets = [6], sizes = [1], strides = [1]} : vector<16xi32> to vector<1xi32>
        %parallel_loop3A_219 = vector.extract %parallel_loop3A_218[0] : i32 from vector<1xi32>
        %parallel_loop3A_220 = arith.constant 240 : i32
        %parallel_loop3A_221 = arith.addi %parallel_loop3A_67, %parallel_loop3A_220 : i32
        %parallel_loop3A_222 = arith.index_cast %parallel_loop3A_219 : i32 to index
        %parallel_loop3A_223 = arith.constant 0 : index
        %parallel_loop3A_224 = tpu.vector_load %arg6[%parallel_loop3A_222, %parallel_loop3A_223] {strides = array<i32>} : memref<20x48xf32, #tpu.memory_space<vmem>>, vector<16xf32>,
        %parallel_loop3A_225 = arith.constant 0 : i32
        %parallel_loop3A_226 = arith.addi %parallel_loop3A_221, %parallel_loop3A_225 : i32
        %parallel_loop3A_227 = arith.index_cast %parallel_loop3A_226 : i32 to index
        %parallel_loop3A_228 = tpu.vector_load %arg8[%parallel_loop3A_227] {strides = array<i32>} : memref<25600xf32, #tpu.memory_space<vmem>>, vector<16xf32>,
        tpu.vector_store %arg8[%parallel_loop3A_227], %parallel_loop3A_224 {strides = array<i32>} : memref<25600xf32, #tpu.memory_space<vmem>>, vector<16xf32>,
        %parallel_loop3A_229 = arith.index_cast %parallel_loop3A_219 : i32 to index
        %parallel_loop3A_230 = arith.constant 16 : index
        %parallel_loop3A_231 = tpu.vector_load %arg6[%parallel_loop3A_229, %parallel_loop3A_230] {strides = array<i32>} : memref<20x48xf32, #tpu.memory_space<vmem>>, vector<16xf32>,
        %parallel_loop3A_232 = arith.constant 16 : i32
        %parallel_loop3A_233 = arith.addi %parallel_loop3A_221, %parallel_loop3A_232 : i32
        %parallel_loop3A_234 = arith.index_cast %parallel_loop3A_233 : i32 to index
        %parallel_loop3A_235 = tpu.vector_load %arg8[%parallel_loop3A_234] {strides = array<i32>} : memref<25600xf32, #tpu.memory_space<vmem>>, vector<16xf32>,
        tpu.vector_store %arg8[%parallel_loop3A_234], %parallel_loop3A_231 {strides = array<i32>} : memref<25600xf32, #tpu.memory_space<vmem>>, vector<16xf32>,
        %parallel_loop3A_236 = arith.index_cast %parallel_loop3A_219 : i32 to index
        %parallel_loop3A_237 = arith.constant 32 : index
        %parallel_loop3A_238 = tpu.vector_load %arg6[%parallel_loop3A_236, %parallel_loop3A_237] {strides = array<i32>} : memref<20x48xf32, #tpu.memory_space<vmem>>, vector<16xf32>,
        %parallel_loop3A_239 = arith.constant 32 : i32
        %parallel_loop3A_240 = arith.addi %parallel_loop3A_221, %parallel_loop3A_239 : i32
        %parallel_loop3A_241 = arith.index_cast %parallel_loop3A_240 : i32 to index
        %parallel_loop3A_242 = tpu.vector_load %arg8[%parallel_loop3A_241] {strides = array<i32>} : memref<25600xf32, #tpu.memory_space<vmem>>, vector<16xf32>,
        tpu.vector_store %arg8[%parallel_loop3A_241], %parallel_loop3A_238 {strides = array<i32>} : memref<25600xf32, #tpu.memory_space<vmem>>, vector<16xf32>,
        %parallel_loop3A_243 = vector.extract_strided_slice %parallel_loop3A_65 {offsets = [7], sizes = [1], strides = [1]} : vector<16xi32> to vector<1xi32>
        %parallel_loop3A_244 = vector.extract %parallel_loop3A_243[0] : i32 from vector<1xi32>
        %parallel_loop3A_245 = arith.constant 280 : i32
        %parallel_loop3A_246 = arith.addi %parallel_loop3A_67, %parallel_loop3A_245 : i32
        %parallel_loop3A_247 = arith.index_cast %parallel_loop3A_244 : i32 to index
        %parallel_loop3A_248 = arith.constant 0 : index
        %parallel_loop3A_249 = tpu.vector_load %arg6[%parallel_loop3A_247, %parallel_loop3A_248] {strides = array<i32>} : memref<20x48xf32, #tpu.memory_space<vmem>>, vector<16xf32>,
        %parallel_loop3A_250 = arith.constant 0 : i32
        %parallel_loop3A_251 = arith.addi %parallel_loop3A_246, %parallel_loop3A_250 : i32
        %parallel_loop3A_252 = arith.index_cast %parallel_loop3A_251 : i32 to index
        %parallel_loop3A_253 = tpu.vector_load %arg8[%parallel_loop3A_252] {strides = array<i32>} : memref<25600xf32, #tpu.memory_space<vmem>>, vector<16xf32>,
        tpu.vector_store %arg8[%parallel_loop3A_252], %parallel_loop3A_249 {strides = array<i32>} : memref<25600xf32, #tpu.memory_space<vmem>>, vector<16xf32>,
        %parallel_loop3A_254 = arith.index_cast %parallel_loop3A_244 : i32 to index
        %parallel_loop3A_255 = arith.constant 16 : index
        %parallel_loop3A_256 = tpu.vector_load %arg6[%parallel_loop3A_254, %parallel_loop3A_255] {strides = array<i32>} : memref<20x48xf32, #tpu.memory_space<vmem>>, vector<16xf32>,
        %parallel_loop3A_257 = arith.constant 16 : i32
        %parallel_loop3A_258 = arith.addi %parallel_loop3A_246, %parallel_loop3A_257 : i32
        %parallel_loop3A_259 = arith.index_cast %parallel_loop3A_258 : i32 to index
        %parallel_loop3A_260 = tpu.vector_load %arg8[%parallel_loop3A_259] {strides = array<i32>} : memref<25600xf32, #tpu.memory_space<vmem>>, vector<16xf32>,
        tpu.vector_store %arg8[%parallel_loop3A_259], %parallel_loop3A_256 {strides = array<i32>} : memref<25600xf32, #tpu.memory_space<vmem>>, vector<16xf32>,
        %parallel_loop3A_261 = arith.index_cast %parallel_loop3A_244 : i32 to index
        %parallel_loop3A_262 = arith.constant 32 : index
        %parallel_loop3A_263 = tpu.vector_load %arg6[%parallel_loop3A_261, %parallel_loop3A_262] {strides = array<i32>} : memref<20x48xf32, #tpu.memory_space<vmem>>, vector<16xf32>,
        %parallel_loop3A_264 = arith.constant 32 : i32
        %parallel_loop3A_265 = arith.addi %parallel_loop3A_246, %parallel_loop3A_264 : i32
        %parallel_loop3A_266 = arith.index_cast %parallel_loop3A_265 : i32 to index
        %parallel_loop3A_267 = tpu.vector_load %arg8[%parallel_loop3A_266] {strides = array<i32>} : memref<25600xf32, #tpu.memory_space<vmem>>, vector<16xf32>,
        tpu.vector_store %arg8[%parallel_loop3A_266], %parallel_loop3A_263 {strides = array<i32>} : memref<25600xf32, #tpu.memory_space<vmem>>, vector<16xf32>,
        %parallel_loop3A_268 = vector.extract_strided_slice %parallel_loop3A_65 {offsets = [8], sizes = [1], strides = [1]} : vector<16xi32> to vector<1xi32>
        %parallel_loop3A_269 = vector.extract %parallel_loop3A_268[0] : i32 from vector<1xi32>
        %parallel_loop3A_270 = arith.constant 320 : i32
        %parallel_loop3A_271 = arith.addi %parallel_loop3A_67, %parallel_loop3A_270 : i32
        %parallel_loop3A_272 = arith.index_cast %parallel_loop3A_269 : i32 to index
        %parallel_loop3A_273 = arith.constant 0 : index
        %parallel_loop3A_274 = tpu.vector_load %arg6[%parallel_loop3A_272, %parallel_loop3A_273] {strides = array<i32>} : memref<20x48xf32, #tpu.memory_space<vmem>>, vector<16xf32>,
        %parallel_loop3A_275 = arith.constant 0 : i32
        %parallel_loop3A_276 = arith.addi %parallel_loop3A_271, %parallel_loop3A_275 : i32
        %parallel_loop3A_277 = arith.index_cast %parallel_loop3A_276 : i32 to index
        %parallel_loop3A_278 = tpu.vector_load %arg8[%parallel_loop3A_277] {strides = array<i32>} : memref<25600xf32, #tpu.memory_space<vmem>>, vector<16xf32>,
        tpu.vector_store %arg8[%parallel_loop3A_277], %parallel_loop3A_274 {strides = array<i32>} : memref<25600xf32, #tpu.memory_space<vmem>>, vector<16xf32>,
        %parallel_loop3A_279 = arith.index_cast %parallel_loop3A_269 : i32 to index
        %parallel_loop3A_280 = arith.constant 16 : index
        %parallel_loop3A_281 = tpu.vector_load %arg6[%parallel_loop3A_279, %parallel_loop3A_280] {strides = array<i32>} : memref<20x48xf32, #tpu.memory_space<vmem>>, vector<16xf32>,
        %parallel_loop3A_282 = arith.constant 16 : i32
        %parallel_loop3A_283 = arith.addi %parallel_loop3A_271, %parallel_loop3A_282 : i32
        %parallel_loop3A_284 = arith.index_cast %parallel_loop3A_283 : i32 to index
        %parallel_loop3A_285 = tpu.vector_load %arg8[%parallel_loop3A_284] {strides = array<i32>} : memref<25600xf32, #tpu.memory_space<vmem>>, vector<16xf32>,
        tpu.vector_store %arg8[%parallel_loop3A_284], %parallel_loop3A_281 {strides = array<i32>} : memref<25600xf32, #tpu.memory_space<vmem>>, vector<16xf32>,
        %parallel_loop3A_286 = arith.index_cast %parallel_loop3A_269 : i32 to index
        %parallel_loop3A_287 = arith.constant 32 : index
        %parallel_loop3A_288 = tpu.vector_load %arg6[%parallel_loop3A_286, %parallel_loop3A_287] {strides = array<i32>} : memref<20x48xf32, #tpu.memory_space<vmem>>, vector<16xf32>,
        %parallel_loop3A_289 = arith.constant 32 : i32
        %parallel_loop3A_290 = arith.addi %parallel_loop3A_271, %parallel_loop3A_289 : i32
        %parallel_loop3A_291 = arith.index_cast %parallel_loop3A_290 : i32 to index
        %parallel_loop3A_292 = tpu.vector_load %arg8[%parallel_loop3A_291] {strides = array<i32>} : memref<25600xf32, #tpu.memory_space<vmem>>, vector<16xf32>,
        tpu.vector_store %arg8[%parallel_loop3A_291], %parallel_loop3A_288 {strides = array<i32>} : memref<25600xf32, #tpu.memory_space<vmem>>, vector<16xf32>,
        %parallel_loop3A_293 = vector.extract_strided_slice %parallel_loop3A_65 {offsets = [9], sizes = [1], strides = [1]} : vector<16xi32> to vector<1xi32>
        %parallel_loop3A_294 = vector.extract %parallel_loop3A_293[0] : i32 from vector<1xi32>
        %parallel_loop3A_295 = arith.constant 360 : i32
        %parallel_loop3A_296 = arith.addi %parallel_loop3A_67, %parallel_loop3A_295 : i32
        %parallel_loop3A_297 = arith.index_cast %parallel_loop3A_294 : i32 to index
        %parallel_loop3A_298 = arith.constant 0 : index
        %parallel_loop3A_299 = tpu.vector_load %arg6[%parallel_loop3A_297, %parallel_loop3A_298] {strides = array<i32>} : memref<20x48xf32, #tpu.memory_space<vmem>>, vector<16xf32>,
        %parallel_loop3A_300 = arith.constant 0 : i32
        %parallel_loop3A_301 = arith.addi %parallel_loop3A_296, %parallel_loop3A_300 : i32
        %parallel_loop3A_302 = arith.index_cast %parallel_loop3A_301 : i32 to index
        %parallel_loop3A_303 = tpu.vector_load %arg8[%parallel_loop3A_302] {strides = array<i32>} : memref<25600xf32, #tpu.memory_space<vmem>>, vector<16xf32>,
        tpu.vector_store %arg8[%parallel_loop3A_302], %parallel_loop3A_299 {strides = array<i32>} : memref<25600xf32, #tpu.memory_space<vmem>>, vector<16xf32>,
        %parallel_loop3A_304 = arith.index_cast %parallel_loop3A_294 : i32 to index
        %parallel_loop3A_305 = arith.constant 16 : index
        %parallel_loop3A_306 = tpu.vector_load %arg6[%parallel_loop3A_304, %parallel_loop3A_305] {strides = array<i32>} : memref<20x48xf32, #tpu.memory_space<vmem>>, vector<16xf32>,
        %parallel_loop3A_307 = arith.constant 16 : i32
        %parallel_loop3A_308 = arith.addi %parallel_loop3A_296, %parallel_loop3A_307 : i32
        %parallel_loop3A_309 = arith.index_cast %parallel_loop3A_308 : i32 to index
        %parallel_loop3A_310 = tpu.vector_load %arg8[%parallel_loop3A_309] {strides = array<i32>} : memref<25600xf32, #tpu.memory_space<vmem>>, vector<16xf32>,
        tpu.vector_store %arg8[%parallel_loop3A_309], %parallel_loop3A_306 {strides = array<i32>} : memref<25600xf32, #tpu.memory_space<vmem>>, vector<16xf32>,
        %parallel_loop3A_311 = arith.index_cast %parallel_loop3A_294 : i32 to index
        %parallel_loop3A_312 = arith.constant 32 : index
        %parallel_loop3A_313 = tpu.vector_load %arg6[%parallel_loop3A_311, %parallel_loop3A_312] {strides = array<i32>} : memref<20x48xf32, #tpu.memory_space<vmem>>, vector<16xf32>,
        %parallel_loop3A_314 = arith.constant 32 : i32
        %parallel_loop3A_315 = arith.addi %parallel_loop3A_296, %parallel_loop3A_314 : i32
        %parallel_loop3A_316 = arith.index_cast %parallel_loop3A_315 : i32 to index
        %parallel_loop3A_317 = tpu.vector_load %arg8[%parallel_loop3A_316] {strides = array<i32>} : memref<25600xf32, #tpu.memory_space<vmem>>, vector<16xf32>,
        tpu.vector_store %arg8[%parallel_loop3A_316], %parallel_loop3A_313 {strides = array<i32>} : memref<25600xf32, #tpu.memory_space<vmem>>, vector<16xf32>,
        %parallel_loop3A_318 = vector.extract_strided_slice %parallel_loop3A_65 {offsets = [10], sizes = [1], strides = [1]} : vector<16xi32> to vector<1xi32>
        %parallel_loop3A_319 = vector.extract %parallel_loop3A_318[0] : i32 from vector<1xi32>
        %parallel_loop3A_320 = arith.constant 400 : i32
        %parallel_loop3A_321 = arith.addi %parallel_loop3A_67, %parallel_loop3A_320 : i32
        %parallel_loop3A_322 = arith.index_cast %parallel_loop3A_319 : i32 to index
        %parallel_loop3A_323 = arith.constant 0 : index
        %parallel_loop3A_324 = tpu.vector_load %arg6[%parallel_loop3A_322, %parallel_loop3A_323] {strides = array<i32>} : memref<20x48xf32, #tpu.memory_space<vmem>>, vector<16xf32>,
        %parallel_loop3A_325 = arith.constant 0 : i32
        %parallel_loop3A_326 = arith.addi %parallel_loop3A_321, %parallel_loop3A_325 : i32
        %parallel_loop3A_327 = arith.index_cast %parallel_loop3A_326 : i32 to index
        %parallel_loop3A_328 = tpu.vector_load %arg8[%parallel_loop3A_327] {strides = array<i32>} : memref<25600xf32, #tpu.memory_space<vmem>>, vector<16xf32>,
        tpu.vector_store %arg8[%parallel_loop3A_327], %parallel_loop3A_324 {strides = array<i32>} : memref<25600xf32, #tpu.memory_space<vmem>>, vector<16xf32>,
        %parallel_loop3A_329 = arith.index_cast %parallel_loop3A_319 : i32 to index
        %parallel_loop3A_330 = arith.constant 16 : index
        %parallel_loop3A_331 = tpu.vector_load %arg6[%parallel_loop3A_329, %parallel_loop3A_330] {strides = array<i32>} : memref<20x48xf32, #tpu.memory_space<vmem>>, vector<16xf32>,
        %parallel_loop3A_332 = arith.constant 16 : i32
        %parallel_loop3A_333 = arith.addi %parallel_loop3A_321, %parallel_loop3A_332 : i32
        %parallel_loop3A_334 = arith.index_cast %parallel_loop3A_333 : i32 to index
        %parallel_loop3A_335 = tpu.vector_load %arg8[%parallel_loop3A_334] {strides = array<i32>} : memref<25600xf32, #tpu.memory_space<vmem>>, vector<16xf32>,
        tpu.vector_store %arg8[%parallel_loop3A_334], %parallel_loop3A_331 {strides = array<i32>} : memref<25600xf32, #tpu.memory_space<vmem>>, vector<16xf32>,
        %parallel_loop3A_336 = arith.index_cast %parallel_loop3A_319 : i32 to index
        %parallel_loop3A_337 = arith.constant 32 : index
        %parallel_loop3A_338 = tpu.vector_load %arg6[%parallel_loop3A_336, %parallel_loop3A_337] {strides = array<i32>} : memref<20x48xf32, #tpu.memory_space<vmem>>, vector<16xf32>,
        %parallel_loop3A_339 = arith.constant 32 : i32
        %parallel_loop3A_340 = arith.addi %parallel_loop3A_321, %parallel_loop3A_339 : i32
        %parallel_loop3A_341 = arith.index_cast %parallel_loop3A_340 : i32 to index
        %parallel_loop3A_342 = tpu.vector_load %arg8[%parallel_loop3A_341] {strides = array<i32>} : memref<25600xf32, #tpu.memory_space<vmem>>, vector<16xf32>,
        tpu.vector_store %arg8[%parallel_loop3A_341], %parallel_loop3A_338 {strides = array<i32>} : memref<25600xf32, #tpu.memory_space<vmem>>, vector<16xf32>,
        %parallel_loop3A_343 = vector.extract_strided_slice %parallel_loop3A_65 {offsets = [11], sizes = [1], strides = [1]} : vector<16xi32> to vector<1xi32>
        %parallel_loop3A_344 = vector.extract %parallel_loop3A_343[0] : i32 from vector<1xi32>
        %parallel_loop3A_345 = arith.constant 440 : i32
        %parallel_loop3A_346 = arith.addi %parallel_loop3A_67, %parallel_loop3A_345 : i32
        %parallel_loop3A_347 = arith.index_cast %parallel_loop3A_344 : i32 to index
        %parallel_loop3A_348 = arith.constant 0 : index
        %parallel_loop3A_349 = tpu.vector_load %arg6[%parallel_loop3A_347, %parallel_loop3A_348] {strides = array<i32>} : memref<20x48xf32, #tpu.memory_space<vmem>>, vector<16xf32>,
        %parallel_loop3A_350 = arith.constant 0 : i32
        %parallel_loop3A_351 = arith.addi %parallel_loop3A_346, %parallel_loop3A_350 : i32
        %parallel_loop3A_352 = arith.index_cast %parallel_loop3A_351 : i32 to index
        %parallel_loop3A_353 = tpu.vector_load %arg8[%parallel_loop3A_352] {strides = array<i32>} : memref<25600xf32, #tpu.memory_space<vmem>>, vector<16xf32>,
        tpu.vector_store %arg8[%parallel_loop3A_352], %parallel_loop3A_349 {strides = array<i32>} : memref<25600xf32, #tpu.memory_space<vmem>>, vector<16xf32>,
        %parallel_loop3A_354 = arith.index_cast %parallel_loop3A_344 : i32 to index
        %parallel_loop3A_355 = arith.constant 16 : index
        %parallel_loop3A_356 = tpu.vector_load %arg6[%parallel_loop3A_354, %parallel_loop3A_355] {strides = array<i32>} : memref<20x48xf32, #tpu.memory_space<vmem>>, vector<16xf32>,
        %parallel_loop3A_357 = arith.constant 16 : i32
        %parallel_loop3A_358 = arith.addi %parallel_loop3A_346, %parallel_loop3A_357 : i32
        %parallel_loop3A_359 = arith.index_cast %parallel_loop3A_358 : i32 to index
        %parallel_loop3A_360 = tpu.vector_load %arg8[%parallel_loop3A_359] {strides = array<i32>} : memref<25600xf32, #tpu.memory_space<vmem>>, vector<16xf32>,
        tpu.vector_store %arg8[%parallel_loop3A_359], %parallel_loop3A_356 {strides = array<i32>} : memref<25600xf32, #tpu.memory_space<vmem>>, vector<16xf32>,
        %parallel_loop3A_361 = arith.index_cast %parallel_loop3A_344 : i32 to index
        %parallel_loop3A_362 = arith.constant 32 : index
        %parallel_loop3A_363 = tpu.vector_load %arg6[%parallel_loop3A_361, %parallel_loop3A_362] {strides = array<i32>} : memref<20x48xf32, #tpu.memory_space<vmem>>, vector<16xf32>,
        %parallel_loop3A_364 = arith.constant 32 : i32
        %parallel_loop3A_365 = arith.addi %parallel_loop3A_346, %parallel_loop3A_364 : i32
        %parallel_loop3A_366 = arith.index_cast %parallel_loop3A_365 : i32 to index
        %parallel_loop3A_367 = tpu.vector_load %arg8[%parallel_loop3A_366] {strides = array<i32>} : memref<25600xf32, #tpu.memory_space<vmem>>, vector<16xf32>,
        tpu.vector_store %arg8[%parallel_loop3A_366], %parallel_loop3A_363 {strides = array<i32>} : memref<25600xf32, #tpu.memory_space<vmem>>, vector<16xf32>,
        %parallel_loop3A_368 = vector.extract_strided_slice %parallel_loop3A_65 {offsets = [12], sizes = [1], strides = [1]} : vector<16xi32> to vector<1xi32>
        %parallel_loop3A_369 = vector.extract %parallel_loop3A_368[0] : i32 from vector<1xi32>
        %parallel_loop3A_370 = arith.constant 480 : i32
        %parallel_loop3A_371 = arith.addi %parallel_loop3A_67, %parallel_loop3A_370 : i32
        %parallel_loop3A_372 = arith.index_cast %parallel_loop3A_369 : i32 to index
        %parallel_loop3A_373 = arith.constant 0 : index
        %parallel_loop3A_374 = tpu.vector_load %arg6[%parallel_loop3A_372, %parallel_loop3A_373] {strides = array<i32>} : memref<20x48xf32, #tpu.memory_space<vmem>>, vector<16xf32>,
        %parallel_loop3A_375 = arith.constant 0 : i32
        %parallel_loop3A_376 = arith.addi %parallel_loop3A_371, %parallel_loop3A_375 : i32
        %parallel_loop3A_377 = arith.index_cast %parallel_loop3A_376 : i32 to index
        %parallel_loop3A_378 = tpu.vector_load %arg8[%parallel_loop3A_377] {strides = array<i32>} : memref<25600xf32, #tpu.memory_space<vmem>>, vector<16xf32>,
        tpu.vector_store %arg8[%parallel_loop3A_377], %parallel_loop3A_374 {strides = array<i32>} : memref<25600xf32, #tpu.memory_space<vmem>>, vector<16xf32>,
        %parallel_loop3A_379 = arith.index_cast %parallel_loop3A_369 : i32 to index
        %parallel_loop3A_380 = arith.constant 16 : index
        %parallel_loop3A_381 = tpu.vector_load %arg6[%parallel_loop3A_379, %parallel_loop3A_380] {strides = array<i32>} : memref<20x48xf32, #tpu.memory_space<vmem>>, vector<16xf32>,
        %parallel_loop3A_382 = arith.constant 16 : i32
        %parallel_loop3A_383 = arith.addi %parallel_loop3A_371, %parallel_loop3A_382 : i32
        %parallel_loop3A_384 = arith.index_cast %parallel_loop3A_383 : i32 to index
        %parallel_loop3A_385 = tpu.vector_load %arg8[%parallel_loop3A_384] {strides = array<i32>} : memref<25600xf32, #tpu.memory_space<vmem>>, vector<16xf32>,
        tpu.vector_store %arg8[%parallel_loop3A_384], %parallel_loop3A_381 {strides = array<i32>} : memref<25600xf32, #tpu.memory_space<vmem>>, vector<16xf32>,
        %parallel_loop3A_386 = arith.index_cast %parallel_loop3A_369 : i32 to index
        %parallel_loop3A_387 = arith.constant 32 : index
        %parallel_loop3A_388 = tpu.vector_load %arg6[%parallel_loop3A_386, %parallel_loop3A_387] {strides = array<i32>} : memref<20x48xf32, #tpu.memory_space<vmem>>, vector<16xf32>,
        %parallel_loop3A_389 = arith.constant 32 : i32
        %parallel_loop3A_390 = arith.addi %parallel_loop3A_371, %parallel_loop3A_389 : i32
        %parallel_loop3A_391 = arith.index_cast %parallel_loop3A_390 : i32 to index
        %parallel_loop3A_392 = tpu.vector_load %arg8[%parallel_loop3A_391] {strides = array<i32>} : memref<25600xf32, #tpu.memory_space<vmem>>, vector<16xf32>,
        tpu.vector_store %arg8[%parallel_loop3A_391], %parallel_loop3A_388 {strides = array<i32>} : memref<25600xf32, #tpu.memory_space<vmem>>, vector<16xf32>,
        %parallel_loop3A_393 = vector.extract_strided_slice %parallel_loop3A_65 {offsets = [13], sizes = [1], strides = [1]} : vector<16xi32> to vector<1xi32>
        %parallel_loop3A_394 = vector.extract %parallel_loop3A_393[0] : i32 from vector<1xi32>
        %parallel_loop3A_395 = arith.constant 520 : i32
        %parallel_loop3A_396 = arith.addi %parallel_loop3A_67, %parallel_loop3A_395 : i32
        %parallel_loop3A_397 = arith.index_cast %parallel_loop3A_394 : i32 to index
        %parallel_loop3A_398 = arith.constant 0 : index
        %parallel_loop3A_399 = tpu.vector_load %arg6[%parallel_loop3A_397, %parallel_loop3A_398] {strides = array<i32>} : memref<20x48xf32, #tpu.memory_space<vmem>>, vector<16xf32>,
        %parallel_loop3A_400 = arith.constant 0 : i32
        %parallel_loop3A_401 = arith.addi %parallel_loop3A_396, %parallel_loop3A_400 : i32
        %parallel_loop3A_402 = arith.index_cast %parallel_loop3A_401 : i32 to index
        %parallel_loop3A_403 = tpu.vector_load %arg8[%parallel_loop3A_402] {strides = array<i32>} : memref<25600xf32, #tpu.memory_space<vmem>>, vector<16xf32>,
        tpu.vector_store %arg8[%parallel_loop3A_402], %parallel_loop3A_399 {strides = array<i32>} : memref<25600xf32, #tpu.memory_space<vmem>>, vector<16xf32>,
        %parallel_loop3A_404 = arith.index_cast %parallel_loop3A_394 : i32 to index
        %parallel_loop3A_405 = arith.constant 16 : index
        %parallel_loop3A_406 = tpu.vector_load %arg6[%parallel_loop3A_404, %parallel_loop3A_405] {strides = array<i32>} : memref<20x48xf32, #tpu.memory_space<vmem>>, vector<16xf32>,
        %parallel_loop3A_407 = arith.constant 16 : i32
        %parallel_loop3A_408 = arith.addi %parallel_loop3A_396, %parallel_loop3A_407 : i32
        %parallel_loop3A_409 = arith.index_cast %parallel_loop3A_408 : i32 to index
        %parallel_loop3A_410 = tpu.vector_load %arg8[%parallel_loop3A_409] {strides = array<i32>} : memref<25600xf32, #tpu.memory_space<vmem>>, vector<16xf32>,
        tpu.vector_store %arg8[%parallel_loop3A_409], %parallel_loop3A_406 {strides = array<i32>} : memref<25600xf32, #tpu.memory_space<vmem>>, vector<16xf32>,
        %parallel_loop3A_411 = arith.index_cast %parallel_loop3A_394 : i32 to index
        %parallel_loop3A_412 = arith.constant 32 : index
        %parallel_loop3A_413 = tpu.vector_load %arg6[%parallel_loop3A_411, %parallel_loop3A_412] {strides = array<i32>} : memref<20x48xf32, #tpu.memory_space<vmem>>, vector<16xf32>,
        %parallel_loop3A_414 = arith.constant 32 : i32
        %parallel_loop3A_415 = arith.addi %parallel_loop3A_396, %parallel_loop3A_414 : i32
        %parallel_loop3A_416 = arith.index_cast %parallel_loop3A_415 : i32 to index
        %parallel_loop3A_417 = tpu.vector_load %arg8[%parallel_loop3A_416] {strides = array<i32>} : memref<25600xf32, #tpu.memory_space<vmem>>, vector<16xf32>,
        tpu.vector_store %arg8[%parallel_loop3A_416], %parallel_loop3A_413 {strides = array<i32>} : memref<25600xf32, #tpu.memory_space<vmem>>, vector<16xf32>,
        %parallel_loop3A_418 = vector.extract_strided_slice %parallel_loop3A_65 {offsets = [14], sizes = [1], strides = [1]} : vector<16xi32> to vector<1xi32>
        %parallel_loop3A_419 = vector.extract %parallel_loop3A_418[0] : i32 from vector<1xi32>
        %parallel_loop3A_420 = arith.constant 560 : i32
        %parallel_loop3A_421 = arith.addi %parallel_loop3A_67, %parallel_loop3A_420 : i32
        %parallel_loop3A_422 = arith.index_cast %parallel_loop3A_419 : i32 to index
        %parallel_loop3A_423 = arith.constant 0 : index
        %parallel_loop3A_424 = tpu.vector_load %arg6[%parallel_loop3A_422, %parallel_loop3A_423] {strides = array<i32>} : memref<20x48xf32, #tpu.memory_space<vmem>>, vector<16xf32>,
        %parallel_loop3A_425 = arith.constant 0 : i32
        %parallel_loop3A_426 = arith.addi %parallel_loop3A_421, %parallel_loop3A_425 : i32
        %parallel_loop3A_427 = arith.index_cast %parallel_loop3A_426 : i32 to index
        %parallel_loop3A_428 = tpu.vector_load %arg8[%parallel_loop3A_427] {strides = array<i32>} : memref<25600xf32, #tpu.memory_space<vmem>>, vector<16xf32>,
        tpu.vector_store %arg8[%parallel_loop3A_427], %parallel_loop3A_424 {strides = array<i32>} : memref<25600xf32, #tpu.memory_space<vmem>>, vector<16xf32>,
        %parallel_loop3A_429 = arith.index_cast %parallel_loop3A_419 : i32 to index
        %parallel_loop3A_430 = arith.constant 16 : index
        %parallel_loop3A_431 = tpu.vector_load %arg6[%parallel_loop3A_429, %parallel_loop3A_430] {strides = array<i32>} : memref<20x48xf32, #tpu.memory_space<vmem>>, vector<16xf32>,
        %parallel_loop3A_432 = arith.constant 16 : i32
        %parallel_loop3A_433 = arith.addi %parallel_loop3A_421, %parallel_loop3A_432 : i32
        %parallel_loop3A_434 = arith.index_cast %parallel_loop3A_433 : i32 to index
        %parallel_loop3A_435 = tpu.vector_load %arg8[%parallel_loop3A_434] {strides = array<i32>} : memref<25600xf32, #tpu.memory_space<vmem>>, vector<16xf32>,
        tpu.vector_store %arg8[%parallel_loop3A_434], %parallel_loop3A_431 {strides = array<i32>} : memref<25600xf32, #tpu.memory_space<vmem>>, vector<16xf32>,
        %parallel_loop3A_436 = arith.index_cast %parallel_loop3A_419 : i32 to index
        %parallel_loop3A_437 = arith.constant 32 : index
        %parallel_loop3A_438 = tpu.vector_load %arg6[%parallel_loop3A_436, %parallel_loop3A_437] {strides = array<i32>} : memref<20x48xf32, #tpu.memory_space<vmem>>, vector<16xf32>,
        %parallel_loop3A_439 = arith.constant 32 : i32
        %parallel_loop3A_440 = arith.addi %parallel_loop3A_421, %parallel_loop3A_439 : i32
        %parallel_loop3A_441 = arith.index_cast %parallel_loop3A_440 : i32 to index
        %parallel_loop3A_442 = tpu.vector_load %arg8[%parallel_loop3A_441] {strides = array<i32>} : memref<25600xf32, #tpu.memory_space<vmem>>, vector<16xf32>,
        tpu.vector_store %arg8[%parallel_loop3A_441], %parallel_loop3A_438 {strides = array<i32>} : memref<25600xf32, #tpu.memory_space<vmem>>, vector<16xf32>,
        %parallel_loop3A_443 = vector.extract_strided_slice %parallel_loop3A_65 {offsets = [15], sizes = [1], strides = [1]} : vector<16xi32> to vector<1xi32>
        %parallel_loop3A_444 = vector.extract %parallel_loop3A_443[0] : i32 from vector<1xi32>
        %parallel_loop3A_445 = arith.constant 600 : i32
        %parallel_loop3A_446 = arith.addi %parallel_loop3A_67, %parallel_loop3A_445 : i32
        %parallel_loop3A_447 = arith.index_cast %parallel_loop3A_444 : i32 to index
        %parallel_loop3A_448 = arith.constant 0 : index
        %parallel_loop3A_449 = tpu.vector_load %arg6[%parallel_loop3A_447, %parallel_loop3A_448] {strides = array<i32>} : memref<20x48xf32, #tpu.memory_space<vmem>>, vector<16xf32>,
        %parallel_loop3A_450 = arith.constant 0 : i32
        %parallel_loop3A_451 = arith.addi %parallel_loop3A_446, %parallel_loop3A_450 : i32
        %parallel_loop3A_452 = arith.index_cast %parallel_loop3A_451 : i32 to index
        %parallel_loop3A_453 = tpu.vector_load %arg8[%parallel_loop3A_452] {strides = array<i32>} : memref<25600xf32, #tpu.memory_space<vmem>>, vector<16xf32>,
        tpu.vector_store %arg8[%parallel_loop3A_452], %parallel_loop3A_449 {strides = array<i32>} : memref<25600xf32, #tpu.memory_space<vmem>>, vector<16xf32>,
        %parallel_loop3A_454 = arith.index_cast %parallel_loop3A_444 : i32 to index
        %parallel_loop3A_455 = arith.constant 16 : index
        %parallel_loop3A_456 = tpu.vector_load %arg6[%parallel_loop3A_454, %parallel_loop3A_455] {strides = array<i32>} : memref<20x48xf32, #tpu.memory_space<vmem>>, vector<16xf32>,
        %parallel_loop3A_457 = arith.constant 16 : i32
        %parallel_loop3A_458 = arith.addi %parallel_loop3A_446, %parallel_loop3A_457 : i32
        %parallel_loop3A_459 = arith.index_cast %parallel_loop3A_458 : i32 to index
        %parallel_loop3A_460 = tpu.vector_load %arg8[%parallel_loop3A_459] {strides = array<i32>} : memref<25600xf32, #tpu.memory_space<vmem>>, vector<16xf32>,
        tpu.vector_store %arg8[%parallel_loop3A_459], %parallel_loop3A_456 {strides = array<i32>} : memref<25600xf32, #tpu.memory_space<vmem>>, vector<16xf32>,
        %parallel_loop3A_461 = arith.index_cast %parallel_loop3A_444 : i32 to index
        %parallel_loop3A_462 = arith.constant 32 : index
        %parallel_loop3A_463 = tpu.vector_load %arg6[%parallel_loop3A_461, %parallel_loop3A_462] {strides = array<i32>} : memref<20x48xf32, #tpu.memory_space<vmem>>, vector<16xf32>,
        %parallel_loop3A_464 = vector.broadcast %parallel_loop3A_67 : i32 to vector<16xi32>
        %parallel_loop3A_465 = arith.addi %add3A_7, %parallel_loop3A_464 : vector<16xi32>
        tpu.vector_store_idx %arg8[%parallel_loop3A_465], %parallel_loop3A_463 masked %lt3A_4 : memref<25600xf32, #tpu.memory_space<vmem>>[vector<16xi32>], vector<16xf32>, vector<16xi1>
      } {sc.loop_unroll_factor = 2 : i64, sc.parallel_access}
      %mul3A_51 = arith.constant 640 : i32
      %mul3A_52 = arith.muli %add3A_42, %mul3A_51 : i32
      %add3A_53 = arith.addi %mul3A_2, %mul3A_52 : i32
      %mul3A_54 = arith.constant 40 : i32
      %mul3A_55 = arith.muli %add3A_53, %mul3A_54 : i32
      %dma_start3A_56 = tpu.memref_slice %arg4[%mul3A_55] : memref<32768000xf32, #tpu.memory_space<hbm>> -> memref<25600xf32, #tpu.memory_space<hbm>>
      %dma_start3A_57 = tpu.memref_slice %arg4[%mul3A_55] : memref<32768000xf32, #tpu.memory_space<hbm>> -> memref<25600xf32, #tpu.memory_space<hbm>>
      tpu.enqueue_dma source(%arg8 : memref<25600xf32, #tpu.memory_space<vmem>>) target(%dma_start3A_57 : memref<25600xf32, #tpu.memory_space<hbm>>) target_semaphore(%arg10 : memref<!tpu.dma_semaphore, #tpu.memory_space<semaphore_mem>>)
    }
    %scan3A_12 = arith.constant 20 : i32
    %add3A_13 = arith.constant 24320 : i32
    %add3A_14 = arith.addi %mul3A_2, %add3A_13 : i32
    %mul3A_15 = arith.constant 40 : i32
    %mul3A_16 = arith.muli %add3A_14, %mul3A_15 : i32
    %dma_wait3A = tpu.memref_slice %arg4[%mul3A_16] : memref<32768000xf32, #tpu.memory_space<hbm>> -> memref<25600xf32, #tpu.memory_space<hbm>>
    %dma_wait3A_17 = tpu.memref_slice %arg4[%mul3A_16] : memref<32768000xf32, #tpu.memory_space<hbm>> -> memref<25600xf32, #tpu.memory_space<hbm>>
    tpu.wait_dma2 semaphore(%arg9 : memref<!tpu.dma_semaphore, #tpu.memory_space<semaphore_mem>>) src(%arg7 : memref<25600xf32, #tpu.memory_space<vmem>>) dst(%dma_wait3A_17 : memref<25600xf32, #tpu.memory_space<hbm>>)
    %add3A_18 = arith.constant 24960 : i32
    %add3A_19 = arith.addi %mul3A_2, %add3A_18 : i32
    %mul3A_20 = arith.constant 40 : i32
    %mul3A_21 = arith.muli %add3A_19, %mul3A_20 : i32
    %dma_wait3A_22 = tpu.memref_slice %arg4[%mul3A_21] : memref<32768000xf32, #tpu.memory_space<hbm>> -> memref<25600xf32, #tpu.memory_space<hbm>>
    %dma_wait3A_23 = tpu.memref_slice %arg4[%mul3A_21] : memref<32768000xf32, #tpu.memory_space<hbm>> -> memref<25600xf32, #tpu.memory_space<hbm>>
    tpu.wait_dma2 semaphore(%arg10 : memref<!tpu.dma_semaphore, #tpu.memory_space<semaphore_mem>>) src(%arg8 : memref<25600xf32, #tpu.memory_space<vmem>>) dst(%dma_wait3A_23 : memref<25600xf32, #tpu.memory_space<hbm>>)
    return
  }
}

</mosaic_0001>

<sc_bundles>
// kernel: kernel.3.cloned.1.call-start
scs
__scs_entry_jumppad:
0x0: {  	(pc) =	sbr.rel $0x88, $3  }
0x1: {  	(tag) =	ssettag $0x0;
	lr =	simm.s32 $0x1  }
0x2: {  	[smem:$0x3F9F] =	sst lr;
	_ =	strace $0xD0000000  }
0x3: {  	_ = 	snop  }
0x4: {  	_ = 	snop  }
0x5: {  	_ = 	snop  }
0x6: {  	_ = 	snop  }
0x7: {  	_ = 	snop  }
__scs_overlays_trampoline_lowered:
0x8: {  	[smem:$0x3FAE] =	sst s0  }
0x9: {  	[smem:$0x3FAF] =	sst s1  }
0xa: {  	[smem:$0x3FB0] =	sst s2  }
0xb: {  	[smem:$0x3FB1] =	sst s3  }
0xc: {  	[smem:$0x3FB2] =	sst s4  }
0xd: {  	[smem:$0x3FB3] =	sst s5  }
0xe: {  	[smem:$0x3FB4] =	sst s6  }
0xf: {  	[smem:$0x3FB5] =	sst s7  }
0x10: {  	[smem:$0x3FB6] =	sst s8  }
0x11: {  	[smem:$0x3FB7] =	sst s9;
	s0 =	simm.s32 @!p0 $0x0  }
0x12: {  	s1 =	sld [smem:$0x3F9D];
	s0 =	simm.s32 @p0 $0x1  }
0x13: {  	[smem:$0x3FB8] =	sst s0;
	s0 =	simm.s32 @!p1 $0x0  }
0x14: {  	s2 =	sld [smem:$0x3F9C];
	s0 =	simm.s32 @p1 $0x1  }
0x15: {  	[smem:$0x3FB9] =	sst s0;
	s0 =	simm.s32 @!p2 $0x0  }
0x16: {  	s3 =	sld [smem:$0x3FDB];
	s0 =	simm.s32 @p2 $0x1  }
0x17: {  	s4 =	simm.s32 $0x1BF5;
	[smem:$0x3FBB] =	sst s0  }
0x18: {  	s0 =	sld [smem:$0x3F9E];
	_ =	swait.ge [sflag:s4], $0x0  }
0x19: {  	s7 =	sld [smem:$0x3F9F]  }
0x1a: {  	s8 =	sadd.s32 $0xFFFFE003, lr  }
0x1b: {  	s9 =	sadd.s32 $0xFFFFFEF7, lr;
	s5 =	simm.s32 $0xFFFFFFFF;
	p2 =	slt.u32 s8, $0xFFFFF086  }
0x1c: {  	p1 =	slt.u32 s9, $0xF7A;
	s5 =	simm.s32 @!p2 $0x0  }
0x1d: {  	s5 =	simm.s32 @p1 $0x1;
	p0 =	seq.s32 s7, s2  }
0x1e: {  	s7 =	smul.u32 @!p0 $0xF7A, s2;
	p2 =	seq.s32 @!p0 s5, $0x0  }
0x1f: {  	s9 =	smul.u32 $0xF7A, s1;
	s8 =	simm.s32 @!p0 $0x1BF5;
	p2 =	por !p2, p0  }
0x20: {  	[sflag:s8] =	ssyncset.s32 @!p0 $0xFFFFF086;
	s6 =	sadd.s32 @!p0 s3, s7;
	s7 =	simm.s32 @!p0 $0x108  }
0x21: {  	s3 =	sadd.s32 s3, s9;
	s6 =	sadd.s32 @!p0 $0x88, s6;
	s7 =	simm.s32 @p2 $0x1082  }
0x22: {  	[simem:s7], [sflag:s8] =	dma.local @!p0 [hbm:s6], $0xF7A  }
0x23: {  	s9 =	sor.u32 $0xD0000000, s2;
	s6 =	simm.s32 $0x108;
	_ =	swait.ge @!p0 [sflag:s8], $0x0  }
0x24: {  	s3 =	sadd.s32 $0x88, s3;
	s6 =	simm.s32 @!p1 $0x1082;
	[sflag:s4] =	ssyncset.s32 $0xFFFFF086  }
0x25: {  	[simem:s6], [sflag:s4] =	dma.local [hbm:s3], $0xF7A  }
0x26: {  	[smem:$0x3F9F] =	sst s1;
	(tag) =	ssettag s2;
	_ =	strace s9  }
0x27: {  	s1 =	sld [smem:$0x3FAF]  }
0x28: {  	s2 =	sld [smem:$0x3FB0]  }
0x29: {  	s4 =	sld [smem:$0x3FB2]  }
0x2a: {  	p0 =	seq.s32 s5, $0x0;
	s5 =	sld [smem:$0x3FB3]  }
0x2b: {  	s6 =	sld [smem:$0x3FB4]  }
0x2c: {  	s7 =	sld [smem:$0x3FB5]  }
0x2d: {  	s3 =	simm.s32 $0x108;
	s8 =	sld [smem:$0x3FB6]  }
0x2e: {  	s3 =	simm.s32 @!p0 $0x1082;
	s9 =	sld [smem:$0x3FB7]  }
0x2f: {  	lr =	sadd.s32 s0, s3;
	s0 =	sld [smem:$0x3FAE]  }
0x30: {  	s3 =	sld [smem:$0x3FB1]  }
0x31: {  	[smem:$0x3FBA] =	sst s10  }
0x32: {  	s10 =	sld [smem:$0x3FB8];
	_ =	sdelay $0x3  }
0x33: {  	p0 =	seq.s32 s10, $0x1;
	s10 =	sld [smem:$0x3FBA];
	_ =	sdelay $0x3  }
0x34: {  	[smem:$0x3FBA] =	sst s10  }
0x35: {  	s10 =	sld [smem:$0x3FB9];
	_ =	sdelay $0x3  }
0x36: {  	p1 =	seq.s32 s10, $0x1;
	s10 =	sld [smem:$0x3FBA];
	_ =	sdelay $0x3  }
0x37: {  	[smem:$0x3FBA] =	sst s10  }
0x38: {  	s10 =	sld [smem:$0x3FBB]  }
0x39: {  	_ = 	snop;
	(pc) =	sbr.ind lr, $3  }
0x3a: {  	_ = 	snop  }
0x3b: {  	_ = 	snop  }
0x3c: {  	p2 =	seq.s32 s10, $0x1;
	s10 =	sld [smem:$0x3FBA]  }
0x3d: {  	_ =	shalt  }
0x3e: {  	_ =	shalt  }
0x3f: {  	_ =	shalt  }
0x40: {  	_ =	shalt  }
0x41: {  	_ =	shalt  }
0x42: {  	_ =	shalt  }
0x43: {  	_ =	shalt  }
0x44: {  	_ =	shalt  }
0x45: {  	_ =	shalt  }
0x46: {  	_ =	shalt  }
0x47: {  	_ =	shalt  }
0x48: {  	_ =	shalt  }
0x49: {  	_ =	shalt  }
0x4a: {  	_ =	shalt  }
0x4b: {  	_ =	shalt  }
0x4c: {  	_ =	shalt  }
0x4d: {  	_ =	shalt  }
0x4e: {  	_ =	shalt  }
0x4f: {  	_ =	shalt  }
0x50: {  	_ =	shalt  }
0x51: {  	_ =	shalt  }
0x52: {  	_ =	shalt  }
0x53: {  	_ =	shalt  }
0x54: {  	_ =	shalt  }
0x55: {  	_ =	shalt  }
0x56: {  	_ =	shalt  }
0x57: {  	_ =	shalt  }
0x58: {  	_ =	shalt  }
0x59: {  	_ =	shalt  }
0x5a: {  	_ =	shalt  }
0x5b: {  	_ =	shalt  }
0x5c: {  	_ =	shalt  }
0x5d: {  	_ =	shalt  }
0x5e: {  	_ =	shalt  }
0x5f: {  	_ =	shalt  }
0x60: {  	_ =	shalt  }
0x61: {  	_ =	shalt  }
0x62: {  	_ =	shalt  }
0x63: {  	_ =	shalt  }
0x64: {  	_ =	shalt  }
0x65: {  	_ =	shalt  }
0x66: {  	_ =	shalt  }
0x67: {  	_ =	shalt  }
0x68: {  	_ =	shalt  }
0x69: {  	_ =	shalt  }
0x6a: {  	_ =	shalt  }
0x6b: {  	_ =	shalt  }
0x6c: {  	_ =	shalt  }
0x6d: {  	_ =	shalt  }
0x6e: {  	_ =	shalt  }
0x6f: {  	_ =	shalt  }
0x70: {  	_ =	shalt  }
0x71: {  	_ =	shalt  }
0x72: {  	_ =	shalt  }
0x73: {  	_ =	shalt  }
0x74: {  	_ =	shalt  }
0x75: {  	_ =	shalt  }
0x76: {  	_ =	shalt  }
0x77: {  	_ =	shalt  }
0x78: {  	_ =	shalt  }
0x79: {  	_ =	shalt  }
0x7a: {  	_ =	shalt  }
0x7b: {  	_ =	shalt  }
0x7c: {  	_ =	shalt  }
0x7d: {  	_ =	shalt  }
0x7e: {  	_ =	shalt  }
0x7f: {  	_ =	shalt  }
0x80: {  	_ =	shalt  }
0x81: {  	_ =	shalt  }
0x82: {  	_ =	shalt  }
0x83: {  	_ =	shalt  }
0x84: {  	_ =	shalt  }
0x85: {  	_ =	shalt  }
0x86: {  	_ =	shalt  }
0x87: {  	_ =	shalt  }
.Lfunc_end0:
.L_simem_size_0:
called_computation.1_lowered:
.L_overlay_start_0:
0x88: {  	s2 =	sld [smem:$0x3FD9]  }
0x89: {  	s3 =	sld [smem:$0x3FFE];
	_ =	sdelay $0x1  }
0x8a: {  	s1 =	srdreg.scid  }
0x8b: {  	s0 =	sand.u32 $0x1, s1  }
0x8c: {  	s17 =	sshll.u32 s0, $0xA;
	s2 =	sadd.s32 s3, s2  }
0x8d: {  	s2 =	sadd.s32 s2, s17  }
0x8e: {  	[smem:$0x3FC6] =	sst s2  }
0x8f: {  	_ = 	snop  }
0x90: {  	s2 =	sld [smem:$0x3FD0];
	(tm) =	ssettm $0x1  }
0x91: {  	s18 =	sld [smem:$0x3FFB];
	_ =	sdelay $0x3  }
0x92: {  	_ =	strace s18  }
0x93: {  	s3 =	sld [smem:$0x3FFC];
	_ =	sdelay $0x3  }
0x94: {  	_ =	strace s3  }
0x95: {  	s3 =	sld [smem:$0x3FFD];
	_ =	sdelay $0x3  }
0x96: {  	_ =	strace s3  }
0x97: {  	_ =	strace $0x8FFFFFFF  }
0x98: {  	s19 =	sld [smem:$0x3FDB];
	_ =	sdelay $0x1  }
0x99: {  	s4 =	simm.s32 $_scs_section_size  }
0x9a: {  	s5 =	simm.s32 $_size__tile_overlayer_lowered;
	s6 =	simm.s32 $_tile_overlayer_lowered  }
0x9b: {  	s22 =	simm.s32 $0x1BFF;
	s21 =	sshll.u32 s6, $0x1;
	s3 =	sadd.s32 s4, s19  }
0x9c: {  	s7 =	simm.s32 $0x0;
	s20 =	sshll.u32 s5, $0x1;
	s5 =	sadd.s32 s21, s3  }
0x9d: {  	[timem:s7], [sflag:s22] =	dma.local [hbm:s5], s20  }
0x9e: {  	_ =	swait.ge [sflag:s22], s20  }
0x9f: {  	s4 =	ssub.s32 $0x0, s20;
	[sflag:s22] =	ssyncset.done $0x0  }
0xa0: {  	[sflag:s22] =	ssyncadd.s32 s4;
	_ =	sdelay $0x1  }
0xa1: {  	s23 =	simm.s32 $0x1B8B  }
0xa2: {  	_ =	swait.ge [sflag:s23], $0x1  }
0xa3: {  	[sflag:s23] =	ssyncset.done $0x0  }
0xa4: {  	s25 =	simm.s32 $0x1B8E;
	s24 =	sld [smem:$0x3FFE];
	[sflag:s23] =	ssyncadd.s32 $0xFFFFFFFF  }
0xa5: {  	s26 =	simm.s32 $execute0_lowered;
	[smem:$0x3FD2] =	sst s25  }
0xa6: {  	s5 =	sshll.u32 s26, $0x1;
	_ =	strace $0x80000046;
	[dreg:$0x1] =	wrdreg $0xFFFFFFFF  }
0xa7: {  	s28 =	simm.s32 $_size_execute0_lowered;
	s3 =	sadd.s32 s3, s5;
	[dreg:$0x0] =	wrdreg $0x0  }
0xa8: {  	s5 =	sshll.u32 s28, $0x1;
	[dreg:$0x2] =	wrdreg s3  }
0xa9: {  	[dreg:$0x3] =	wrdreg s5  }
0xaa: {  	[dreg:$0x4] =	wrdreg $0xC0  }
0xab: {  	_ =	task [dreg:s7], $0x5FFFF  }
0xac: {  	[dreg:$0x1] =	wrdreg $0xFFFFFFFF  }
0xad: {  	[dreg:$0x0] =	wrdreg $0x60  }
0xae: {  	[dreg:$0x2] =	wrdreg s24  }
0xaf: {  	[dreg:$0x3] =	wrdreg s2  }
0xb0: {  	[dreg:$0x4] =	wrdreg $0x9  }
0xb1: {  	_ =	task.clear_ibuf [dreg:s7], $0x5FFFF;
	_ =	strace $0x90000046  }
0xb2: {  	s29 =	simm.s32 $0x9;
	_ =	strace $0x80000048  }
0xb3: {  	_ =	swait.ge [sflag:s29], $0x1  }
0xb4: {  	[sflag:s29] =	ssyncadd.s32 $0xFFFFFFFF  }
0xb5: {  	_ =	strace $0x90000048  }
0xb6: {  	_ =	sfence  }
0xb7: {  	s30 =	sld [smem:$0x0];
	_ =	sdelay $0x2  }
0xb8: {  	s31 =	sshll.u32 s1, $0xD;
	s1 =	sshrl.u32 s1, $0x2  }
0xb9: {  	s3 =	sand.u32 $0x4000, s31;
	s1 =	sadd.s32 s1, s30  }
0xba: {  	s0 =	sor.u32 s3, s0;
	s1 =	sshll.u32 s1, $0x11  }
0xbb: {  	s0 =	sor.u32 s1, s0  }
0xbc: {  	s0 =	sadd.s32 $0x8F2B, s0  }
0xbd: {  	[sflag:s0] =	ssyncadd.remote.s32 $0x1  }
0xbe: {  	_ =	sfence.sel $0xFFFF  }
0xbf: {  	[dreg:$0x0] =	wrdreg $0xFFFFFFFF;
	(pc) =	sbr.abs _section_cstart, $3  }
0xc0: {  	[dreg:$0x1] =	wrdreg $0xFFFFFFFF  }
0xc1: {  	_ =	task.clear_ibuf [dreg:s7], $0x2FFFF;
	_ =	strace $0x9FFFFFFF  }
0xc2: {  	(tm) =	ssettm $0x7FFFFFFF  }
0xc3: {  	_ =	shalt  }
tec
execute0_lowered:
.L_overlay_start_1:
0x0: {  	(tag) =	ssettag $0x1  }
0x1: {  	s0 =	srdreg.scid;
	s2 =	stileid.u32  }
0x2: {  	s0 =	sand.u32 $0x1, s0;
	s2 =	sshll.u32 s2, $0x1  }
0x3: {  	s3 =	simm.s32 $0x0;
	s2 =	sor.u32 s0, s2;
	s0 =	ssub.s32 $0x2, s0  }
0x4: {  	[smem:$0x7FF] =	sst s3;
	s2 =	smul.u32 $0x6400, s2;
	s30 =	sshrl.u32 s0, $0x1  }
0x5: {  	s1 =	rddreg [dreg:$0x0];
	_ =	strace $0x80000047;
	s0 =	ssub.s32 s0, s30  }
0x6: {  	[dreg:$0x17] =	wrdreg s2;
	s2 =	sshrl.u32 s2, $0x3;
	s0 =	smax.u32 s0, $0x1  }
0x7: {  	s2 =	sadd.s32 s2, s1;
	s1 =	sadd.s32 $0x800, s1;
	[dreg:$0x1a] =	wrdreg s0  }
0x8: {  	v1 =	vlaneseq.u32;
	[dreg:$0x18] =	wrdreg s1;
	s31 =	sadd.s32 $0xA00, s2  }
0x9: {  	s25 =	simm.s32 $0x67C0;
	v0 =	vadd.s32 $0x278, v1;
	v1 =	vand.u32 $0x7, v1;
	s2 =	simm.s32 $0x0;
	[dreg:$0x19] =	wrdreg s31  }
.LBB2_1:
0xa: {  	[dreg:$0x1b] =	wrdreg s2  }
0xb: {  	s0 =	simm.s32 $0x0;
	s1 =	rddreg [dreg:$0x19];
	s29 =	simm.s32 $0x3  }
0xc: {  	[tilespmem:s0], [sflag:$0x3] =	stream.linear.gather [hbm4b:s1+s0], $0x6400, $0x38;
	[tilespmem:$0x12FC0] =	vst v63  }
0xd: {  	_ =	swait.ge [sflag:s29], $0x6400  }
0xe: {  	[sflag:s29] =	ssyncset.done $0x0  }
0xf: {  	s3 =	simm.s32 $0x6400;
	s30 =	rddreg [dreg:$0x18];
	[sflag:s29] =	ssyncadd.s32 $0xFFFF9C00  }
0x10: {  	[tilespmem:s3], [sflag:$0x3] =	stream.linear.gather [hbm4b:s30+s0], $0x3C0, $0x38;
	[tilespmem:$0x12FC0] =	vst v63  }
0x11: {  	_ =	swait.ge [sflag:s29], $0x3C0  }
0x12: {  	s2 =	simm.s32 $0x10;
	s31 =	simm.s32 $0x290;
	[sflag:s29] =	ssyncset.done $0x0  }
0x13: {  	s1 =	simm.s32 $0x0;
	[dreg:$0x1d] =	wrdreg s31;
	[sflag:s29] =	ssyncadd.s32 $0xFFFFFC40  }
.LBB2_2:
0x14: {  	p0 =	seq.s32 s1, $0x0  }
0x15: {  	[dreg:$0x1e] =	wrdreg s1;
	s0 =	simm.s32 @!p0 $0x1  }
0x16: {  	_ =	swait.ge @!p0 [sflag:s0], $0x6400  }
0x17: {  	[sflag:s0] =	ssyncset.done @!p0 $0x0  }
0x18: {  	[sflag:s0] =	ssyncadd.s32 @!p0 $0xFFFF9C00  }
0x19: {  	v2 =	vld [tilespmem:s2+$0x0];
	_ =	sdelay $0x1  }
0x1a: {  	v4 =	vld [tilespmem:s2+$0xFFFFFFF0];
	_ =	sdelay $0x2  }
0x1b: {  	v2 =	vmul.u32 $0xC0, v2;
	_ =	sdelay $0x1  }
0x1c: {  	v3 =	vshra.s32 v2, $0x2;
	v2 =	vmul.u32 $0xC0, v4  }
0x1d: {  	(v2sf) =	vpush v3, $0x0  }
0x1e: {  	v2 =	vshra.s32 v2, $0x2  }
0x1f: {  	(v2sf) =	vpush v2, $0x0  }
0x20: {  	(v2sf) =	vpush v2, $0x1  }
0x21: {  	(v2sf) =	vpush v2, $0x2  }
0x22: {  	(v2sf) =	vpush v2, $0x3  }
0x23: {  	(v2sf) =	vpush v2, $0x4  }
0x24: {  	(v2sf) =	vpush v2, $0x5  }
0x25: {  	(v2sf) =	vpush v2, $0x6  }
0x26: {  	(v2sf) =	vpush v2, $0x7  }
0x27: {  	(v2sf) =	vpush v2, $0x8  }
0x28: {  	(v2sf) =	vpush v2, $0x9  }
0x29: {  	(v2sf) =	vpush v2, $0xA  }
0x2a: {  	(v2sf) =	vpush v2, $0xB  }
0x2b: {  	(v2sf) =	vpush v2, $0xC  }
0x2c: {  	s22 =	spop (v2sf);
	(v2sf) =	vpush v2, $0xD  }
0x2d: {  	v4 =	vld [tilespmem:s22+$0x6400];
	(v2sf) =	vpush v2, $0xE  }
0x2e: {  	s12 =	spop (v2sf)  }
0x2f: {  	(v2sf) =	vpush v3, $0x1;
	s13 =	spop (v2sf)  }
0x30: {  	s14 =	spop (v2sf)  }
0x31: {  	s0 =	simm.s32 $0x6A40;
	v5 =	vld [tilespmem:s12+$0x6400];
	s11 =	spop (v2sf)  }
0x32: {  	[tilespmem:s0+$0x0] =	vst v4;
	s8 =	spop (v2sf)  }
0x33: {  	v4 =	vld [tilespmem:s22+$0x6410];
	s3 =	spop (v2sf)  }
0x34: {  	s15 =	spop (v2sf)  }
0x35: {  	s10 =	spop (v2sf)  }
0x36: {  	[tilespmem:s0+$0xFFFFFD80] =	vst v5;
	s7 =	spop (v2sf)  }
0x37: {  	v5 =	vld [tilespmem:s12+$0x6410];
	s4 =	spop (v2sf)  }
0x38: {  	[tilespmem:s0+$0x10] =	vst v4;
	s1 =	spop (v2sf)  }
0x39: {  	v4 =	vld [tilespmem:s22+$0x6420];
	s9 =	spop (v2sf)  }
0x3a: {  	s6 =	spop (v2sf)  }
0x3b: {  	s5 =	spop (v2sf)  }
0x3c: {  	[tilespmem:s0+$0xFFFFFD90] =	vst v5;
	s16 =	spop (v2sf)  }
0x3d: {  	[smem:$0x7F8] =	sst s16  }
0x3e: {  	s23 =	spop (v2sf);
	[tilespmem:s0+$0x20] =	vst v4  }
0x3f: {  	(v2sf) =	vpush v2, $0xF;
	v4 =	vld [tilespmem:s23+$0x6400]  }
0x40: {  	v5 =	vld [tilespmem:s12+$0x6420]  }
0x41: {  	(v2sf) =	vpush v3, $0x2;
	_ =	sdelay $0x2  }
0x42: {  	[tilespmem:s0+$0x28] =	vst v4  }
0x43: {  	[tilespmem:s0+$0xFFFFFDA0] =	vst v5;
	v4 =	vld [tilespmem:s23+$0x6410]  }
0x44: {  	v2 =	vld [tilespmem:s13+$0x6400];
	_ =	sdelay $0x3  }
0x45: {  	[tilespmem:s0+$0x38] =	vst v4  }
0x46: {  	[tilespmem:s0+$0xFFFFFDA8] =	vst v2;
	v4 =	vld [tilespmem:s23+$0x6420]  }
0x47: {  	v2 =	vld [tilespmem:s13+$0x6410];
	_ =	sdelay $0x1  }
0x48: {  	s24 =	spop (v2sf)  }
0x49: {  	[smem:$0x7F9] =	sst s24  }
0x4a: {  	s26 =	spop (v2sf);
	[tilespmem:s0+$0x48] =	vst v4  }
0x4b: {  	[tilespmem:s0+$0xFFFFFDB8] =	vst v2;
	v4 =	vld [tilespmem:s26+$0x6400]  }
0x4c: {  	v2 =	vld [tilespmem:s13+$0x6420]  }
0x4d: {  	(v2sf) =	vpush v3, $0x3;
	_ =	sdelay $0x2  }
0x4e: {  	[tilespmem:s0+$0x50] =	vst v4  }
0x4f: {  	[tilespmem:s0+$0xFFFFFDC8] =	vst v2;
	v4 =	vld [tilespmem:s26+$0x6410]  }
0x50: {  	v2 =	vld [tilespmem:s14+$0x6400];
	_ =	sdelay $0x3  }
0x51: {  	[tilespmem:s0+$0x60] =	vst v4  }
0x52: {  	[tilespmem:s0+$0xFFFFFDD0] =	vst v2;
	v4 =	vld [tilespmem:s26+$0x6420]  }
0x53: {  	v2 =	vld [tilespmem:s14+$0x6410];
	_ =	sdelay $0x3  }
0x54: {  	s13 =	spop (v2sf);
	[tilespmem:s0+$0x70] =	vst v4  }
0x55: {  	[tilespmem:s0+$0xFFFFFDE0] =	vst v2;
	v4 =	vld [tilespmem:s13+$0x6400]  }
0x56: {  	v2 =	vld [tilespmem:s14+$0x6420]  }
0x57: {  	(v2sf) =	vpush v3, $0x4;
	_ =	sdelay $0x2  }
0x58: {  	[tilespmem:s0+$0x78] =	vst v4  }
0x59: {  	[tilespmem:s0+$0xFFFFFDF0] =	vst v2;
	v4 =	vld [tilespmem:s13+$0x6410]  }
0x5a: {  	v2 =	vld [tilespmem:s11+$0x6400];
	_ =	sdelay $0x3  }
0x5b: {  	[tilespmem:s0+$0x88] =	vst v4  }
0x5c: {  	[tilespmem:s0+$0xFFFFFDF8] =	vst v2;
	v4 =	vld [tilespmem:s13+$0x6420]  }
0x5d: {  	v2 =	vld [tilespmem:s11+$0x6410];
	_ =	sdelay $0x3  }
0x5e: {  	s14 =	spop (v2sf);
	[tilespmem:s0+$0x98] =	vst v4  }
0x5f: {  	[tilespmem:s0+$0xFFFFFE08] =	vst v2;
	v4 =	vld [tilespmem:s14+$0x6400]  }
0x60: {  	v2 =	vld [tilespmem:s11+$0x6420];
	s11 =	sadd.s32 $0x20, s2;
	[dreg:$0x1c] =	wrdreg s2  }
0x61: {  	(v2sf) =	vpush v3, $0x5;
	v5 =	vld [tilespmem:s11+$0x0]  }
0x62: {  	v6 =	vld [tilespmem:s11+$0xFFFFFFF0];
	_ =	sdelay $0x1  }
0x63: {  	[tilespmem:s0+$0xA0] =	vst v4  }
0x64: {  	[tilespmem:s0+$0xFFFFFE18] =	vst v2;
	v7 =	vld [tilespmem:s14+$0x6410]  }
0x65: {  	v2 =	vld [tilespmem:s8+$0x6400];
	v4 =	vmul.u32 $0xC0, v5  }
0x66: {  	v5 =	vmul.u32 $0xC0, v6  }
0x67: {  	v4 =	vshra.s32 v4, $0x2  }
0x68: {  	v5 =	vshra.s32 v5, $0x2;
	(v2sf) =	vpush v4, $0x0  }
0x69: {  	(v2sf) =	vpush v5, $0x0;
	[tilespmem:s0+$0xB0] =	vst v7  }
0x6a: {  	[tilespmem:s0+$0xFFFFFE20] =	vst v2;
	(v2sf) =	vpush v5, $0x1;
	v6 =	vld [tilespmem:s14+$0x6420]  }
0x6b: {  	v2 =	vld [tilespmem:s8+$0x6410];
	(v2sf) =	vpush v5, $0x2  }
0x6c: {  	(v2sf) =	vpush v5, $0x3  }
0x6d: {  	(v2sf) =	vpush v5, $0x4  }
0x6e: {  	(v2sf) =	vpush v5, $0x5  }
0x6f: {  	s16 =	spop (v2sf);
	(v2sf) =	vpush v5, $0x6;
	[tilespmem:s0+$0xC0] =	vst v6  }
0x70: {  	[tilespmem:s0+$0xFFFFFE30] =	vst v2;
	(v2sf) =	vpush v5, $0x7;
	v6 =	vld [tilespmem:s16+$0x6400]  }
0x71: {  	v2 =	vld [tilespmem:s8+$0x6420];
	(v2sf) =	vpush v3, $0x6  }
0x72: {  	(v2sf) =	vpush v5, $0x8  }
0x73: {  	(v2sf) =	vpush v5, $0x9  }
0x74: {  	(v2sf) =	vpush v5, $0xA  }
0x75: {  	(v2sf) =	vpush v5, $0xB;
	[tilespmem:s0+$0xC8] =	vst v6  }
0x76: {  	[tilespmem:s0+$0xFFFFFE40] =	vst v2;
	v6 =	vld [tilespmem:s16+$0x6410]  }
0x77: {  	v2 =	vld [tilespmem:s3+$0x6400];
	(v2sf) =	vpush v5, $0xC;
	s21 =	spop (v2sf)  }
0x78: {  	v7 =	vld [tilespmem:s21+$0x6400];
	s22 =	spop (v2sf)  }
0x79: {  	(v2sf) =	vpush v5, $0xD;
	s19 =	spop (v2sf)  }
0x7a: {  	s18 =	spop (v2sf)  }
0x7b: {  	v8 =	vld [tilespmem:s22+$0x6400];
	s17 =	spop (v2sf);
	[tilespmem:s0+$0xD8] =	vst v6  }
0x7c: {  	s20 =	simm.s32 $0x6F40;
	[tilespmem:s0+$0xFFFFFE48] =	vst v2;
	v6 =	vld [tilespmem:s16+$0x6420];
	s16 =	spop (v2sf)  }
0x7d: {  	(v2sf) =	vpush v5, $0xE;
	v2 =	vld [tilespmem:s3+$0x6410];
	[tilespmem:s20+$0x0] =	vst v7;
	s23 =	spop (v2sf)  }
0x7e: {  	(v2sf) =	vpush v4, $0x1;
	v7 =	vld [tilespmem:s21+$0x6410];
	s14 =	spop (v2sf)  }
0x7f: {  	s13 =	spop (v2sf)  }
0x80: {  	[tilespmem:s20+$0xFFFFFD80] =	vst v8;
	s24 =	spop (v2sf)  }
0x81: {  	v8 =	vld [tilespmem:s22+$0x6410];
	s12 =	spop (v2sf)  }
0x82: {  	[tilespmem:s0+$0xFFFFFE58] =	vst v2;
	s8 =	spop (v2sf)  }
0x83: {  	v2 =	vld [tilespmem:s3+$0x6420];
	[tilespmem:s20+$0x10] =	vst v7;
	s3 =	spop (v2sf)  }
0x84: {  	[tilespmem:s0+$0xE8] =	vst v6;
	(v2sf) =	vpush v5, $0xF;
	v5 =	vld [tilespmem:s21+$0x6420];
	s21 =	spop (v2sf)  }
0x85: {  	v6 =	vld [tilespmem:s24+$0x6400];
	[smem:$0x7FA] =	sst s21  }
0x86: {  	s26 =	spop (v2sf);
	[tilespmem:s20+$0xFFFFFD90] =	vst v8  }
0x87: {  	[smem:$0x7FB] =	sst s26  }
0x88: {  	(v2sf) =	vpush v3, $0x7;
	s21 =	spop (v2sf);
	[tilespmem:s0+$0xFFFFFE68] =	vst v2  }
0x89: {  	v7 =	vld [tilespmem:s22+$0x6420];
	[smem:$0x7FC] =	sst s21  }
0x8a: {  	v2 =	vld [tilespmem:s15+$0x6400]  }
0x8b: {  	[tilespmem:s0+$0xF0] =	vst v6  }
0x8c: {  	s28 =	spop (v2sf);
	v6 =	vld [tilespmem:s24+$0x6410]  }
0x8d: {  	s22 =	spop (v2sf);
	[tilespmem:s20+$0x20] =	vst v5  }
0x8e: {  	v5 =	vld [tilespmem:s22+$0x6400];
	[tilespmem:s20+$0xFFFFFDA0] =	vst v7  }
0x8f: {  	v7 =	vld [tilespmem:s19+$0x6400];
	[tilespmem:s0+$0xFFFFFE70] =	vst v2  }
0x90: {  	v2 =	vld [tilespmem:s15+$0x6410]  }
0x91: {  	(v2sf) =	vpush v4, $0x2;
	[tilespmem:s0+$0x100] =	vst v6  }
0x92: {  	v6 =	vld [tilespmem:s24+$0x6420]  }
0x93: {  	[tilespmem:s20+$0x28] =	vst v5  }
0x94: {  	[tilespmem:s20+$0xFFFFFDA8] =	vst v7  }
0x95: {  	v5 =	vld [tilespmem:s22+$0x6410];
	s24 =	spop (v2sf);
	[tilespmem:s0+$0xFFFFFE80] =	vst v2  }
0x96: {  	v7 =	vld [tilespmem:s19+$0x6410];
	[dreg:$0x4] =	wrdreg s24  }
0x97: {  	s26 =	spop (v2sf);
	[tilespmem:s0+$0x110] =	vst v6  }
0x98: {  	v6 =	vld [tilespmem:s26+$0x6400];
	_ =	sdelay $0x1  }
0x99: {  	(v2sf) =	vpush v3, $0x8;
	[tilespmem:s20+$0x38] =	vst v5  }
0x9a: {  	v5 =	vld [tilespmem:s22+$0x6420];
	_ =	sdelay $0x1  }
0x9b: {  	v2 =	vld [tilespmem:s15+$0x6420];
	[tilespmem:s0+$0x118] =	vst v6  }
0x9c: {  	v6 =	vld [tilespmem:s26+$0x6410];
	_ =	sdelay $0x1  }
0x9d: {  	s2 =	spop (v2sf);
	[tilespmem:s20+$0x48] =	vst v5  }
0x9e: {  	[tilespmem:s20+$0xFFFFFDB8] =	vst v7;
	v5 =	vld [tilespmem:s2+$0x6400]  }
0x9f: {  	v7 =	vld [tilespmem:s19+$0x6420];
	[tilespmem:s0+$0xFFFFFE90] =	vst v2  }
0xa0: {  	(v2sf) =	vpush v4, $0x3;
	v2 =	vld [tilespmem:s10+$0x6400];
	[tilespmem:s0+$0x128] =	vst v6  }
0xa1: {  	v6 =	vld [tilespmem:s26+$0x6420];
	_ =	sdelay $0x1  }
0xa2: {  	[tilespmem:s20+$0x50] =	vst v5  }
0xa3: {  	[tilespmem:s20+$0xFFFFFDC8] =	vst v7;
	v5 =	vld [tilespmem:s2+$0x6410]  }
0xa4: {  	v7 =	vld [tilespmem:s18+$0x6400];
	[tilespmem:s0+$0xFFFFFE98] =	vst v2  }
0xa5: {  	s21 =	spop (v2sf);
	v2 =	vld [tilespmem:s10+$0x6410];
	[tilespmem:s0+$0x138] =	vst v6  }
0xa6: {  	v6 =	vld [tilespmem:s21+$0x6400];
	_ =	sdelay $0x1  }
0xa7: {  	(v2sf) =	vpush v3, $0x9;
	[tilespmem:s20+$0x60] =	vst v5  }
0xa8: {  	[tilespmem:s20+$0xFFFFFDD0] =	vst v7;
	v5 =	vld [tilespmem:s2+$0x6420]  }
0xa9: {  	v7 =	vld [tilespmem:s18+$0x6410];
	[tilespmem:s0+$0xFFFFFEA8] =	vst v2  }
0xaa: {  	v2 =	vld [tilespmem:s10+$0x6420];
	[tilespmem:s0+$0x140] =	vst v6  }
0xab: {  	v6 =	vld [tilespmem:s21+$0x6410];
	_ =	sdelay $0x1  }
0xac: {  	s22 =	spop (v2sf);
	[tilespmem:s20+$0x70] =	vst v5  }
0xad: {  	[tilespmem:s20+$0xFFFFFDE0] =	vst v7;
	v5 =	vld [tilespmem:s22+$0x6400]  }
0xae: {  	v7 =	vld [tilespmem:s18+$0x6420];
	[tilespmem:s0+$0xFFFFFEB8] =	vst v2  }
0xaf: {  	(v2sf) =	vpush v4, $0x4;
	v2 =	vld [tilespmem:s7+$0x6400];
	[tilespmem:s0+$0x150] =	vst v6  }
0xb0: {  	v6 =	vld [tilespmem:s21+$0x6420];
	_ =	sdelay $0x1  }
0xb1: {  	[tilespmem:s20+$0x78] =	vst v5  }
0xb2: {  	[tilespmem:s20+$0xFFFFFDF0] =	vst v7;
	v5 =	vld [tilespmem:s22+$0x6410]  }
0xb3: {  	v7 =	vld [tilespmem:s17+$0x6400];
	[tilespmem:s0+$0xFFFFFEC0] =	vst v2  }
0xb4: {  	s24 =	spop (v2sf);
	v2 =	vld [tilespmem:s7+$0x6410];
	[tilespmem:s0+$0x160] =	vst v6  }
0xb5: {  	v6 =	vld [tilespmem:s24+$0x6400];
	_ =	sdelay $0x1  }
0xb6: {  	[tilespmem:s20+$0x88] =	vst v5  }
0xb7: {  	(v2sf) =	vpush v3, $0xA;
	[tilespmem:s20+$0xFFFFFDF8] =	vst v7;
	v5 =	vld [tilespmem:s22+$0x6420]  }
0xb8: {  	v7 =	vld [tilespmem:s17+$0x6410];
	[tilespmem:s0+$0xFFFFFED0] =	vst v2  }
0xb9: {  	v2 =	vld [tilespmem:s7+$0x6420];
	[tilespmem:s0+$0x168] =	vst v6  }
0xba: {  	s15 =	sadd.s32 $0x20, s11;
	v6 =	vld [tilespmem:s24+$0x6410]  }
0xbb: {  	v8 =	vld [tilespmem:s15+$0x0]  }
0xbc: {  	v9 =	vld [tilespmem:s15+$0xFFFFFFF0];
	s26 =	spop (v2sf);
	[tilespmem:s20+$0x98] =	vst v5  }
0xbd: {  	[tilespmem:s20+$0xFFFFFE08] =	vst v7;
	v5 =	vld [tilespmem:s26+$0x6400]  }
0xbe: {  	v7 =	vld [tilespmem:s17+$0x6420];
	[tilespmem:s0+$0xFFFFFEE0] =	vst v2  }
0xbf: {  	(v2sf) =	vpush v4, $0x5;
	v2 =	vld [tilespmem:s4+$0x6400];
	[tilespmem:s0+$0x178] =	vst v6  }
0xc0: {  	v6 =	vld [tilespmem:s24+$0x6420];
	_ =	sdelay $0x1  }
0xc1: {  	[tilespmem:s20+$0xA0] =	vst v5  }
0xc2: {  	[tilespmem:s20+$0xFFFFFE18] =	vst v7;
	v5 =	vld [tilespmem:s26+$0x6410]  }
0xc3: {  	v8 =	vmul.u32 $0xC0, v8;
	v7 =	vld [tilespmem:s16+$0x6400];
	[tilespmem:s0+$0xFFFFFEE8] =	vst v2  }
0xc4: {  	v9 =	vmul.u32 $0xC0, v9;
	v10 =	vld [tilespmem:s4+$0x6410];
	[tilespmem:s0+$0x188] =	vst v6  }
0xc5: {  	v2 =	vshra.s32 v8, $0x2;
	s7 =	spop (v2sf)  }
0xc6: {  	v6 =	vshra.s32 v9, $0x2;
	(v2sf) =	vpush v2, $0x0  }
0xc7: {  	[tilespmem:s20+$0xB0] =	vst v5;
	v8 =	vld [tilespmem:s7+$0x6400];
	(v2sf) =	vpush v6, $0x0  }
0xc8: {  	[tilespmem:s20+$0xFFFFFE20] =	vst v7;
	v5 =	vld [tilespmem:s26+$0x6420];
	(v2sf) =	vpush v3, $0xB  }
0xc9: {  	[tilespmem:s0+$0xFFFFFEF8] =	vst v10;
	v7 =	vld [tilespmem:s16+$0x6410];
	(v2sf) =	vpush v6, $0x1  }
0xca: {  	v9 =	vld [tilespmem:s4+$0x6420];
	(v2sf) =	vpush v6, $0x2  }
0xcb: {  	(v2sf) =	vpush v6, $0x3  }
0xcc: {  	[tilespmem:s0+$0x190] =	vst v8;
	(v2sf) =	vpush v6, $0x4  }
0xcd: {  	s2 =	spop (v2sf);
	[tilespmem:s20+$0xC0] =	vst v5;
	v8 =	vld [tilespmem:s7+$0x6410];
	(v2sf) =	vpush v6, $0x5  }
0xce: {  	[tilespmem:s20+$0xFFFFFE30] =	vst v7;
	v5 =	vld [tilespmem:s2+$0x6400];
	(v2sf) =	vpush v6, $0x6  }
0xcf: {  	[tilespmem:s0+$0xFFFFFF08] =	vst v9;
	v7 =	vld [tilespmem:s16+$0x6420];
	(v2sf) =	vpush v6, $0x7  }
0xd0: {  	v9 =	vld [tilespmem:s1+$0x6400];
	(v2sf) =	vpush v4, $0x6  }
0xd1: {  	(v2sf) =	vpush v6, $0x8  }
0xd2: {  	[tilespmem:s0+$0x1A0] =	vst v8  }
0xd3: {  	[tilespmem:s20+$0xC8] =	vst v5;
	(v2sf) =	vpush v6, $0x9;
	v8 =	vld [tilespmem:s7+$0x6420]  }
0xd4: {  	[tilespmem:s20+$0xFFFFFE40] =	vst v7;
	v5 =	vld [tilespmem:s2+$0x6410];
	(v2sf) =	vpush v6, $0xA  }
0xd5: {  	[tilespmem:s0+$0xFFFFFF10] =	vst v9;
	v7 =	vld [tilespmem:s23+$0x6400];
	s17 =	spop (v2sf)  }
0xd6: {  	v10 =	vld [tilespmem:s1+$0x6410];
	(v2sf) =	vpush v6, $0xB;
	s21 =	spop (v2sf)  }
0xd7: {  	(v2sf) =	vpush v6, $0xC;
	v9 =	vld [tilespmem:s17+$0x6400];
	s24 =	spop (v2sf)  }
0xd8: {  	(v2sf) =	vpush v6, $0xD;
	v11 =	vld [tilespmem:s21+$0x6400];
	[tilespmem:s0+$0x1B0] =	vst v8;
	s11 =	spop (v2sf)  }
0xd9: {  	(v2sf) =	vpush v6, $0xE;
	[tilespmem:s20+$0xD8] =	vst v5;
	v8 =	vld [tilespmem:s24+$0x6400];
	s10 =	spop (v2sf)  }
0xda: {  	[tilespmem:s20+$0xFFFFFE48] =	vst v7;
	(v2sf) =	vpush v2, $0x1;
	v5 =	vld [tilespmem:s2+$0x6420];
	s4 =	spop (v2sf)  }
0xdb: {  	s22 =	simm.s32 $0x7440;
	[tilespmem:s0+$0xFFFFFF20] =	vst v10;
	(v2sf) =	vpush v6, $0xF;
	v6 =	vld [tilespmem:s23+$0x6410];
	s31 =	spop (v2sf)  }
0xdc: {  	[tilespmem:s22+$0x0] =	vst v9;
	s18 =	spop (v2sf)  }
0xdd: {  	v7 =	vld [tilespmem:s17+$0x6410];
	[tilespmem:s22+$0xFFFFFD80] =	vst v11;
	s7 =	spop (v2sf)  }
0xde: {  	(v2sf) =	vpush v3, $0xC;
	v9 =	vld [tilespmem:s1+$0x6420];
	[tilespmem:s0+$0x1B8] =	vst v8;
	s16 =	spop (v2sf)  }
0xdf: {  	v10 =	vld [tilespmem:s21+$0x6410];
	[tilespmem:s20+$0xE8] =	vst v5;
	s2 =	spop (v2sf)  }
0xe0: {  	v8 =	vld [tilespmem:s24+$0x6410];
	[tilespmem:s20+$0xFFFFFE58] =	vst v6;
	s26 =	spop (v2sf)  }
0xe1: {  	v5 =	vld [tilespmem:s2+$0x6400];
	[smem:$0x7FD] =	sst s26  }
0xe2: {  	v6 =	vld [tilespmem:s23+$0x6420];
	[tilespmem:s22+$0x10] =	vst v7;
	s23 =	spop (v2sf)  }
0xe3: {  	[tilespmem:s0+$0xFFFFFF30] =	vst v9;
	v7 =	vld [tilespmem:s17+$0x6420];
	s17 =	spop (v2sf)  }
0xe4: {  	[dreg:$0xa] =	wrdreg s17  }
0xe5: {  	(v2sf) =	vpush v4, $0x7;
	s19 =	spop (v2sf);
	[tilespmem:s22+$0xFFFFFD90] =	vst v10  }
0xe6: {  	v9 =	vld [tilespmem:s9+$0x6400];
	[dreg:$0x9] =	wrdreg s19  }
0xe7: {  	s30 =	spop (v2sf);
	v10 =	vld [tilespmem:s21+$0x6420];
	[tilespmem:s0+$0x1C8] =	vst v8  }
0xe8: {  	s29 =	spop (v2sf);
	[tilespmem:s20+$0xF0] =	vst v5;
	v8 =	vld [tilespmem:s24+$0x6420]  }
0xe9: {  	[tilespmem:s20+$0xFFFFFE68] =	vst v6;
	s26 =	spop (v2sf);
	v5 =	vld [tilespmem:s2+$0x6410]  }
0xea: {  	v6 =	vld [tilespmem:s14+$0x6400];
	[tilespmem:s22+$0x20] =	vst v7;
	s21 =	spop (v2sf)  }
0xeb: {  	v7 =	vld [tilespmem:s21+$0x6400];
	[tilespmem:s0+$0xFFFFFF38] =	vst v9  }
0xec: {  	s24 =	spop (v2sf);
	v9 =	vld [tilespmem:s9+$0x6410];
	[tilespmem:s22+$0xFFFFFDA0] =	vst v10  }
0xed: {  	(v2sf) =	vpush v2, $0x2;
	s1 =	spop (v2sf);
	v10 =	vld [tilespmem:s11+$0x6400];
	[tilespmem:s0+$0x1D8] =	vst v8  }
0xee: {  	[tilespmem:s20+$0x100] =	vst v5;
	v8 =	vld [tilespmem:s1+$0x6400]  }
0xef: {  	[tilespmem:s20+$0xFFFFFE70] =	vst v6;
	v5 =	vld [tilespmem:s2+$0x6420]  }
0xf0: {  	(v2sf) =	vpush v3, $0xD;
	v6 =	vld [tilespmem:s14+$0x6410];
	[tilespmem:s22+$0x28] =	vst v7  }
0xf1: {  	v7 =	vld [tilespmem:s21+$0x6410];
	[tilespmem:s0+$0xFFFFFF48] =	vst v9  }
0xf2: {  	v9 =	vld [tilespmem:s9+$0x6420];
	[tilespmem:s22+$0xFFFFFDA8] =	vst v10  }
0xf3: {  	v10 =	vld [tilespmem:s11+$0x6410];
	[tilespmem:s0+$0x1E0] =	vst v8  }
0xf4: {  	s17 =	spop (v2sf);
	[tilespmem:s20+$0x110] =	vst v5;
	v8 =	vld [tilespmem:s1+$0x6410]  }
0xf5: {  	[tilespmem:s20+$0xFFFFFE80] =	vst v6;
	v5 =	vld [tilespmem:s17+$0x6400]  }
0xf6: {  	v6 =	vld [tilespmem:s14+$0x6420];
	[tilespmem:s22+$0x38] =	vst v7  }
0xf7: {  	(v2sf) =	vpush v4, $0x8;
	v7 =	vld [tilespmem:s21+$0x6420];
	[tilespmem:s0+$0xFFFFFF58] =	vst v9  }
0xf8: {  	v9 =	vld [tilespmem:s6+$0x6400];
	[tilespmem:s22+$0xFFFFFDB8] =	vst v10  }
0xf9: {  	v10 =	vld [tilespmem:s11+$0x6420];
	[tilespmem:s0+$0x1F0] =	vst v8  }
0xfa: {  	[tilespmem:s20+$0x118] =	vst v5;
	v8 =	vld [tilespmem:s1+$0x6420]  }
0xfb: {  	[tilespmem:s20+$0xFFFFFE90] =	vst v6;
	v5 =	vld [tilespmem:s17+$0x6410]  }
0xfc: {  	s21 =	spop (v2sf);
	v6 =	vld [tilespmem:s13+$0x6400];
	[tilespmem:s22+$0x48] =	vst v7  }
0xfd: {  	v7 =	vld [tilespmem:s21+$0x6400];
	[tilespmem:s0+$0xFFFFFF60] =	vst v9  }
0xfe: {  	v9 =	vld [tilespmem:s6+$0x6410];
	[tilespmem:s22+$0xFFFFFDC8] =	vst v10  }
0xff: {  	(v2sf) =	vpush v2, $0x3;
	s1 =	spop (v2sf);
	v10 =	vld [tilespmem:s10+$0x6400];
	[tilespmem:s0+$0x200] =	vst v8  }
0x100: {  	[tilespmem:s20+$0x128] =	vst v5;
	v8 =	vld [tilespmem:s1+$0x6400]  }
0x101: {  	[tilespmem:s20+$0xFFFFFE98] =	vst v6;
	v5 =	vld [tilespmem:s17+$0x6420]  }
0x102: {  	(v2sf) =	vpush v3, $0xE;
	v6 =	vld [tilespmem:s13+$0x6410];
	[tilespmem:s22+$0x50] =	vst v7  }
0x103: {  	v7 =	vld [tilespmem:s21+$0x6410];
	[tilespmem:s0+$0xFFFFFF70] =	vst v9  }
0x104: {  	v9 =	vld [tilespmem:s6+$0x6420];
	[tilespmem:s22+$0xFFFFFDD0] =	vst v10  }
0x105: {  	v10 =	vld [tilespmem:s10+$0x6410];
	[tilespmem:s0+$0x208] =	vst v8  }
0x106: {  	s6 =	spop (v2sf);
	[tilespmem:s20+$0x138] =	vst v5;
	v8 =	vld [tilespmem:s1+$0x6410]  }
0x107: {  	[tilespmem:s20+$0xFFFFFEA8] =	vst v6;
	v5 =	vld [tilespmem:s6+$0x6400]  }
0x108: {  	v6 =	vld [tilespmem:s13+$0x6420];
	[tilespmem:s22+$0x60] =	vst v7  }
0x109: {  	v7 =	vld [tilespmem:s21+$0x6420];
	[tilespmem:s0+$0xFFFFFF80] =	vst v9  }
0x10a: {  	(v2sf) =	vpush v4, $0x9;
	v9 =	vld [tilespmem:s5+$0x6400];
	[tilespmem:s22+$0xFFFFFDE0] =	vst v10  }
0x10b: {  	v10 =	vld [tilespmem:s10+$0x6420];
	[tilespmem:s0+$0x218] =	vst v8  }
0x10c: {  	[tilespmem:s20+$0x140] =	vst v5;
	v8 =	vld [tilespmem:s1+$0x6420]  }
0x10d: {  	[tilespmem:s20+$0xFFFFFEB8] =	vst v6;
	v5 =	vld [tilespmem:s6+$0x6410]  }
0x10e: {  	s9 =	spop (v2sf);
	v6 =	vld [tilespmem:s12+$0x6400];
	[tilespmem:s22+$0x70] =	vst v7  }
0x10f: {  	v7 =	vld [tilespmem:s9+$0x6400];
	[tilespmem:s0+$0xFFFFFF88] =	vst v9  }
0x110: {  	v9 =	vld [tilespmem:s5+$0x6410];
	[tilespmem:s22+$0xFFFFFDF0] =	vst v10  }
0x111: {  	(v2sf) =	vpush v2, $0x4;
	s10 =	spop (v2sf);
	v10 =	vld [tilespmem:s4+$0x6400];
	[tilespmem:s0+$0x228] =	vst v8  }
0x112: {  	[tilespmem:s20+$0x150] =	vst v5;
	v8 =	vld [tilespmem:s10+$0x6400]  }
0x113: {  	[tilespmem:s20+$0xFFFFFEC0] =	vst v6;
	v5 =	vld [tilespmem:s6+$0x6420]  }
0x114: {  	v6 =	vld [tilespmem:s12+$0x6410];
	[tilespmem:s22+$0x78] =	vst v7  }
0x115: {  	v7 =	vld [tilespmem:s9+$0x6410];
	[tilespmem:s0+$0xFFFFFF98] =	vst v9  }
0x116: {  	s17 =	sadd.s32 $0x20, s15;
	v9 =	vld [tilespmem:s5+$0x6420];
	[tilespmem:s22+$0xFFFFFDF8] =	vst v10  }
0x117: {  	v11 =	vld [tilespmem:s17+$0xFFFFFFF0];
	[tilespmem:s0+$0x230] =	vst v8  }
0x118: {  	v10 =	vld [tilespmem:s4+$0x6410];
	[tilespmem:s20+$0x160] =	vst v5  }
0x119: {  	(v2sf) =	vpush v3, $0xF;
	s11 =	spop (v2sf);
	[tilespmem:s20+$0xFFFFFED0] =	vst v6;
	v8 =	vld [tilespmem:s10+$0x6410]  }
0x11a: {  	v3 =	vld [tilespmem:s11+$0x6400];
	[tilespmem:s22+$0x88] =	vst v7  }
0x11b: {  	v6 =	vld [tilespmem:s9+$0x6420];
	[tilespmem:s0+$0xFFFFFFA8] =	vst v9  }
0x11c: {  	(v2sf) =	vpush v4, $0xA;
	v5 =	vld [tilespmem:s12+$0x6420];
	s13 =	sld [smem:$0x7F8]  }
0x11d: {  	[tilespmem:s22+$0xFFFFFE08] =	vst v10;
	v10 =	vld [tilespmem:s17+$0x0]  }
0x11e: {  	v9 =	vld [tilespmem:s4+$0x6420];
	[tilespmem:s0+$0x240] =	vst v8  }
0x11f: {  	v7 =	vld [tilespmem:s13+$0x6400];
	s9 =	sld [smem:$0x7F9];
	[tilespmem:s20+$0x168] =	vst v3  }
0x120: {  	s14 =	spop (v2sf);
	[tilespmem:s22+$0x98] =	vst v6;
	v3 =	vld [tilespmem:s11+$0x6410]  }
0x121: {  	[tilespmem:s20+$0xFFFFFEE0] =	vst v5;
	v6 =	vld [tilespmem:s14+$0x6400]  }
0x122: {  	v5 =	vld [tilespmem:s8+$0x6400]  }
0x123: {  	(v2sf) =	vpush v2, $0x5;
	v8 =	vld [tilespmem:s10+$0x6420];
	[tilespmem:s22+$0xFFFFFE18] =	vst v9  }
0x124: {  	[tilespmem:s0+$0xFFFFFFB0] =	vst v7;
	v9 =	vld [tilespmem:s31+$0x6400]  }
0x125: {  	v7 =	vld [tilespmem:s13+$0x6410];
	[tilespmem:s20+$0x178] =	vst v3  }
0x126: {  	[tilespmem:s22+$0xA0] =	vst v6;
	v12 =	vld [tilespmem:s11+$0x6420]  }
0x127: {  	[tilespmem:s20+$0xFFFFFEE8] =	vst v5;
	v5 =	vld [tilespmem:s14+$0x6410]  }
0x128: {  	s19 =	spop (v2sf);
	[tilespmem:s0+$0x250] =	vst v8;
	v3 =	vmul.u32 $0xC0, v10;
	v6 =	vld [tilespmem:s8+$0x6410]  }
0x129: {  	v8 =	vld [tilespmem:s19+$0x6400];
	[tilespmem:s22+$0xFFFFFE20] =	vst v9  }
0x12a: {  	v3 =	vshra.s32 v3, $0x2;
	[tilespmem:s0+$0xFFFFFFC0] =	vst v7;
	v7 =	vmul.u32 $0xC0, v11  }
0x12b: {  	s21 =	spop (v2sf);
	(v2sf) =	vpush v3, $0x0;
	v10 =	vld [tilespmem:s13+$0x6420];
	[tilespmem:s20+$0x188] =	vst v12  }
0x12c: {  	[tilespmem:s22+$0xB0] =	vst v5;
	v7 =	vshra.s32 v7, $0x2;
	v9 =	vld [tilespmem:s21+$0x6400]  }
0x12d: {  	[tilespmem:s20+$0xFFFFFEF8] =	vst v6;
	v5 =	vld [tilespmem:s14+$0x6420];
	(v2sf) =	vpush v7, $0x0  }
0x12e: {  	[tilespmem:s0+$0x258] =	vst v8;
	v6 =	vld [tilespmem:s8+$0x6420];
	(v2sf) =	vpush v4, $0xB  }
0x12f: {  	v8 =	vld [tilespmem:s19+$0x6410]  }
0x130: {  	v11 =	vld [tilespmem:s31+$0x6410];
	[tilespmem:s0+$0xFFFFFFD0] =	vst v10  }
0x131: {  	(v2sf) =	vpush v7, $0x1;
	[tilespmem:s20+$0x190] =	vst v9;
	v9 =	vld [tilespmem:s9+$0x6400]  }
0x132: {  	s1 =	simm.s32 $0x280;
	s4 =	spop (v2sf);
	(v2sf) =	vpush v7, $0x2;
	[tilespmem:s22+$0xC0] =	vst v5;
	v10 =	vld [tilespmem:s21+$0x6410]  }
0x133: {  	(v2sf) =	vpush v7, $0x3;
	v5 =	vadd.s32 s1, v0;
	[tilespmem:s20+$0xFFFFFF08] =	vst v6;
	v62 =	vld [tilespmem:s4+$0x6400]  }
0x134: {  	[tilespmem:s0+$0x268] =	vst v8;
	(v2sf) =	vpush v7, $0x4;
	v5 =	vand.u32 $0x1FFF8, v5;
	v6 =	vld [tilespmem:s3+$0x6400]  }
0x135: {  	[tilespmem:s22+$0xFFFFFE30] =	vst v11;
	v8 =	vld [tilespmem:s19+$0x6420];
	(v2sf) =	vpush v7, $0x5;
	v5 =	vor.u32 v1, v5  }
0x136: {  	v11 =	vld [tilespmem:s31+$0x6420];
	(v2sf) =	vpush v7, $0x6;
	[tilespmem:s0+$0xFFFFFFD8] =	vst v9  }
0x137: {  	(v2sf) =	vpush v7, $0x7;
	[tilespmem:s20+$0x1A0] =	vst v10;
	v9 =	vld [tilespmem:s9+$0x6410]  }
0x138: {  	(v2sf) =	vpush v2, $0x6;
	[tilespmem:s22+$0xC8] =	vst v62;
	v10 =	vld [tilespmem:s21+$0x6420]  }
0x139: {  	(v2sf) =	vpush v7, $0x8;
	[tilespmem:s20+$0xFFFFFF10] =	vst v6;
	v12 =	vld [tilespmem:s4+$0x6410]  }
0x13a: {  	s5 =	spop (v2sf);
	(v2sf) =	vpush v7, $0x9;
	[tilespmem:v5+s25+$0x0] =	vst.idx.msk $0xff, v8;
	v5 =	vld [tilespmem:s3+$0x6410]  }
0x13b: {  	[tilespmem:s22+$0xFFFFFE40] =	vst v11;
	v6 =	vld [tilespmem:s5+$0x6400];
	(v2sf) =	vpush v7, $0xA  }
0x13c: {  	v11 =	vld [tilespmem:s18+$0x6400];
	s12 =	spop (v2sf);
	[tilespmem:s0+$0xFFFFFFE8] =	vst v9  }
0x13d: {  	(v2sf) =	vpush v7, $0xB;
	v8 =	vld [tilespmem:s12+$0x6400];
	[tilespmem:s20+$0x1B0] =	vst v10;
	s0 =	spop (v2sf)  }
0x13e: {  	(v2sf) =	vpush v7, $0xC;
	[tilespmem:s22+$0xD8] =	vst v12;
	v9 =	vld [tilespmem:s0+$0x6400]  }
0x13f: {  	s31 =	simm.s32 $0x7940;
	(v2sf) =	vpush v7, $0xD;
	[tilespmem:s20+$0xFFFFFF20] =	vst v5;
	v10 =	vld [tilespmem:s4+$0x6420]  }
0x140: {  	(v2sf) =	vpush v7, $0xE;
	[tilespmem:s31+$0x0] =	vst v6;
	s19 =	spop (v2sf);
	v5 =	vld [tilespmem:s3+$0x6420]  }
0x141: {  	[tilespmem:s22+$0xFFFFFE48] =	vst v11;
	(v2sf) =	vpush v3, $0x1;
	v6 =	vld [tilespmem:s5+$0x6410];
	s11 =	spop (v2sf)  }
0x142: {  	(v2sf) =	vpush v7, $0xF;
	v7 =	vld [tilespmem:s18+$0x6410];
	s10 =	spop (v2sf);
	[tilespmem:s31+$0xFFFFFD80] =	vst v8  }
0x143: {  	s15 =	spop (v2sf);
	[tilespmem:s20+$0x1B8] =	vst v9  }
0x144: {  	s3 =	spop (v2sf);
	[tilespmem:s22+$0xE8] =	vst v10  }
0x145: {  	(v2sf) =	vpush v4, $0xC;
	v8 =	vld [tilespmem:s12+$0x6410];
	s14 =	spop (v2sf);
	[tilespmem:s20+$0xFFFFFF30] =	vst v5  }
0x146: {  	[tilespmem:s31+$0x10] =	vst v6;
	s8 =	spop (v2sf)  }
0x147: {  	[tilespmem:s22+$0xFFFFFE58] =	vst v7;
	v7 =	vld [tilespmem:s0+$0x6410];
	s21 =	spop (v2sf)  }
0x148: {  	v6 =	vld [tilespmem:s5+$0x6420];
	s4 =	sld [smem:$0x7FA];
	s13 =	spop (v2sf)  }
0x149: {  	v9 =	vld [tilespmem:s18+$0x6420];
	s6 =	spop (v2sf)  }
0x14a: {  	v10 =	vld [tilespmem:s21+$0x6400];
	[tilespmem:s31+$0xFFFFFD90] =	vst v8;
	s2 =	spop (v2sf)  }
0x14b: {  	v5 =	vld [tilespmem:s4+$0x6400];
	[dreg:$0x10] =	wrdreg s2  }
0x14c: {  	s18 =	spop (v2sf);
	[tilespmem:s20+$0x1C8] =	vst v7  }
0x14d: {  	v8 =	vld [tilespmem:s12+$0x6420];
	[dreg:$0xe] =	wrdreg s18  }
0x14e: {  	s18 =	spop (v2sf);
	[tilespmem:s22+$0xFFFFFE68] =	vst v9  }
0x14f: {  	v7 =	vld [tilespmem:s0+$0x6420];
	[tilespmem:s22+$0xF0] =	vst v10;
	s12 =	spop (v2sf)  }
0x150: {  	(v2sf) =	vpush v2, $0x7;
	[tilespmem:s31+$0x20] =	vst v6;
	v9 =	vld [tilespmem:s7+$0x6400];
	s2 =	spop (v2sf)  }
0x151: {  	v10 =	vld [tilespmem:s21+$0x6410];
	[tilespmem:s20+$0xFFFFFF38] =	vst v5;
	s0 =	spop (v2sf)  }
0x152: {  	s5 =	smov.u32 s23;
	v5 =	vld [tilespmem:s4+$0x6410];
	[tilespmem:s31+$0xFFFFFDA0] =	vst v8;
	s23 =	spop (v2sf)  }
0x153: {  	v6 =	vld [tilespmem:s0+$0x6400];
	[dreg:$0xd] =	wrdreg s23  }
0x154: {  	s23 =	spop (v2sf);
	v8 =	vld [tilespmem:s19+$0x6400];
	[tilespmem:s20+$0x1D8] =	vst v7  }
0x155: {  	[tilespmem:s22+$0xFFFFFE70] =	vst v9;
	v7 =	vld [tilespmem:s23+$0x6400]  }
0x156: {  	[tilespmem:s22+$0x100] =	vst v10;
	v9 =	vld [tilespmem:s7+$0x6410]  }
0x157: {  	(v2sf) =	vpush v3, $0x2;
	v10 =	vld [tilespmem:s21+$0x6420];
	[tilespmem:s20+$0xFFFFFF48] =	vst v5  }
0x158: {  	v5 =	vld [tilespmem:s4+$0x6420];
	[tilespmem:s31+$0x28] =	vst v6  }
0x159: {  	v6 =	vld [tilespmem:s0+$0x6410];
	[tilespmem:s31+$0xFFFFFDA8] =	vst v8  }
0x15a: {  	(v2sf) =	vpush v4, $0xD;
	[tilespmem:s20+$0x1E0] =	vst v7  }
0x15b: {  	[tilespmem:s22+$0xFFFFFE80] =	vst v9  }
0x15c: {  	[tilespmem:s22+$0x110] =	vst v10  }
0x15d: {  	v8 =	vld [tilespmem:s19+$0x6410];
	[tilespmem:s20+$0xFFFFFF58] =	vst v5  }
0x15e: {  	v7 =	vld [tilespmem:s23+$0x6410];
	[tilespmem:s31+$0x38] =	vst v6  }
0x15f: {  	s1 =	spop (v2sf);
	v9 =	vld [tilespmem:s7+$0x6420];
	s4 =	sld [smem:$0x7FB]  }
0x160: {  	v10 =	vld [tilespmem:s1+$0x6400]  }
0x161: {  	v6 =	vld [tilespmem:s0+$0x6420]  }
0x162: {  	[tilespmem:s31+$0xFFFFFDB8] =	vst v8;
	v5 =	vld [tilespmem:s4+$0x6400]  }
0x163: {  	(v2sf) =	vpush v2, $0x8;
	v8 =	vld [tilespmem:s19+$0x6420];
	[tilespmem:s20+$0x1F0] =	vst v7  }
0x164: {  	v7 =	vld [tilespmem:s23+$0x6420];
	[tilespmem:s22+$0xFFFFFE90] =	vst v9  }
0x165: {  	[tilespmem:s22+$0x118] =	vst v10;
	v9 =	vld [tilespmem:s16+$0x6400]  }
0x166: {  	s21 =	spop (v2sf);
	v10 =	vld [tilespmem:s1+$0x6410];
	[tilespmem:s31+$0x48] =	vst v6  }
0x167: {  	v6 =	vld [tilespmem:s21+$0x6400];
	[tilespmem:s20+$0xFFFFFF60] =	vst v5  }
0x168: {  	[tilespmem:s31+$0xFFFFFDC8] =	vst v8;
	v5 =	vld [tilespmem:s4+$0x6410]  }
0x169: {  	s23 =	spop (v2sf);
	v8 =	vld [tilespmem:s11+$0x6400];
	[tilespmem:s20+$0x200] =	vst v7  }
0x16a: {  	(v2sf) =	vpush v3, $0x3;
	[tilespmem:s22+$0xFFFFFE98] =	vst v9;
	v7 =	vld [tilespmem:s23+$0x6400]  }
0x16b: {  	[tilespmem:s22+$0x128] =	vst v10;
	v9 =	vld [tilespmem:s16+$0x6410]  }
0x16c: {  	v10 =	vld [tilespmem:s1+$0x6420];
	[tilespmem:s31+$0x50] =	vst v6  }
0x16d: {  	v6 =	vld [tilespmem:s21+$0x6410];
	[tilespmem:s20+$0xFFFFFF70] =	vst v5  }
0x16e: {  	(v2sf) =	vpush v4, $0xE;
	[tilespmem:s31+$0xFFFFFDD0] =	vst v8;
	v5 =	vld [tilespmem:s4+$0x6420]  }
0x16f: {  	[tilespmem:s20+$0x208] =	vst v7  }
0x170: {  	v8 =	vld [tilespmem:s11+$0x6410];
	[tilespmem:s22+$0xFFFFFEA8] =	vst v9  }
0x171: {  	v7 =	vld [tilespmem:s23+$0x6410];
	[tilespmem:s22+$0x138] =	vst v10  }
0x172: {  	s1 =	spop (v2sf);
	v9 =	vld [tilespmem:s16+$0x6420];
	[tilespmem:s31+$0x60] =	vst v6  }
0x173: {  	v10 =	vld [tilespmem:s1+$0x6400];
	[tilespmem:s20+$0xFFFFFF80] =	vst v5  }
0x174: {  	v6 =	vld [tilespmem:s21+$0x6420];
	s4 =	sld [smem:$0x7FC]  }
0x175: {  	(v2sf) =	vpush v2, $0x9;
	[tilespmem:s31+$0xFFFFFDE0] =	vst v8  }
0x176: {  	[tilespmem:s20+$0x218] =	vst v7;
	v8 =	vld [tilespmem:s11+$0x6420]  }
0x177: {  	[tilespmem:s22+$0xFFFFFEB8] =	vst v9;
	v5 =	vld [tilespmem:s4+$0x6400]  }
0x178: {  	v7 =	vld [tilespmem:s23+$0x6420];
	s16 =	sld [smem:$0x7FD];
	[tilespmem:s22+$0x140] =	vst v10  }
0x179: {  	s19 =	spop (v2sf);
	v10 =	vld [tilespmem:s1+$0x6410];
	[tilespmem:s31+$0x70] =	vst v6  }
0x17a: {  	v6 =	vld [tilespmem:s19+$0x6400]  }
0x17b: {  	v9 =	vld [tilespmem:s16+$0x6400];
	[tilespmem:s31+$0xFFFFFDF0] =	vst v8  }
0x17c: {  	v8 =	vld [tilespmem:s10+$0x6400];
	[tilespmem:s20+$0xFFFFFF88] =	vst v5  }
0x17d: {  	s21 =	spop (v2sf);
	[tilespmem:s20+$0x228] =	vst v7;
	v5 =	vld [tilespmem:s4+$0x6410]  }
0x17e: {  	v7 =	vld [tilespmem:s21+$0x6400];
	[tilespmem:s22+$0x150] =	vst v10  }
0x17f: {  	v10 =	vld [tilespmem:s1+$0x6420];
	[tilespmem:s31+$0x78] =	vst v6  }
0x180: {  	(v2sf) =	vpush v3, $0x4;
	[tilespmem:s22+$0xFFFFFEC0] =	vst v9;
	v6 =	vld [tilespmem:s19+$0x6410]  }
0x181: {  	v9 =	vld [tilespmem:s16+$0x6410];
	[tilespmem:s31+$0xFFFFFDF8] =	vst v8  }
0x182: {  	v8 =	vld [tilespmem:s10+$0x6410];
	[tilespmem:s20+$0xFFFFFF98] =	vst v5  }
0x183: {  	[tilespmem:s20+$0x230] =	vst v7;
	v5 =	vld [tilespmem:s4+$0x6420]  }
0x184: {  	s11 =	spop (v2sf);
	v7 =	vld [tilespmem:s21+$0x6410];
	[tilespmem:s22+$0x160] =	vst v10  }
0x185: {  	v10 =	vld [tilespmem:s11+$0x6400];
	[tilespmem:s31+$0x88] =	vst v6  }
0x186: {  	[tilespmem:s22+$0xFFFFFED0] =	vst v9;
	v11 =	vld [tilespmem:s19+$0x6420]  }
0x187: {  	v9 =	vld [tilespmem:s16+$0x6420];
	[tilespmem:s31+$0xFFFFFE08] =	vst v8  }
0x188: {  	v63 =	vld [tilespmem:s10+$0x6420];
	[tilespmem:s20+$0xFFFFFFA8] =	vst v5  }
0x189: {  	(v2sf) =	vpush v4, $0xF;
	[tilespmem:s20+$0x240] =	vst v7;
	v6 =	vld [tilespmem:s28+$0x6400]  }
0x18a: {  	[tilespmem:s22+$0x168] =	vst v10  }
0x18b: {  	[tilespmem:s31+$0x98] =	vst v11  }
0x18c: {  	[tilespmem:s22+$0xFFFFFEE0] =	vst v9  }
0x18d: {  	s7 =	simm.s32 $0x0;
	v8 =	vld [tilespmem:s21+$0x6420];
	[tilespmem:s31+$0xFFFFFE18] =	vst v63  }
0x18e: {  	v7 =	vld [tilespmem:s11+$0x6410];
	v9 =	vadd.s32 s7, v0;
	[tilespmem:s20+$0xFFFFFFB0] =	vst v6  }
0x18f: {  	s10 =	spop (v2sf);
	v5 =	vld [tilespmem:s5+$0x6400];
	v9 =	vand.u32 $0x1FFF8, v9;
	s23 =	rddreg [dreg:$0x1e]  }
0x190: {  	v4 =	vor.u32 v1, v9;
	v9 =	vld [tilespmem:s10+$0x6400];
	s0 =	sshll.u32 s23, $0x1  }
0x191: {  	(v2sf) =	vpush v2, $0xA;
	s4 =	sadd.s32 $0x20, s17;
	s16 =	simm.s32 $0x6;
	v6 =	vld [tilespmem:s28+$0x6410];
	[dreg:$0x1f] =	wrdreg s0  }
.LBB2_3:
0x192: {  	_ =	sdelay $0x5  }
0x193: {  	v10 =	vld [tilespmem:s4+$0x0];
	[tilespmem:s20+$0x250] =	vst v8;
	s17 =	spop (v2sf)  }
0x194: {  	[tilespmem:s22+$0xFFFFFEE8] =	vst v5;
	v5 =	vld [tilespmem:s17+$0x6400]  }
0x195: {  	(v2sf) =	vpush v3, $0x5;
	[tilespmem:s22+$0x178] =	vst v7;
	v8 =	vld [tilespmem:s4+$0xFFFFFFF0]  }
0x196: {  	v7 =	vld [tilespmem:s11+$0x6420];
	[tilespmem:s20+$0xFFFFFFC0] =	vst v6  }
0x197: {  	v6 =	vld [tilespmem:s15+$0x6400]  }
0x198: {  	[tilespmem:s31+$0xA0] =	vst v9;
	v11 =	vld [tilespmem:s5+$0x6410]  }
0x199: {  	v9 =	vld [tilespmem:s10+$0x6410];
	[tilespmem:s20+$0x258] =	vst v5  }
0x19a: {  	v10 =	vmul.u32 $0xC0, v10;
	v12 =	vld [tilespmem:s17+$0x6410]  }
0x19b: {  	v8 =	vmul.u32 $0xC0, v8;
	[tilespmem:s22+$0x188] =	vst v7;
	v7 =	vld [tilespmem:s28+$0x6420];
	s0 =	spop (v2sf)  }
0x19c: {  	v5 =	vshra.s32 v10, $0x2;
	[tilespmem:s31+$0xFFFFFE20] =	vst v6;
	v6 =	vld [tilespmem:s0+$0x6400]  }
0x19d: {  	v8 =	vshra.s32 v8, $0x2;
	v10 =	vld [tilespmem:s15+$0x6410];
	[tilespmem:s22+$0xFFFFFEF8] =	vst v11;
	(v2sf) =	vpush v5, $0x0  }
0x19e: {  	s1 =	smov.u32 s26;
	s7 =	sadd.s32 $0x500, s7;
	v14 =	vld [tilespmem:s5+$0x6420];
	(v2sf) =	vpush v8, $0x0;
	[tilespmem:s31+$0xB0] =	vst v9  }
0x19f: {  	[dreg:$0x15] =	wrdreg s1;
	s1 =	sadd.s32 $0x280, s7;
	v13 =	vld [tilespmem:s10+$0x6420];
	(v2sf) =	vpush v2, $0xB;
	[tilespmem:s20+$0x268] =	vst v12  }
0x1a0: {  	s19 =	rddreg [dreg:$0x4];
	v11 =	vadd.s32 s1, v0;
	[tilespmem:s20+$0xFFFFFFD0] =	vst v7;
	(v2sf) =	vpush v8, $0x1;
	v7 =	vld [tilespmem:s17+$0x6420]  }
0x1a1: {  	v11 =	vand.u32 $0x1FFF8, v11;
	(v2sf) =	vpush v8, $0x2;
	[tilespmem:s22+$0x190] =	vst v6;
	v6 =	vld [tilespmem:s19+$0x6400]  }
0x1a2: {  	v11 =	vor.u32 v1, v11;
	(v2sf) =	vpush v8, $0x3  }
0x1a3: {  	(v2sf) =	vpush v8, $0x4;
	[tilespmem:s31+$0xFFFFFE30] =	vst v10;
	v10 =	vld [tilespmem:s0+$0x6410]  }
0x1a4: {  	s21 =	spop (v2sf);
	(v2sf) =	vpush v8, $0x5;
	v60 =	vld [tilespmem:s15+$0x6420];
	[tilespmem:s31+$0xC0] =	vst v13  }
0x1a5: {  	s23 =	rddreg [dreg:$0xa];
	[tilespmem:s22+$0xFFFFFF08] =	vst v14;
	(v2sf) =	vpush v8, $0x6;
	v13 =	vld [tilespmem:s21+$0x6400]  }
0x1a6: {  	v14 =	vld [tilespmem:s23+$0x6400];
	(v2sf) =	vpush v8, $0x7;
	[tilespmem:s20+$0xFFFFFFD8] =	vst v6  }
0x1a7: {  	s26 =	smov.u32 s19;
	[tilespmem:v11+s25+$0x0] =	vst.idx.msk $0xff, v7;
	(v2sf) =	vpush v3, $0x6;
	v6 =	vld [tilespmem:s9+$0x6420]  }
0x1a8: {  	(v2sf) =	vpush v8, $0x8;
	[tilespmem:s22+$0x1A0] =	vst v10;
	v7 =	vld [tilespmem:s26+$0x6410]  }
0x1a9: {  	(v2sf) =	vpush v8, $0x9;
	[tilespmem:s31+$0xFFFFFE40] =	vst v60;
	v10 =	vld [tilespmem:s0+$0x6420]  }
0x1aa: {  	(v2sf) =	vpush v8, $0xA;
	v11 =	vld [tilespmem:s3+$0x6400];
	[tilespmem:s31+$0xC8] =	vst v13  }
0x1ab: {  	[dreg:$0x12] =	wrdreg s12;
	[tilespmem:s22+$0xFFFFFF10] =	vst v14;
	(v2sf) =	vpush v8, $0xB;
	v61 =	vld [tilespmem:s21+$0x6410]  }
0x1ac: {  	s12 =	smov.u32 s2;
	s5 =	rddreg [dreg:$0xd];
	v9 =	vadd.s32 s7, v0;
	v62 =	vld [tilespmem:s23+$0x6410];
	(v2sf) =	vpush v8, $0xC;
	s2 =	spop (v2sf);
	[tilespmem:v4+s25+$0x0] =	vst.idx.msk $0xff, v6  }
0x1ad: {  	s28 =	smov.u32 s5;
	v9 =	vand.u32 $0x1FFF8, v9;
	s5 =	spop (v2sf);
	(v2sf) =	vpush v8, $0xD;
	v6 =	vld [tilespmem:s2+$0x6400];
	[tilespmem:s20+$0xFFFFFFE8] =	vst v7;
	s20 =	smov.u32 s22  }
0x1ae: {  	v9 =	vor.u32 v1, v9;
	(v2sf) =	vpush v8, $0xE;
	s19 =	spop (v2sf);
	v7 =	vld [tilespmem:s5+$0x6400];
	[tilespmem:s20+$0x1B0] =	vst v10  }
0x1af: {  	s11 =	smov.u32 s6;
	s1 =	smov.u32 s24;
	v4 =	vmov v9;
	s24 =	spop (v2sf);
	(v2sf) =	vpush v5, $0x1;
	[tilespmem:s31+$0xFFFFFE48] =	vst v11;
	v9 =	vld [tilespmem:s19+$0x6400]  }
0x1b0: {  	[dreg:$0x13] =	wrdreg s11;
	s11 =	spop (v2sf);
	(v2sf) =	vpush v8, $0xF;
	v8 =	vld [tilespmem:s3+$0x6410];
	[tilespmem:s31+$0xD8] =	vst v61  }
0x1b1: {  	s22 =	smov.u32 s31;
	s17 =	spop (v2sf);
	s31 =	sadd.s32 $0x500, s31;
	[tilespmem:s20+$0xFFFFFF20] =	vst v62;
	(v2sf) =	vpush v2, $0xC;
	v10 =	vld [tilespmem:s21+$0x6420]  }
0x1b2: {  	s15 =	spop (v2sf);
	[tilespmem:s31+$0x0] =	vst v6;
	v6 =	vld [tilespmem:s23+$0x6420]  }
0x1b3: {  	s21 =	spop (v2sf);
	[tilespmem:s31+$0xFFFFFD80] =	vst v7;
	v7 =	vld [tilespmem:s2+$0x6410]  }
0x1b4: {  	[dreg:$0x4] =	wrdreg s1;
	s0 =	spop (v2sf);
	v11 =	vld [tilespmem:s5+$0x6410];
	[tilespmem:s20+$0x1B8] =	vst v9  }
0x1b5: {  	s1 =	smov.u32 s18;
	s9 =	rddreg [dreg:$0x10];
	s23 =	spop (v2sf);
	[tilespmem:s22+$0xFFFFFE58] =	vst v8;
	v8 =	vld [tilespmem:s19+$0x6410]  }
0x1b6: {  	s18 =	rddreg [dreg:$0x9];
	s10 =	smov.u32 s9;
	s9 =	spop (v2sf);
	v9 =	vld [tilespmem:s3+$0x6420];
	[tilespmem:s22+$0xE8] =	vst v10  }
0x1b7: {  	[dreg:$0xa] =	wrdreg s10;
	s10 =	spop (v2sf);
	v10 =	vld [tilespmem:s9+$0x6400];
	[tilespmem:s20+$0xFFFFFF30] =	vst v6  }
0x1b8: {  	s25 =	spop (v2sf);
	v6 =	vld [tilespmem:s18+$0x6400];
	[tilespmem:s31+$0x10] =	vst v7  }
0x1b9: {  	s6 =	spop (v2sf);
	(v2sf) =	vpush v3, $0x7;
	[tilespmem:s31+$0xFFFFFD90] =	vst v11;
	v7 =	vld [tilespmem:s2+$0x6420]  }
0x1ba: {  	v11 =	vld [tilespmem:s5+$0x6420];
	s5 =	spop (v2sf);
	[tilespmem:s20+$0x1C8] =	vst v8  }
0x1bb: {  	s3 =	smov.u32 s21;
	[tilespmem:s22+$0xFFFFFE68] =	vst v9;
	s21 =	spop (v2sf);
	v8 =	vld [tilespmem:s19+$0x6420]  }
0x1bc: {  	v9 =	vld [tilespmem:s14+$0x6400];
	[tilespmem:s22+$0xF0] =	vst v10;
	s19 =	spop (v2sf)  }
0x1bd: {  	v10 =	vld [tilespmem:s9+$0x6410];
	[tilespmem:s20+$0xFFFFFF38] =	vst v6;
	s2 =	spop (v2sf)  }
0x1be: {  	[dreg:$0x10] =	wrdreg s6;
	v6 =	vld [tilespmem:s18+$0x6410];
	[tilespmem:s31+$0x20] =	vst v7;
	s6 =	spop (v2sf)  }
0x1bf: {  	[dreg:$0x16] =	wrdreg s25;
	[tilespmem:s31+$0xFFFFFDA0] =	vst v11;
	v7 =	vld [tilespmem:s6+$0x6400];
	s25 =	spop (v2sf)  }
0x1c0: {  	[dreg:$0xd] =	wrdreg s25;
	v11 =	vld [tilespmem:s24+$0x6400];
	[tilespmem:s20+$0x1D8] =	vst v8;
	s25 =	spop (v2sf)  }
0x1c1: {  	(v2sf) =	vpush v5, $0x2;
	[tilespmem:s22+$0xFFFFFE70] =	vst v9;
	v8 =	vld [tilespmem:s25+$0x6400]  }
0x1c2: {  	v9 =	vld [tilespmem:s14+$0x6410];
	[tilespmem:s22+$0x100] =	vst v10  }
0x1c3: {  	(v2sf) =	vpush v2, $0xD;
	v10 =	vld [tilespmem:s9+$0x6420];
	[tilespmem:s20+$0xFFFFFF48] =	vst v6  }
0x1c4: {  	v6 =	vld [tilespmem:s18+$0x6420];
	[tilespmem:s31+$0x28] =	vst v7  }
0x1c5: {  	[tilespmem:s31+$0xFFFFFDA8] =	vst v11;
	v7 =	vld [tilespmem:s6+$0x6410]  }
0x1c6: {  	s9 =	smov.u32 s26;
	s18 =	rddreg [dreg:$0xe];
	v11 =	vld [tilespmem:s24+$0x6410];
	[tilespmem:s20+$0x1E0] =	vst v8  }
0x1c7: {  	s26 =	smov.u32 s12;
	s12 =	smov.u32 s18;
	s18 =	smov.u32 s5;
	[tilespmem:s22+$0xFFFFFE80] =	vst v9;
	v8 =	vld [tilespmem:s25+$0x6410]  }
0x1c8: {  	[dreg:$0xe] =	wrdreg s18;
	s18 =	spop (v2sf);
	v9 =	vld [tilespmem:s14+$0x6420];
	[tilespmem:s22+$0x110] =	vst v10  }
0x1c9: {  	v10 =	vld [tilespmem:s18+$0x6400];
	[tilespmem:s20+$0xFFFFFF58] =	vst v6  }
0x1ca: {  	v6 =	vld [tilespmem:s30+$0x6400];
	[tilespmem:s31+$0x38] =	vst v7  }
0x1cb: {  	(v2sf) =	vpush v3, $0x8;
	[tilespmem:s31+$0xFFFFFDB8] =	vst v11;
	v7 =	vld [tilespmem:s6+$0x6420]  }
0x1cc: {  	v11 =	vld [tilespmem:s24+$0x6420];
	[tilespmem:s20+$0x1F0] =	vst v8  }
0x1cd: {  	[tilespmem:s22+$0xFFFFFE90] =	vst v9;
	v8 =	vld [tilespmem:s25+$0x6420]  }
0x1ce: {  	v9 =	vld [tilespmem:s8+$0x6400];
	[tilespmem:s22+$0x118] =	vst v10  }
0x1cf: {  	v10 =	vld [tilespmem:s18+$0x6410];
	[tilespmem:s20+$0xFFFFFF60] =	vst v6  }
0x1d0: {  	s6 =	spop (v2sf);
	v6 =	vld [tilespmem:s30+$0x6410];
	[tilespmem:s31+$0x48] =	vst v7  }
0x1d1: {  	[tilespmem:s31+$0xFFFFFDC8] =	vst v11;
	v7 =	vld [tilespmem:s6+$0x6400]  }
0x1d2: {  	[dreg:$0x9] =	wrdreg s12;
	s12 =	spop (v2sf);
	v11 =	vld [tilespmem:s11+$0x6400];
	[tilespmem:s20+$0x200] =	vst v8  }
0x1d3: {  	(v2sf) =	vpush v5, $0x3;
	[tilespmem:s22+$0xFFFFFE98] =	vst v9;
	v8 =	vld [tilespmem:s12+$0x6400]  }
0x1d4: {  	v9 =	vld [tilespmem:s8+$0x6410];
	[tilespmem:s22+$0x128] =	vst v10  }
0x1d5: {  	(v2sf) =	vpush v2, $0xE;
	v10 =	vld [tilespmem:s18+$0x6420];
	[tilespmem:s20+$0xFFFFFF70] =	vst v6  }
0x1d6: {  	v6 =	vld [tilespmem:s30+$0x6420];
	[tilespmem:s31+$0x50] =	vst v7  }
0x1d7: {  	[tilespmem:s31+$0xFFFFFDD0] =	vst v11;
	v7 =	vld [tilespmem:s6+$0x6410]  }
0x1d8: {  	v11 =	vld [tilespmem:s11+$0x6410];
	[tilespmem:s20+$0x208] =	vst v8  }
0x1d9: {  	[tilespmem:s22+$0xFFFFFEA8] =	vst v9;
	v8 =	vld [tilespmem:s12+$0x6410]  }
0x1da: {  	s30 =	smov.u32 s1;
	s1 =	spop (v2sf);
	v9 =	vld [tilespmem:s8+$0x6420];
	[tilespmem:s22+$0x138] =	vst v10  }
0x1db: {  	v10 =	vld [tilespmem:s1+$0x6400];
	[tilespmem:s20+$0xFFFFFF80] =	vst v6  }
0x1dc: {  	v6 =	vld [tilespmem:s29+$0x6400];
	[tilespmem:s31+$0x60] =	vst v7  }
0x1dd: {  	(v2sf) =	vpush v3, $0x9;
	[tilespmem:s31+$0xFFFFFDE0] =	vst v11;
	v7 =	vld [tilespmem:s6+$0x6420]  }
0x1de: {  	v11 =	vld [tilespmem:s11+$0x6420];
	[tilespmem:s20+$0x218] =	vst v8  }
0x1df: {  	[tilespmem:s22+$0xFFFFFEB8] =	vst v9;
	v8 =	vld [tilespmem:s12+$0x6420]  }
0x1e0: {  	v9 =	vld [tilespmem:s13+$0x6400];
	[tilespmem:s22+$0x140] =	vst v10  }
0x1e1: {  	v10 =	vld [tilespmem:s1+$0x6410];
	[tilespmem:s20+$0xFFFFFF88] =	vst v6  }
0x1e2: {  	s6 =	spop (v2sf);
	v6 =	vld [tilespmem:s29+$0x6410];
	[tilespmem:s31+$0x70] =	vst v7  }
0x1e3: {  	[tilespmem:s31+$0xFFFFFDF0] =	vst v11;
	v7 =	vld [tilespmem:s6+$0x6400]  }
0x1e4: {  	s18 =	smov.u32 s21;
	s21 =	spop (v2sf);
	v11 =	vld [tilespmem:s17+$0x6400];
	[tilespmem:s20+$0x228] =	vst v8  }
0x1e5: {  	(v2sf) =	vpush v5, $0x4;
	[tilespmem:s22+$0xFFFFFEC0] =	vst v9;
	v8 =	vld [tilespmem:s21+$0x6400]  }
0x1e6: {  	v9 =	vld [tilespmem:s13+$0x6410];
	[tilespmem:s22+$0x150] =	vst v10  }
0x1e7: {  	v10 =	vld [tilespmem:s1+$0x6420];
	[tilespmem:s20+$0xFFFFFF98] =	vst v6  }
0x1e8: {  	(v2sf) =	vpush v2, $0xF;
	v2 =	vmov v3;
	v3 =	vmov v5;
	v5 =	vld [tilespmem:s29+$0x6420];
	[tilespmem:s31+$0x78] =	vst v7  }
0x1e9: {  	[tilespmem:s31+$0xFFFFFDF8] =	vst v11;
	v6 =	vld [tilespmem:s6+$0x6410]  }
0x1ea: {  	v7 =	vld [tilespmem:s17+$0x6410];
	[tilespmem:s20+$0x230] =	vst v8  }
0x1eb: {  	[tilespmem:s22+$0xFFFFFED0] =	vst v9;
	v8 =	vld [tilespmem:s21+$0x6410]  }
0x1ec: {  	s11 =	spop (v2sf);
	v9 =	vld [tilespmem:s13+$0x6420];
	[tilespmem:s22+$0x160] =	vst v10  }
0x1ed: {  	s24 =	smov.u32 s28;
	s28 =	rddreg [dreg:$0x15];
	v10 =	vld [tilespmem:s11+$0x6400];
	[tilespmem:s20+$0xFFFFFFA8] =	vst v5  }
0x1ee: {  	[tilespmem:s31+$0x88] =	vst v6;
	v6 =	vld [tilespmem:s28+$0x6400]  }
0x1ef: {  	s16 =	sadd.s32 $0x2, s16;
	[tilespmem:s31+$0xFFFFFE08] =	vst v7;
	v11 =	vld [tilespmem:s6+$0x6420]  }
0x1f0: {  	p1 =	slt.u32 s16, $0x26;
	v63 =	vld [tilespmem:s17+$0x6420];
	[tilespmem:s20+$0x240] =	vst v8  }
.Ltmp0:
0x1f1: {  	s5 =	rddreg [dreg:$0x13];
	[tilespmem:s22+$0xFFFFFEE0] =	vst v9;
	v8 =	vld [tilespmem:s21+$0x6420];
	(pc) =	sbr.rel @p1 .LBB2_3-.Ltmp0, $4  }
0x1f2: {  	s4 =	sadd.s32 $0x20, s4;
	v5 =	vld [tilespmem:s5+$0x6400];
	[tilespmem:s22+$0x168] =	vst v10  }
0x1f3: {  	s14 =	smov.u32 s0;
	s25 =	simm.s32 $0x67C0;
	s8 =	smov.u32 s23;
	v7 =	vld [tilespmem:s11+$0x6410];
	[tilespmem:s20+$0xFFFFFFB0] =	vst v6  }
0x1f4: {  	s23 =	rddreg [dreg:$0x12];
	s13 =	smov.u32 s10;
	s10 =	spop (v2sf);
	[tilespmem:s31+$0x98] =	vst v11;
	v6 =	vld [tilespmem:s28+$0x6410]  }
0x1f5: {  	s12 =	smov.u32 s19;
	(v2sf) =	vpush v2, $0xA;
	s29 =	smov.u32 s23;
	s6 =	rddreg [dreg:$0x16];
	[tilespmem:s31+$0xFFFFFE18] =	vst v63;
	v9 =	vld [tilespmem:s10+$0x6400]  }
0x1f6: {  	_ =	sdelay $0x4  }
0x1f7: {  	[tilespmem:s20+$0x250] =	vst v8;
	v8 =	vld [tilespmem:s15+$0x6400]  }
0x1f8: {  	(v2sf) =	vpush v3, $0x5  }
0x1f9: {  	s0 =	spop (v2sf);
	[tilespmem:s22+$0xFFFFFEE8] =	vst v5  }
0x1fa: {  	v10 =	vld [tilespmem:s0+$0x6400];
	[tilespmem:s22+$0x178] =	vst v7  }
0x1fb: {  	v7 =	vld [tilespmem:s11+$0x6420];
	[tilespmem:s31+$0xA0] =	vst v9  }
0x1fc: {  	v5 =	vld [tilespmem:s10+$0x6410];
	[tilespmem:s31+$0xFFFFFE20] =	vst v8  }
0x1fd: {  	v8 =	vld [tilespmem:s15+$0x6410]  }
0x1fe: {  	[tilespmem:s20+$0xFFFFFFC0] =	vst v6;
	v9 =	vld [tilespmem:s5+$0x6410]  }
0x1ff: {  	[tilespmem:s20+$0x258] =	vst v10;
	v10 =	vld [tilespmem:s28+$0x6420]  }
0x200: {  	v6 =	vld [tilespmem:s0+$0x6410];
	[tilespmem:s22+$0x188] =	vst v7;
	s16 =	spop (v2sf)  }
0x201: {  	[tilespmem:s31+$0xB0] =	vst v5;
	v7 =	vld [tilespmem:s16+$0x6400]  }
0x202: {  	v11 =	vld [tilespmem:s10+$0x6420];
	[tilespmem:s31+$0xFFFFFE30] =	vst v8  }
0x203: {  	[tilespmem:s22+$0xFFFFFEF8] =	vst v9;
	v8 =	vld [tilespmem:s15+$0x6420]  }
0x204: {  	[tilespmem:s20+$0xFFFFFFD0] =	vst v10  }
0x205: {  	[tilespmem:s20+$0x268] =	vst v6  }
0x206: {  	[tilespmem:s22+$0x190] =	vst v7  }
0x207: {  	v9 =	vld [tilespmem:s5+$0x6420];
	s17 =	spop (v2sf);
	s5 =	rddreg [dreg:$0x4];
	[tilespmem:s31+$0xC0] =	vst v11  }
0x208: {  	[tilespmem:s31+$0xFFFFFE40] =	vst v8;
	v10 =	vld [tilespmem:s17+$0x6400]  }
0x209: {  	(v2sf) =	vpush v2, $0xB;
	v8 =	vld [tilespmem:s3+$0x6400]  }
0x20a: {  	(v2sf) =	vpush v3, $0x6;
	_ =	sdelay $0x2  }
0x20b: {  	[tilespmem:s31+$0xC8] =	vst v10  }
0x20c: {  	[tilespmem:s31+$0xFFFFFE48] =	vst v8;
	v10 =	vld [tilespmem:s17+$0x6410]  }
0x20d: {  	v8 =	vld [tilespmem:s3+$0x6410];
	_ =	sdelay $0x3  }
0x20e: {  	[tilespmem:s31+$0xD8] =	vst v10  }
0x20f: {  	[tilespmem:s31+$0xFFFFFE58] =	vst v8;
	v10 =	vld [tilespmem:s17+$0x6420]  }
0x210: {  	v8 =	vld [tilespmem:s3+$0x6420];
	_ =	sdelay $0x2  }
0x211: {  	s15 =	spop (v2sf)  }
0x212: {  	s19 =	spop (v2sf);
	[tilespmem:s31+$0xE8] =	vst v10  }
0x213: {  	[tilespmem:s31+$0xFFFFFE68] =	vst v8;
	v10 =	vld [tilespmem:s19+$0x6400]  }
0x214: {  	(v2sf) =	vpush v2, $0xC;
	v8 =	vld [tilespmem:s14+$0x6400]  }
0x215: {  	(v2sf) =	vpush v3, $0x7;
	_ =	sdelay $0x2  }
0x216: {  	[tilespmem:s31+$0xF0] =	vst v10  }
0x217: {  	[tilespmem:s31+$0xFFFFFE70] =	vst v8;
	v10 =	vld [tilespmem:s19+$0x6410]  }
0x218: {  	v8 =	vld [tilespmem:s14+$0x6410];
	_ =	sdelay $0x1  }
0x219: {  	v5 =	vld [tilespmem:s0+$0x6420]  }
0x21a: {  	v7 =	vld [tilespmem:s16+$0x6410]  }
0x21b: {  	v6 =	vld [tilespmem:s5+$0x6400];
	[tilespmem:s31+$0x100] =	vst v10  }
0x21c: {  	[tilespmem:s31+$0xFFFFFE80] =	vst v8;
	v10 =	vld [tilespmem:s19+$0x6420]  }
0x21d: {  	v8 =	vld [tilespmem:s14+$0x6420];
	_ =	sdelay $0x2  }
0x21e: {  	s10 =	spop (v2sf)  }
0x21f: {  	s21 =	spop (v2sf);
	[tilespmem:s31+$0x110] =	vst v10  }
0x220: {  	[tilespmem:s31+$0xFFFFFE90] =	vst v8;
	v10 =	vld [tilespmem:s21+$0x6400]  }
0x221: {  	(v2sf) =	vpush v2, $0xD;
	v8 =	vld [tilespmem:s8+$0x6400]  }
0x222: {  	(v2sf) =	vpush v3, $0x8;
	_ =	sdelay $0x2  }
0x223: {  	[tilespmem:s31+$0x118] =	vst v10  }
0x224: {  	[tilespmem:s31+$0xFFFFFE98] =	vst v8;
	v10 =	vld [tilespmem:s21+$0x6410]  }
0x225: {  	v8 =	vld [tilespmem:s8+$0x6410];
	_ =	sdelay $0x3  }
0x226: {  	[tilespmem:s31+$0x128] =	vst v10  }
0x227: {  	[tilespmem:s31+$0xFFFFFEA8] =	vst v8;
	v10 =	vld [tilespmem:s21+$0x6420]  }
0x228: {  	v8 =	vld [tilespmem:s8+$0x6420];
	_ =	sdelay $0x2  }
0x229: {  	s4 =	spop (v2sf)  }
0x22a: {  	s23 =	spop (v2sf);
	[tilespmem:s31+$0x138] =	vst v10  }
0x22b: {  	[tilespmem:s31+$0xFFFFFEB8] =	vst v8;
	v10 =	vld [tilespmem:s23+$0x6400]  }
0x22c: {  	(v2sf) =	vpush v2, $0xE;
	v8 =	vld [tilespmem:s13+$0x6400]  }
0x22d: {  	(v2sf) =	vpush v3, $0x9;
	_ =	sdelay $0x2  }
0x22e: {  	[tilespmem:s31+$0x140] =	vst v10  }
0x22f: {  	[tilespmem:s31+$0xFFFFFEC0] =	vst v8;
	v10 =	vld [tilespmem:s23+$0x6410]  }
0x230: {  	v8 =	vld [tilespmem:s13+$0x6410];
	_ =	sdelay $0x3  }
0x231: {  	[tilespmem:s31+$0x150] =	vst v10  }
0x232: {  	[tilespmem:s31+$0xFFFFFED0] =	vst v8;
	v10 =	vld [tilespmem:s23+$0x6420]  }
0x233: {  	v8 =	vld [tilespmem:s13+$0x6420];
	_ =	sdelay $0x2  }
0x234: {  	s3 =	spop (v2sf)  }
0x235: {  	s1 =	spop (v2sf);
	[tilespmem:s31+$0x160] =	vst v10  }
0x236: {  	[tilespmem:s31+$0xFFFFFEE0] =	vst v8;
	v10 =	vld [tilespmem:s1+$0x6400]  }
0x237: {  	(v2sf) =	vpush v2, $0xF;
	v2 =	vld [tilespmem:s6+$0x6400]  }
0x238: {  	(v2sf) =	vpush v3, $0xA;
	_ =	sdelay $0x2  }
0x239: {  	[tilespmem:s31+$0x168] =	vst v10  }
0x23a: {  	[tilespmem:s31+$0xFFFFFEE8] =	vst v2;
	v8 =	vld [tilespmem:s1+$0x6410]  }
0x23b: {  	v2 =	vld [tilespmem:s6+$0x6410];
	_ =	sdelay $0x3  }
0x23c: {  	[tilespmem:s31+$0x178] =	vst v8  }
0x23d: {  	[tilespmem:s31+$0xFFFFFEF8] =	vst v2;
	v8 =	vld [tilespmem:s1+$0x6420]  }
0x23e: {  	v2 =	vld [tilespmem:s6+$0x6420];
	_ =	sdelay $0x2  }
0x23f: {  	[tilespmem:s22+$0xFFFFFF08] =	vst v9;
	s1 =	spop (v2sf)  }
0x240: {  	s8 =	spop (v2sf);
	[tilespmem:s31+$0x188] =	vst v8  }
0x241: {  	v8 =	vld [tilespmem:s8+$0x6400];
	s13 =	rddreg [dreg:$0xa];
	[tilespmem:s31+$0xFFFFFF08] =	vst v2  }
0x242: {  	v9 =	vld [tilespmem:s13+$0x6400];
	s14 =	rddreg [dreg:$0x10]  }
0x243: {  	v2 =	vld [tilespmem:s14+$0x6400]  }
0x244: {  	(v2sf) =	vpush v3, $0xB;
	_ =	sdelay $0x1  }
0x245: {  	[tilespmem:s31+$0x190] =	vst v8  }
0x246: {  	[tilespmem:s22+$0xFFFFFF10] =	vst v9;
	v8 =	vld [tilespmem:s8+$0x6410]  }
0x247: {  	v9 =	vld [tilespmem:s13+$0x6410];
	[tilespmem:s31+$0xFFFFFF10] =	vst v2  }
0x248: {  	v2 =	vld [tilespmem:s14+$0x6410];
	_ =	sdelay $0x1  }
0x249: {  	[tilespmem:s22+$0x1A0] =	vst v7  }
0x24a: {  	v7 =	vld [tilespmem:s16+$0x6420];
	[tilespmem:s31+$0x1A0] =	vst v8  }
0x24b: {  	[tilespmem:s22+$0xFFFFFF20] =	vst v9;
	v8 =	vld [tilespmem:s8+$0x6420]  }
0x24c: {  	v9 =	vld [tilespmem:s13+$0x6420];
	[tilespmem:s31+$0xFFFFFF20] =	vst v2  }
0x24d: {  	v2 =	vld [tilespmem:s14+$0x6420];
	_ =	sdelay $0x1  }
0x24e: {  	[tilespmem:s22+$0x1B0] =	vst v7  }
0x24f: {  	v7 =	vld [tilespmem:s15+$0x6400];
	[tilespmem:s31+$0x1B0] =	vst v8  }
0x250: {  	s16 =	spop (v2sf);
	[tilespmem:s22+$0xFFFFFF30] =	vst v9  }
0x251: {  	v8 =	vld [tilespmem:s16+$0x6400];
	s17 =	rddreg [dreg:$0x9];
	[tilespmem:s31+$0xFFFFFF30] =	vst v2  }
0x252: {  	v9 =	vld [tilespmem:s17+$0x6400];
	s19 =	rddreg [dreg:$0xe]  }
0x253: {  	(v2sf) =	vpush v3, $0xC;
	v2 =	vld [tilespmem:s19+$0x6400]  }
0x254: {  	[tilespmem:s22+$0x1B8] =	vst v7  }
0x255: {  	v7 =	vld [tilespmem:s15+$0x6410]  }
0x256: {  	[tilespmem:s31+$0x1B8] =	vst v8  }
0x257: {  	v8 =	vld [tilespmem:s16+$0x6410];
	[tilespmem:s22+$0xFFFFFF38] =	vst v9  }
0x258: {  	v9 =	vld [tilespmem:s17+$0x6410];
	[tilespmem:s31+$0xFFFFFF38] =	vst v2  }
0x259: {  	v2 =	vld [tilespmem:s19+$0x6410]  }
0x25a: {  	[tilespmem:s22+$0x1C8] =	vst v7  }
0x25b: {  	v7 =	vld [tilespmem:s15+$0x6420]  }
0x25c: {  	[tilespmem:s31+$0x1C8] =	vst v8  }
0x25d: {  	v8 =	vld [tilespmem:s16+$0x6420];
	[tilespmem:s22+$0xFFFFFF48] =	vst v9  }
0x25e: {  	v9 =	vld [tilespmem:s17+$0x6420];
	[tilespmem:s31+$0xFFFFFF48] =	vst v2  }
0x25f: {  	v2 =	vld [tilespmem:s19+$0x6420]  }
0x260: {  	[tilespmem:s22+$0x1D8] =	vst v7  }
0x261: {  	v7 =	vld [tilespmem:s10+$0x6400]  }
0x262: {  	s21 =	spop (v2sf);
	[tilespmem:s31+$0x1D8] =	vst v8  }
0x263: {  	v8 =	vld [tilespmem:s21+$0x6400];
	[tilespmem:s22+$0xFFFFFF58] =	vst v9  }
0x264: {  	v9 =	vld [tilespmem:s30+$0x6400];
	[tilespmem:s31+$0xFFFFFF58] =	vst v2  }
0x265: {  	(v2sf) =	vpush v3, $0xD;
	v2 =	vld [tilespmem:s18+$0x6400]  }
0x266: {  	[tilespmem:s22+$0x1E0] =	vst v7  }
0x267: {  	v7 =	vld [tilespmem:s10+$0x6410]  }
0x268: {  	[tilespmem:s31+$0x1E0] =	vst v8  }
0x269: {  	v8 =	vld [tilespmem:s21+$0x6410];
	[tilespmem:s22+$0xFFFFFF60] =	vst v9  }
0x26a: {  	v9 =	vld [tilespmem:s30+$0x6410];
	[tilespmem:s31+$0xFFFFFF60] =	vst v2  }
0x26b: {  	v2 =	vld [tilespmem:s18+$0x6410]  }
0x26c: {  	[tilespmem:s22+$0x1F0] =	vst v7  }
0x26d: {  	v7 =	vld [tilespmem:s10+$0x6420]  }
0x26e: {  	[tilespmem:s31+$0x1F0] =	vst v8  }
0x26f: {  	v8 =	vld [tilespmem:s21+$0x6420];
	[tilespmem:s22+$0xFFFFFF70] =	vst v9  }
0x270: {  	v9 =	vld [tilespmem:s30+$0x6420];
	[tilespmem:s31+$0xFFFFFF70] =	vst v2  }
0x271: {  	v2 =	vld [tilespmem:s18+$0x6420]  }
0x272: {  	[tilespmem:s22+$0x200] =	vst v7  }
0x273: {  	v7 =	vld [tilespmem:s4+$0x6400]  }
0x274: {  	s23 =	spop (v2sf);
	[tilespmem:s31+$0x200] =	vst v8  }
0x275: {  	v8 =	vld [tilespmem:s23+$0x6400];
	[tilespmem:s22+$0xFFFFFF80] =	vst v9  }
0x276: {  	v9 =	vld [tilespmem:s29+$0x6400];
	[tilespmem:s31+$0xFFFFFF80] =	vst v2  }
0x277: {  	(v2sf) =	vpush v3, $0xE;
	v2 =	vld [tilespmem:s12+$0x6400]  }
0x278: {  	[tilespmem:s22+$0x208] =	vst v7  }
0x279: {  	v7 =	vld [tilespmem:s4+$0x6410]  }
0x27a: {  	[tilespmem:s31+$0x208] =	vst v8  }
0x27b: {  	v8 =	vld [tilespmem:s23+$0x6410];
	[tilespmem:s22+$0xFFFFFF88] =	vst v9  }
0x27c: {  	v9 =	vld [tilespmem:s29+$0x6410];
	[tilespmem:s31+$0xFFFFFF88] =	vst v2  }
0x27d: {  	v2 =	vld [tilespmem:s12+$0x6410]  }
0x27e: {  	[tilespmem:s22+$0x218] =	vst v7  }
0x27f: {  	v7 =	vld [tilespmem:s4+$0x6420]  }
0x280: {  	[tilespmem:s31+$0x218] =	vst v8  }
0x281: {  	v8 =	vld [tilespmem:s23+$0x6420];
	[tilespmem:s22+$0xFFFFFF98] =	vst v9  }
0x282: {  	v9 =	vld [tilespmem:s29+$0x6420];
	[tilespmem:s31+$0xFFFFFF98] =	vst v2  }
0x283: {  	v2 =	vld [tilespmem:s12+$0x6420]  }
0x284: {  	[tilespmem:s22+$0x228] =	vst v7  }
0x285: {  	v7 =	vld [tilespmem:s3+$0x6400]  }
0x286: {  	s6 =	spop (v2sf);
	[tilespmem:s31+$0x228] =	vst v8  }
0x287: {  	v8 =	vld [tilespmem:s6+$0x6400];
	[tilespmem:s22+$0xFFFFFFA8] =	vst v9  }
0x288: {  	v9 =	vld [tilespmem:s26+$0x6400];
	[tilespmem:s31+$0xFFFFFFA8] =	vst v2  }
0x289: {  	(v2sf) =	vpush v3, $0xF;
	v2 =	vld [tilespmem:s2+$0x6400]  }
0x28a: {  	[tilespmem:s22+$0x230] =	vst v7  }
0x28b: {  	v3 =	vld [tilespmem:s3+$0x6410]  }
0x28c: {  	[tilespmem:s31+$0x230] =	vst v8  }
0x28d: {  	v7 =	vld [tilespmem:s6+$0x6410];
	[tilespmem:s22+$0xFFFFFFB0] =	vst v9  }
0x28e: {  	v8 =	vld [tilespmem:s26+$0x6410];
	[tilespmem:s31+$0xFFFFFFB0] =	vst v2  }
0x28f: {  	v2 =	vld [tilespmem:s2+$0x6410]  }
0x290: {  	[tilespmem:s22+$0x240] =	vst v3  }
0x291: {  	v3 =	vld [tilespmem:s3+$0x6420]  }
0x292: {  	[tilespmem:s31+$0x240] =	vst v7  }
0x293: {  	v7 =	vld [tilespmem:s6+$0x6420];
	[tilespmem:s22+$0xFFFFFFC0] =	vst v8  }
0x294: {  	v8 =	vld [tilespmem:s26+$0x6420];
	[tilespmem:s31+$0xFFFFFFC0] =	vst v2  }
0x295: {  	v2 =	vld [tilespmem:s2+$0x6420]  }
0x296: {  	[tilespmem:s22+$0x250] =	vst v3  }
0x297: {  	s7 =	sadd.s32 $0x500, s7;
	v3 =	vld [tilespmem:s1+$0x6400]  }
0x298: {  	s8 =	spop (v2sf);
	s10 =	sadd.s32 $0x280, s7;
	[tilespmem:s31+$0x250] =	vst v7  }
0x299: {  	v7 =	vld [tilespmem:s8+$0x6400];
	[tilespmem:s22+$0xFFFFFFD0] =	vst v8;
	v8 =	vadd.s32 s10, v0  }
0x29a: {  	v9 =	vld [tilespmem:s24+$0x6400];
	[tilespmem:s31+$0xFFFFFFD0] =	vst v2;
	v2 =	vand.u32 $0x1FFF8, v8  }
0x29b: {  	s11 =	rddreg [dreg:$0xd];
	v2 =	vor.u32 v1, v2  }
0x29c: {  	[tilespmem:s22+$0x258] =	vst v3;
	v8 =	vld [tilespmem:s11+$0x6400]  }
0x29d: {  	[tilespmem:s20+$0xFFFFFFD8] =	vst v6;
	v3 =	vld [tilespmem:s1+$0x6410]  }
0x29e: {  	v6 =	vld [tilespmem:s5+$0x6410];
	[tilespmem:s31+$0x258] =	vst v7  }
0x29f: {  	v10 =	vld [tilespmem:s9+$0x6420];
	s12 =	sadd.s32 $0x500, s7;
	[tilespmem:s22+$0xFFFFFFD8] =	vst v9  }
0x2a0: {  	s13 =	sadd.s32 $0x280, s12;
	v7 =	vld [tilespmem:s8+$0x6410];
	[tilespmem:v2+s25+$0x0] =	vst.idx.msk $0xff, v5  }
0x2a1: {  	v9 =	vld [tilespmem:s24+$0x6410];
	v2 =	vadd.s32 s13, v0;
	[tilespmem:s31+$0xFFFFFFD8] =	vst v8  }
0x2a2: {  	v8 =	vadd.s32 s7, v0;
	[tilespmem:s22+$0x268] =	vst v3;
	v2 =	vand.u32 $0x1FFF8, v2;
	v5 =	vld [tilespmem:s11+$0x6410]  }
0x2a3: {  	s14 =	sadd.s32 $0x500, s12;
	[tilespmem:s20+$0xFFFFFFE8] =	vst v6;
	v3 =	vand.u32 $0x1FFF8, v8;
	v6 =	vld [tilespmem:s1+$0x6420];
	v2 =	vor.u32 v1, v2  }
0x2a4: {  	s15 =	sadd.s32 $0x280, s14;
	[tilespmem:v4+s25+$0x0] =	vst.idx.msk $0xff, v10;
	v12 =	vld [tilespmem:s5+$0x6420];
	v3 =	vor.u32 v1, v3  }
0x2a5: {  	v8 =	vadd.s32 s15, v0;
	[tilespmem:s31+$0x268] =	vst v7  }
0x2a6: {  	v11 =	vadd.s32 s12, v0;
	v7 =	vand.u32 $0x1FFF8, v8;
	[tilespmem:s22+$0xFFFFFFE8] =	vst v9  }
0x2a7: {  	v8 =	vand.u32 $0x1FFF8, v11;
	v11 =	vld [tilespmem:s8+$0x6420];
	v7 =	vor.u32 v1, v7;
	v9 =	vadd.s32 s14, v0;
	[tilespmem:s31+$0xFFFFFFE8] =	vst v5  }
0x2a8: {  	v8 =	vor.u32 v1, v8;
	v9 =	vand.u32 $0x1FFF8, v9;
	v13 =	vld [tilespmem:s24+$0x6420];
	s16 =	rddreg [dreg:$0x1e];
	[tilespmem:v2+s25+$0x0] =	vst.idx.msk $0xff, v6  }
0x2a9: {  	v4 =	vor.u32 v1, v9;
	v5 =	vld [tilespmem:s11+$0x6420];
	[tilespmem:v3+s25+$0x0] =	vst.idx.msk $0xff, v12;
	s0 =	smul.u32 $0x500, s16  }
0x2aa: {  	s17 =	rddreg [dreg:$0x17]  }
0x2ab: {  	s0 =	sadd.s32 s17, s0  }
0x2ac: {  	[tilespmem:v7+s25+$0x0] =	vst.idx.msk $0xff, v11;
	s0 =	smul.u32 $0x5, s0  }
0x2ad: {  	s18 =	rddreg [dreg:$0x1];
	[tilespmem:v8+s25+$0x0] =	vst.idx.msk $0xff, v13  }
0x2ae: {  	s19 =	simm.s32 $0x0;
	[tilespmem:v4+s25+$0x0] =	vst.idx.msk $0xff, v5;
	s0 =	sadd.s32 s18, s0  }
0x2af: {  	[hbm4b:s0+s19] =	stream.linear.scatter [tilespmem:s25], [sflag:$0x1], $0x6400, $0x38;
	[tilespmem:$0x12FC0] =	vst v63  }
0x2b0: {  	s0 =	simm.s32 @!p0 $0x2  }
0x2b1: {  	_ =	swait.ge @!p0 [sflag:s0], $0x6400  }
0x2b2: {  	[sflag:s0] =	ssyncset.done @!p0 $0x0  }
0x2b3: {  	s16 =	rddreg [dreg:$0x1d];
	[sflag:s0] =	ssyncadd.s32 @!p0 $0xFFFF9C00  }
0x2b4: {  	v2 =	vld [tilespmem:s16+$0x0];
	_ =	sdelay $0x2  }
0x2b5: {  	v4 =	vld [tilespmem:s16+$0xFFFFFFF0];
	_ =	sdelay $0x1  }
0x2b6: {  	v2 =	vmul.u32 $0xC0, v2;
	_ =	sdelay $0x1  }
0x2b7: {  	v3 =	vshra.s32 v2, $0x2  }
0x2b8: {  	v2 =	vmul.u32 $0xC0, v4;
	(v2sf) =	vpush v3, $0x0;
	_ =	sdelay $0x1  }
0x2b9: {  	v2 =	vshra.s32 v2, $0x2  }
0x2ba: {  	(v2sf) =	vpush v2, $0x0  }
0x2bb: {  	(v2sf) =	vpush v2, $0x1  }
0x2bc: {  	(v2sf) =	vpush v2, $0x2  }
0x2bd: {  	(v2sf) =	vpush v2, $0x3  }
0x2be: {  	(v2sf) =	vpush v2, $0x4  }
0x2bf: {  	(v2sf) =	vpush v2, $0x5  }
0x2c0: {  	(v2sf) =	vpush v2, $0x6  }
0x2c1: {  	(v2sf) =	vpush v2, $0x7  }
0x2c2: {  	(v2sf) =	vpush v2, $0x8  }
0x2c3: {  	(v2sf) =	vpush v2, $0x9  }
0x2c4: {  	(v2sf) =	vpush v2, $0xA  }
0x2c5: {  	(v2sf) =	vpush v2, $0xB  }
0x2c6: {  	(v2sf) =	vpush v2, $0xC;
	s20 =	spop (v2sf)  }
0x2c7: {  	(v2sf) =	vpush v2, $0xD;
	v4 =	vld [tilespmem:s20+$0x6400]  }
0x2c8: {  	(v2sf) =	vpush v2, $0xE  }
0x2c9: {  	s21 =	spop (v2sf);
	(v2sf) =	vpush v3, $0x1  }
0x2ca: {  	s22 =	spop (v2sf)  }
0x2cb: {  	s0 =	simm.s32 $0xCE40;
	s23 =	spop (v2sf)  }
0x2cc: {  	v5 =	vld [tilespmem:s21+$0x6400];
	s24 =	spop (v2sf);
	[tilespmem:s0+$0x0] =	vst v4  }
0x2cd: {  	s25 =	spop (v2sf);
	v4 =	vld [tilespmem:s20+$0x6410]  }
0x2ce: {  	s26 =	spop (v2sf)  }
0x2cf: {  	s15 =	spop (v2sf)  }
0x2d0: {  	s10 =	spop (v2sf)  }
0x2d1: {  	[tilespmem:s0+$0xFFFFFD80] =	vst v5;
	s13 =	spop (v2sf)  }
0x2d2: {  	v5 =	vld [tilespmem:s21+$0x6410];
	s12 =	spop (v2sf);
	[tilespmem:s0+$0x10] =	vst v4  }
0x2d3: {  	s6 =	spop (v2sf);
	v4 =	vld [tilespmem:s20+$0x6420]  }
0x2d4: {  	s7 =	spop (v2sf)  }
0x2d5: {  	s4 =	spop (v2sf)  }
0x2d6: {  	s3 =	spop (v2sf)  }
0x2d7: {  	[tilespmem:s0+$0xFFFFFD90] =	vst v5;
	s1 =	spop (v2sf)  }
0x2d8: {  	v5 =	vld [tilespmem:s21+$0x6420];
	s20 =	spop (v2sf);
	[tilespmem:s0+$0x20] =	vst v4  }
0x2d9: {  	v4 =	vld [tilespmem:s20+$0x6400]  }
0x2da: {  	(v2sf) =	vpush v2, $0xF  }
0x2db: {  	(v2sf) =	vpush v3, $0x2;
	_ =	sdelay $0x1  }
0x2dc: {  	[tilespmem:s0+$0xFFFFFDA0] =	vst v5  }
0x2dd: {  	v2 =	vld [tilespmem:s22+$0x6400];
	[tilespmem:s0+$0x28] =	vst v4  }
0x2de: {  	v4 =	vld [tilespmem:s20+$0x6410];
	_ =	sdelay $0x3  }
0x2df: {  	[tilespmem:s0+$0xFFFFFDA8] =	vst v2  }
0x2e0: {  	v2 =	vld [tilespmem:s22+$0x6410];
	[tilespmem:s0+$0x38] =	vst v4  }
0x2e1: {  	v4 =	vld [tilespmem:s20+$0x6420];
	_ =	sdelay $0x3  }
0x2e2: {  	s28 =	spop (v2sf);
	[tilespmem:s0+$0xFFFFFDB8] =	vst v2  }
0x2e3: {  	s21 =	spop (v2sf);
	v2 =	vld [tilespmem:s22+$0x6420];
	[tilespmem:s0+$0x48] =	vst v4  }
0x2e4: {  	v4 =	vld [tilespmem:s21+$0x6400];
	_ =	sdelay $0x1  }
0x2e5: {  	(v2sf) =	vpush v3, $0x3;
	_ =	sdelay $0x1  }
0x2e6: {  	[tilespmem:s0+$0xFFFFFDC8] =	vst v2  }
0x2e7: {  	v2 =	vld [tilespmem:s23+$0x6400];
	[tilespmem:s0+$0x50] =	vst v4  }
0x2e8: {  	v4 =	vld [tilespmem:s21+$0x6410];
	_ =	sdelay $0x3  }
0x2e9: {  	[tilespmem:s0+$0xFFFFFDD0] =	vst v2  }
0x2ea: {  	v2 =	vld [tilespmem:s23+$0x6410];
	[tilespmem:s0+$0x60] =	vst v4  }
0x2eb: {  	v4 =	vld [tilespmem:s21+$0x6420];
	_ =	sdelay $0x3  }
0x2ec: {  	[tilespmem:s0+$0xFFFFFDE0] =	vst v2  }
0x2ed: {  	s22 =	spop (v2sf);
	v2 =	vld [tilespmem:s23+$0x6420];
	[tilespmem:s0+$0x70] =	vst v4  }
0x2ee: {  	v4 =	vld [tilespmem:s22+$0x6400];
	_ =	sdelay $0x1  }
0x2ef: {  	(v2sf) =	vpush v3, $0x4;
	_ =	sdelay $0x1  }
0x2f0: {  	[tilespmem:s0+$0xFFFFFDF0] =	vst v2  }
0x2f1: {  	v2 =	vld [tilespmem:s24+$0x6400];
	[tilespmem:s0+$0x78] =	vst v4  }
0x2f2: {  	v4 =	vld [tilespmem:s22+$0x6410];
	_ =	sdelay $0x3  }
0x2f3: {  	[tilespmem:s0+$0xFFFFFDF8] =	vst v2  }
0x2f4: {  	v2 =	vld [tilespmem:s24+$0x6410];
	[tilespmem:s0+$0x88] =	vst v4  }
0x2f5: {  	v4 =	vld [tilespmem:s22+$0x6420];
	_ =	sdelay $0x3  }
0x2f6: {  	[tilespmem:s0+$0xFFFFFE08] =	vst v2  }
0x2f7: {  	s23 =	spop (v2sf);
	v2 =	vld [tilespmem:s24+$0x6420];
	[tilespmem:s0+$0x98] =	vst v4  }
0x2f8: {  	s11 =	sadd.s32 $0x20, s16;
	v4 =	vld [tilespmem:s23+$0x6400]  }
0x2f9: {  	v5 =	vld [tilespmem:s11+$0x0]  }
0x2fa: {  	v6 =	vld [tilespmem:s11+$0xFFFFFFF0];
	(v2sf) =	vpush v3, $0x5;
	_ =	sdelay $0x1  }
0x2fb: {  	[tilespmem:s0+$0xFFFFFE18] =	vst v2  }
0x2fc: {  	v2 =	vld [tilespmem:s25+$0x6400];
	[tilespmem:s0+$0xA0] =	vst v4  }
0x2fd: {  	v4 =	vmul.u32 $0xC0, v5;
	v7 =	vld [tilespmem:s23+$0x6410]  }
0x2fe: {  	v5 =	vmul.u32 $0xC0, v6  }
0x2ff: {  	v4 =	vshra.s32 v4, $0x2  }
0x300: {  	v5 =	vshra.s32 v5, $0x2;
	(v2sf) =	vpush v4, $0x0  }
0x301: {  	[tilespmem:s0+$0xFFFFFE20] =	vst v2;
	(v2sf) =	vpush v5, $0x0  }
0x302: {  	v2 =	vld [tilespmem:s25+$0x6410];
	(v2sf) =	vpush v5, $0x1;
	[tilespmem:s0+$0xB0] =	vst v7  }
0x303: {  	(v2sf) =	vpush v5, $0x2;
	v6 =	vld [tilespmem:s23+$0x6420]  }
0x304: {  	(v2sf) =	vpush v5, $0x3  }
0x305: {  	(v2sf) =	vpush v5, $0x4  }
0x306: {  	(v2sf) =	vpush v5, $0x5  }
0x307: {  	[tilespmem:s0+$0xFFFFFE30] =	vst v2;
	(v2sf) =	vpush v5, $0x6  }
0x308: {  	s24 =	spop (v2sf);
	v2 =	vld [tilespmem:s25+$0x6420];
	(v2sf) =	vpush v5, $0x7;
	[tilespmem:s0+$0xC0] =	vst v6  }
0x309: {  	(v2sf) =	vpush v3, $0x6;
	v6 =	vld [tilespmem:s24+$0x6400]  }
0x30a: {  	(v2sf) =	vpush v5, $0x8  }
0x30b: {  	(v2sf) =	vpush v5, $0x9  }
0x30c: {  	(v2sf) =	vpush v5, $0xA  }
0x30d: {  	[tilespmem:s0+$0xFFFFFE40] =	vst v2;
	(v2sf) =	vpush v5, $0xB  }
0x30e: {  	v2 =	vld [tilespmem:s26+$0x6400];
	[tilespmem:s0+$0xC8] =	vst v6  }
0x30f: {  	(v2sf) =	vpush v5, $0xC;
	s21 =	spop (v2sf);
	v6 =	vld [tilespmem:s24+$0x6410]  }
0x310: {  	s22 =	spop (v2sf)  }
0x311: {  	v7 =	vld [tilespmem:s21+$0x6400];
	s19 =	spop (v2sf)  }
0x312: {  	(v2sf) =	vpush v5, $0xD;
	s18 =	spop (v2sf)  }
0x313: {  	(v2sf) =	vpush v5, $0xE;
	v8 =	vld [tilespmem:s22+$0x6400];
	[tilespmem:s0+$0xFFFFFE48] =	vst v2;
	s17 =	spop (v2sf)  }
0x314: {  	(v2sf) =	vpush v4, $0x1;
	v2 =	vld [tilespmem:s26+$0x6410];
	s16 =	spop (v2sf);
	[tilespmem:s0+$0xD8] =	vst v6  }
0x315: {  	s20 =	simm.s32 $0xD340;
	v6 =	vld [tilespmem:s24+$0x6420];
	s24 =	spop (v2sf)  }
0x316: {  	[tilespmem:s20+$0x0] =	vst v7;
	s14 =	spop (v2sf)  }
0x317: {  	v7 =	vld [tilespmem:s21+$0x6410];
	s9 =	spop (v2sf)  }
0x318: {  	[tilespmem:s20+$0xFFFFFD80] =	vst v8;
	s23 =	spop (v2sf)  }
0x319: {  	v8 =	vld [tilespmem:s22+$0x6410];
	s8 =	spop (v2sf)  }
0x31a: {  	[tilespmem:s0+$0xFFFFFE58] =	vst v2;
	s5 =	spop (v2sf)  }
0x31b: {  	v2 =	vld [tilespmem:s26+$0x6420];
	[tilespmem:s0+$0xE8] =	vst v6;
	s2 =	spop (v2sf)  }
0x31c: {  	[tilespmem:s20+$0x10] =	vst v7;
	v6 =	vld [tilespmem:s23+$0x6400];
	s25 =	spop (v2sf)  }
0x31d: {  	(v2sf) =	vpush v5, $0xF;
	v5 =	vld [tilespmem:s21+$0x6420];
	[smem:$0x7F5] =	sst s25  }
0x31e: {  	s26 =	spop (v2sf);
	[tilespmem:s20+$0xFFFFFD90] =	vst v8  }
0x31f: {  	(v2sf) =	vpush v3, $0x7;
	[smem:$0x7F6] =	sst s26  }
0x320: {  	v7 =	vld [tilespmem:s22+$0x6420];
	[tilespmem:s0+$0xFFFFFE68] =	vst v2  }
0x321: {  	s26 =	spop (v2sf);
	v2 =	vld [tilespmem:s15+$0x6400]  }
0x322: {  	[tilespmem:s0+$0xF0] =	vst v6;
	s31 =	spop (v2sf)  }
0x323: {  	[tilespmem:s20+$0x20] =	vst v5;
	v6 =	vld [tilespmem:s23+$0x6410];
	s21 =	spop (v2sf)  }
0x324: {  	v5 =	vld [tilespmem:s21+$0x6400]  }
0x325: {  	[tilespmem:s20+$0xFFFFFDA0] =	vst v7  }
0x326: {  	(v2sf) =	vpush v4, $0x2;
	v7 =	vld [tilespmem:s19+$0x6400];
	[tilespmem:s0+$0xFFFFFE70] =	vst v2  }
0x327: {  	v2 =	vld [tilespmem:s15+$0x6410]  }
0x328: {  	[tilespmem:s0+$0x100] =	vst v6  }
0x329: {  	v6 =	vld [tilespmem:s23+$0x6420];
	[tilespmem:s20+$0x28] =	vst v5  }
0x32a: {  	v5 =	vld [tilespmem:s21+$0x6410]  }
0x32b: {  	[tilespmem:s20+$0xFFFFFDA8] =	vst v7  }
0x32c: {  	s25 =	spop (v2sf);
	[tilespmem:s0+$0xFFFFFE80] =	vst v2  }
0x32d: {  	v7 =	vld [tilespmem:s19+$0x6410];
	[dreg:$0x5] =	wrdreg s25  }
0x32e: {  	s23 =	spop (v2sf);
	[tilespmem:s0+$0x110] =	vst v6  }
0x32f: {  	[tilespmem:s20+$0x38] =	vst v5;
	v6 =	vld [tilespmem:s23+$0x6400]  }
0x330: {  	v5 =	vld [tilespmem:s21+$0x6420]  }
0x331: {  	(v2sf) =	vpush v3, $0x8  }
0x332: {  	v2 =	vld [tilespmem:s15+$0x6420]  }
0x333: {  	[tilespmem:s20+$0xFFFFFDB8] =	vst v7  }
0x334: {  	v7 =	vld [tilespmem:s19+$0x6420];
	[tilespmem:s0+$0x118] =	vst v6  }
0x335: {  	s25 =	spop (v2sf);
	[tilespmem:s20+$0x48] =	vst v5;
	v6 =	vld [tilespmem:s23+$0x6410]  }
0x336: {  	v5 =	vld [tilespmem:s25+$0x6400]  }
0x337: {  	[tilespmem:s0+$0xFFFFFE90] =	vst v2  }
0x338: {  	(v2sf) =	vpush v4, $0x3;
	v2 =	vld [tilespmem:s10+$0x6400]  }
0x339: {  	[tilespmem:s20+$0xFFFFFDC8] =	vst v7  }
0x33a: {  	v7 =	vld [tilespmem:s18+$0x6400];
	[tilespmem:s0+$0x128] =	vst v6  }
0x33b: {  	[tilespmem:s20+$0x50] =	vst v5;
	v6 =	vld [tilespmem:s23+$0x6420]  }
0x33c: {  	v5 =	vld [tilespmem:s25+$0x6410]  }
0x33d: {  	[tilespmem:s0+$0xFFFFFE98] =	vst v2  }
0x33e: {  	v2 =	vld [tilespmem:s10+$0x6410]  }
0x33f: {  	[tilespmem:s20+$0xFFFFFDD0] =	vst v7  }
0x340: {  	s15 =	spop (v2sf);
	v7 =	vld [tilespmem:s18+$0x6410];
	[tilespmem:s0+$0x138] =	vst v6  }
0x341: {  	[tilespmem:s20+$0x60] =	vst v5;
	v6 =	vld [tilespmem:s15+$0x6400]  }
0x342: {  	v5 =	vld [tilespmem:s25+$0x6420]  }
0x343: {  	(v2sf) =	vpush v3, $0x9;
	[tilespmem:s0+$0xFFFFFEA8] =	vst v2  }
0x344: {  	v2 =	vld [tilespmem:s10+$0x6420]  }
0x345: {  	[tilespmem:s20+$0xFFFFFDE0] =	vst v7  }
0x346: {  	v7 =	vld [tilespmem:s18+$0x6420];
	[tilespmem:s0+$0x140] =	vst v6  }
0x347: {  	s18 =	spop (v2sf);
	[tilespmem:s20+$0x70] =	vst v5;
	v6 =	vld [tilespmem:s15+$0x6410]  }
0x348: {  	v5 =	vld [tilespmem:s18+$0x6400]  }
0x349: {  	[tilespmem:s0+$0xFFFFFEB8] =	vst v2  }
0x34a: {  	(v2sf) =	vpush v4, $0x4;
	v2 =	vld [tilespmem:s13+$0x6400];
	_ =	sdelay $0x1  }
0x34b: {  	[tilespmem:s0+$0x150] =	vst v6  }
0x34c: {  	[tilespmem:s20+$0x78] =	vst v5;
	v6 =	vld [tilespmem:s15+$0x6420]  }
0x34d: {  	[tilespmem:s20+$0xFFFFFDF0] =	vst v7;
	v5 =	vld [tilespmem:s18+$0x6410]  }
0x34e: {  	v7 =	vld [tilespmem:s17+$0x6400];
	[tilespmem:s0+$0xFFFFFEC0] =	vst v2  }
0x34f: {  	v2 =	vld [tilespmem:s13+$0x6410];
	_ =	sdelay $0x1  }
0x350: {  	s19 =	spop (v2sf);
	[tilespmem:s0+$0x160] =	vst v6  }
0x351: {  	[tilespmem:s20+$0x88] =	vst v5;
	v6 =	vld [tilespmem:s19+$0x6400]  }
0x352: {  	[tilespmem:s20+$0xFFFFFDF8] =	vst v7;
	v5 =	vld [tilespmem:s18+$0x6420]  }
0x353: {  	(v2sf) =	vpush v3, $0xA;
	v7 =	vld [tilespmem:s17+$0x6410];
	[tilespmem:s0+$0xFFFFFED0] =	vst v2  }
0x354: {  	v2 =	vld [tilespmem:s13+$0x6420]  }
0x355: {  	s15 =	sadd.s32 $0x20, s11  }
0x356: {  	v8 =	vld [tilespmem:s15+$0x0];
	[tilespmem:s0+$0x168] =	vst v6  }
0x357: {  	s21 =	spop (v2sf);
	[tilespmem:s20+$0x98] =	vst v5;
	v6 =	vld [tilespmem:s19+$0x6410]  }
0x358: {  	[tilespmem:s20+$0xFFFFFE08] =	vst v7;
	v5 =	vld [tilespmem:s21+$0x6400]  }
0x359: {  	v7 =	vld [tilespmem:s17+$0x6420];
	[tilespmem:s0+$0xFFFFFEE0] =	vst v2  }
0x35a: {  	(v2sf) =	vpush v4, $0x5;
	v2 =	vld [tilespmem:s12+$0x6400]  }
0x35b: {  	v9 =	vld [tilespmem:s15+$0xFFFFFFF0]  }
0x35c: {  	[tilespmem:s0+$0x178] =	vst v6  }
0x35d: {  	[tilespmem:s20+$0xA0] =	vst v5;
	v6 =	vld [tilespmem:s19+$0x6420]  }
0x35e: {  	[tilespmem:s20+$0xFFFFFE18] =	vst v7;
	v5 =	vld [tilespmem:s21+$0x6410]  }
0x35f: {  	v8 =	vmul.u32 $0xC0, v8;
	v7 =	vld [tilespmem:s16+$0x6400];
	[tilespmem:s0+$0xFFFFFEE8] =	vst v2  }
0x360: {  	v9 =	vmul.u32 $0xC0, v9;
	v10 =	vld [tilespmem:s12+$0x6410]  }
0x361: {  	v2 =	vshra.s32 v8, $0x2  }
0x362: {  	s22 =	spop (v2sf);
	(v2sf) =	vpush v2, $0x0;
	[tilespmem:s0+$0x188] =	vst v6;
	v6 =	vshra.s32 v9, $0x2  }
0x363: {  	[tilespmem:s20+$0xB0] =	vst v5;
	v8 =	vld [tilespmem:s22+$0x6400];
	(v2sf) =	vpush v6, $0x0  }
0x364: {  	[tilespmem:s20+$0xFFFFFE20] =	vst v7;
	v5 =	vld [tilespmem:s21+$0x6420];
	(v2sf) =	vpush v3, $0xB  }
0x365: {  	v7 =	vld [tilespmem:s16+$0x6410];
	[tilespmem:s0+$0xFFFFFEF8] =	vst v10;
	(v2sf) =	vpush v6, $0x1  }
0x366: {  	v9 =	vld [tilespmem:s12+$0x6420];
	(v2sf) =	vpush v6, $0x2  }
0x367: {  	(v2sf) =	vpush v6, $0x3  }
0x368: {  	[tilespmem:s0+$0x190] =	vst v8;
	(v2sf) =	vpush v6, $0x4  }
0x369: {  	s23 =	spop (v2sf);
	[tilespmem:s20+$0xC0] =	vst v5;
	v8 =	vld [tilespmem:s22+$0x6410];
	(v2sf) =	vpush v6, $0x5  }
0x36a: {  	[tilespmem:s20+$0xFFFFFE30] =	vst v7;
	v5 =	vld [tilespmem:s23+$0x6400];
	(v2sf) =	vpush v6, $0x6  }
0x36b: {  	v7 =	vld [tilespmem:s16+$0x6420];
	[tilespmem:s0+$0xFFFFFF08] =	vst v9;
	(v2sf) =	vpush v6, $0x7  }
0x36c: {  	v9 =	vld [tilespmem:s6+$0x6400];
	(v2sf) =	vpush v4, $0x6  }
0x36d: {  	(v2sf) =	vpush v6, $0x8  }
0x36e: {  	[tilespmem:s0+$0x1A0] =	vst v8;
	(v2sf) =	vpush v6, $0x9  }
0x36f: {  	[tilespmem:s20+$0xC8] =	vst v5;
	v8 =	vld [tilespmem:s22+$0x6420];
	(v2sf) =	vpush v6, $0xA  }
0x370: {  	[tilespmem:s20+$0xFFFFFE40] =	vst v7;
	v5 =	vld [tilespmem:s23+$0x6410];
	(v2sf) =	vpush v6, $0xB  }
0x371: {  	v7 =	vld [tilespmem:s24+$0x6400];
	s21 =	spop (v2sf);
	[tilespmem:s0+$0xFFFFFF10] =	vst v9  }
0x372: {  	v10 =	vld [tilespmem:s6+$0x6410];
	(v2sf) =	vpush v6, $0xC;
	s22 =	spop (v2sf)  }
0x373: {  	v9 =	vld [tilespmem:s21+$0x6400];
	s25 =	spop (v2sf)  }
0x374: {  	(v2sf) =	vpush v6, $0xD;
	v11 =	vld [tilespmem:s22+$0x6400];
	[tilespmem:s0+$0x1B0] =	vst v8;
	s19 =	spop (v2sf)  }
0x375: {  	(v2sf) =	vpush v6, $0xE;
	[tilespmem:s20+$0xD8] =	vst v5;
	v8 =	vld [tilespmem:s25+$0x6400];
	s11 =	spop (v2sf)  }
0x376: {  	[tilespmem:s20+$0xFFFFFE48] =	vst v7;
	(v2sf) =	vpush v2, $0x1;
	v5 =	vld [tilespmem:s23+$0x6420];
	s10 =	spop (v2sf)  }
0x377: {  	[tilespmem:s0+$0xFFFFFF20] =	vst v10;
	(v2sf) =	vpush v6, $0xF;
	s23 =	simm.s32 $0xD840;
	v6 =	vld [tilespmem:s24+$0x6410];
	s18 =	spop (v2sf)  }
0x378: {  	[tilespmem:s23+$0x0] =	vst v9;
	v9 =	vld [tilespmem:s6+$0x6420];
	s13 =	spop (v2sf)  }
0x379: {  	v7 =	vld [tilespmem:s21+$0x6410];
	[tilespmem:s23+$0xFFFFFD80] =	vst v11;
	s12 =	spop (v2sf)  }
0x37a: {  	v10 =	vld [tilespmem:s22+$0x6410];
	[tilespmem:s0+$0x1B8] =	vst v8;
	s16 =	spop (v2sf)  }
0x37b: {  	[tilespmem:s20+$0xE8] =	vst v5;
	s6 =	spop (v2sf)  }
0x37c: {  	(v2sf) =	vpush v3, $0xC;
	[tilespmem:s20+$0xFFFFFE58] =	vst v6;
	v8 =	vld [tilespmem:s25+$0x6410];
	s17 =	spop (v2sf)  }
0x37d: {  	v6 =	vld [tilespmem:s24+$0x6420];
	[tilespmem:s0+$0xFFFFFF30] =	vst v9;
	s30 =	spop (v2sf)  }
0x37e: {  	v5 =	vld [tilespmem:s6+$0x6400];
	[tilespmem:s23+$0x10] =	vst v7;
	s29 =	spop (v2sf)  }
0x37f: {  	v9 =	vld [tilespmem:s7+$0x6400];
	[tilespmem:s23+$0xFFFFFD90] =	vst v10;
	s24 =	spop (v2sf)  }
0x380: {  	v7 =	vld [tilespmem:s21+$0x6420];
	[dreg:$0x11] =	wrdreg s24  }
0x381: {  	s24 =	spop (v2sf);
	[tilespmem:s0+$0x1C8] =	vst v8  }
0x382: {  	v10 =	vld [tilespmem:s22+$0x6420];
	[dreg:$0xb] =	wrdreg s24  }
0x383: {  	(v2sf) =	vpush v4, $0x7;
	v8 =	vld [tilespmem:s25+$0x6420];
	[tilespmem:s20+$0xF0] =	vst v5;
	s25 =	spop (v2sf)  }
0x384: {  	[dreg:$0x8] =	wrdreg s25  }
0x385: {  	s22 =	spop (v2sf);
	[tilespmem:s20+$0xFFFFFE68] =	vst v6  }
0x386: {  	v5 =	vld [tilespmem:s6+$0x6410];
	[dreg:$0x7] =	wrdreg s22  }
0x387: {  	[tilespmem:s23+$0x20] =	vst v7  }
0x388: {  	s21 =	spop (v2sf);
	v6 =	vld [tilespmem:s14+$0x6400];
	[tilespmem:s0+$0xFFFFFF38] =	vst v9  }
0x389: {  	s24 =	spop (v2sf);
	[tilespmem:s23+$0xFFFFFDA0] =	vst v10;
	v7 =	vld [tilespmem:s21+$0x6400]  }
0x38a: {  	v9 =	vld [tilespmem:s7+$0x6410];
	[dreg:$0x6] =	wrdreg s24  }
0x38b: {  	s25 =	spop (v2sf);
	v10 =	vld [tilespmem:s19+$0x6400];
	[tilespmem:s0+$0x1D8] =	vst v8  }
0x38c: {  	(v2sf) =	vpush v2, $0x2;
	v8 =	vld [tilespmem:s25+$0x6400];
	[tilespmem:s20+$0x100] =	vst v5  }
0x38d: {  	v5 =	vld [tilespmem:s6+$0x6420];
	s6 =	sadd.s32 $0x20, s15  }
0x38e: {  	[tilespmem:s20+$0xFFFFFE70] =	vst v6;
	v11 =	vld [tilespmem:s6+$0xFFFFFFF0]  }
0x38f: {  	v6 =	vld [tilespmem:s14+$0x6410];
	[tilespmem:s23+$0x28] =	vst v7  }
0x390: {  	(v2sf) =	vpush v3, $0xD;
	[tilespmem:s0+$0xFFFFFF48] =	vst v9;
	v7 =	vld [tilespmem:s21+$0x6410]  }
0x391: {  	v9 =	vld [tilespmem:s7+$0x6420];
	[tilespmem:s23+$0xFFFFFDA8] =	vst v10  }
0x392: {  	s7 =	spop (v2sf);
	v10 =	vld [tilespmem:s19+$0x6410];
	[tilespmem:s20+$0x110] =	vst v5  }
0x393: {  	[tilespmem:s0+$0x1E0] =	vst v8;
	v5 =	vld [tilespmem:s7+$0x6400]  }
0x394: {  	v8 =	vld [tilespmem:s25+$0x6410];
	[tilespmem:s20+$0xFFFFFE80] =	vst v6  }
0x395: {  	(v2sf) =	vpush v4, $0x8;
	v6 =	vld [tilespmem:s14+$0x6420];
	[tilespmem:s23+$0x38] =	vst v7  }
0x396: {  	[tilespmem:s0+$0xFFFFFF58] =	vst v9;
	v7 =	vld [tilespmem:s21+$0x6420]  }
0x397: {  	v9 =	vld [tilespmem:s4+$0x6400];
	[tilespmem:s23+$0xFFFFFDB8] =	vst v10  }
0x398: {  	v10 =	vld [tilespmem:s19+$0x6420];
	[tilespmem:s20+$0x118] =	vst v5  }
0x399: {  	[tilespmem:s0+$0x1F0] =	vst v8;
	v5 =	vld [tilespmem:s7+$0x6410]  }
0x39a: {  	v8 =	vld [tilespmem:s25+$0x6420];
	[tilespmem:s20+$0xFFFFFE90] =	vst v6  }
0x39b: {  	s19 =	spop (v2sf);
	v6 =	vld [tilespmem:s9+$0x6400];
	[tilespmem:s23+$0x48] =	vst v7  }
0x39c: {  	[tilespmem:s0+$0xFFFFFF60] =	vst v9;
	v7 =	vld [tilespmem:s19+$0x6400]  }
0x39d: {  	v9 =	vld [tilespmem:s4+$0x6410];
	[tilespmem:s23+$0xFFFFFDC8] =	vst v10  }
0x39e: {  	(v2sf) =	vpush v2, $0x3;
	v10 =	vld [tilespmem:s11+$0x6400];
	[tilespmem:s20+$0x128] =	vst v5  }
0x39f: {  	s21 =	spop (v2sf);
	[tilespmem:s0+$0x200] =	vst v8;
	v5 =	vld [tilespmem:s7+$0x6420]  }
0x3a0: {  	v8 =	vld [tilespmem:s21+$0x6400];
	[tilespmem:s20+$0xFFFFFE98] =	vst v6  }
0x3a1: {  	v6 =	vld [tilespmem:s9+$0x6410];
	[tilespmem:s23+$0x50] =	vst v7  }
0x3a2: {  	(v2sf) =	vpush v3, $0xE;
	[tilespmem:s0+$0xFFFFFF70] =	vst v9;
	v7 =	vld [tilespmem:s19+$0x6410]  }
0x3a3: {  	v9 =	vld [tilespmem:s4+$0x6420];
	[tilespmem:s23+$0xFFFFFDD0] =	vst v10  }
0x3a4: {  	s22 =	spop (v2sf);
	v10 =	vld [tilespmem:s11+$0x6410];
	[tilespmem:s20+$0x138] =	vst v5  }
0x3a5: {  	[tilespmem:s0+$0x208] =	vst v8;
	v5 =	vld [tilespmem:s22+$0x6400]  }
0x3a6: {  	v8 =	vld [tilespmem:s21+$0x6410];
	[tilespmem:s20+$0xFFFFFEA8] =	vst v6  }
0x3a7: {  	(v2sf) =	vpush v4, $0x9;
	v6 =	vld [tilespmem:s9+$0x6420];
	[tilespmem:s23+$0x60] =	vst v7  }
0x3a8: {  	[tilespmem:s0+$0xFFFFFF80] =	vst v9;
	v7 =	vld [tilespmem:s19+$0x6420]  }
0x3a9: {  	v9 =	vld [tilespmem:s3+$0x6400];
	[tilespmem:s23+$0xFFFFFDE0] =	vst v10  }
0x3aa: {  	v10 =	vld [tilespmem:s11+$0x6420];
	[tilespmem:s20+$0x140] =	vst v5  }
0x3ab: {  	[tilespmem:s0+$0x218] =	vst v8;
	v5 =	vld [tilespmem:s22+$0x6410]  }
0x3ac: {  	v8 =	vld [tilespmem:s21+$0x6420];
	[tilespmem:s20+$0xFFFFFEB8] =	vst v6  }
0x3ad: {  	s24 =	spop (v2sf);
	v6 =	vld [tilespmem:s8+$0x6400];
	[tilespmem:s23+$0x70] =	vst v7  }
0x3ae: {  	[tilespmem:s0+$0xFFFFFF88] =	vst v9;
	v7 =	vld [tilespmem:s24+$0x6400]  }
0x3af: {  	v9 =	vld [tilespmem:s3+$0x6410];
	[tilespmem:s23+$0xFFFFFDF0] =	vst v10  }
0x3b0: {  	v10 =	vld [tilespmem:s10+$0x6400];
	[tilespmem:s20+$0x150] =	vst v5  }
0x3b1: {  	(v2sf) =	vpush v2, $0x4;
	s25 =	spop (v2sf);
	[tilespmem:s0+$0x228] =	vst v8;
	v5 =	vld [tilespmem:s22+$0x6420]  }
0x3b2: {  	v8 =	vld [tilespmem:s25+$0x6400];
	[tilespmem:s20+$0xFFFFFEC0] =	vst v6  }
0x3b3: {  	v6 =	vld [tilespmem:s8+$0x6410];
	[tilespmem:s23+$0x78] =	vst v7  }
0x3b4: {  	[tilespmem:s0+$0xFFFFFF98] =	vst v9;
	v7 =	vld [tilespmem:s24+$0x6410]  }
0x3b5: {  	(v2sf) =	vpush v3, $0xF;
	v9 =	vld [tilespmem:s3+$0x6420];
	[tilespmem:s23+$0xFFFFFDF8] =	vst v10  }
0x3b6: {  	s4 =	spop (v2sf);
	v10 =	vld [tilespmem:s10+$0x6410];
	[tilespmem:s20+$0x160] =	vst v5  }
0x3b7: {  	[tilespmem:s0+$0x230] =	vst v8;
	v3 =	vld [tilespmem:s4+$0x6400]  }
0x3b8: {  	v8 =	vld [tilespmem:s25+$0x6410];
	[tilespmem:s20+$0xFFFFFED0] =	vst v6  }
0x3b9: {  	(v2sf) =	vpush v4, $0xA;
	v5 =	vld [tilespmem:s8+$0x6420];
	[tilespmem:s23+$0x88] =	vst v7  }
0x3ba: {  	[tilespmem:s0+$0xFFFFFFA8] =	vst v9;
	v6 =	vld [tilespmem:s24+$0x6420]  }
0x3bb: {  	v7 =	vld [tilespmem:s1+$0x6400];
	[tilespmem:s23+$0xFFFFFE08] =	vst v10  }
0x3bc: {  	v10 =	vld [tilespmem:s6+$0x0];
	[tilespmem:s20+$0x168] =	vst v3  }
0x3bd: {  	v3 =	vld [tilespmem:s4+$0x6410]  }
0x3be: {  	v9 =	vld [tilespmem:s10+$0x6420];
	[tilespmem:s0+$0x240] =	vst v8  }
0x3bf: {  	v8 =	vld [tilespmem:s25+$0x6420];
	[tilespmem:s20+$0xFFFFFEE0] =	vst v5  }
0x3c0: {  	s9 =	spop (v2sf);
	v5 =	vld [tilespmem:s5+$0x6400];
	[tilespmem:s23+$0x98] =	vst v6  }
0x3c1: {  	[tilespmem:s0+$0xFFFFFFB0] =	vst v7;
	v6 =	vld [tilespmem:s9+$0x6400]  }
0x3c2: {  	v7 =	vld [tilespmem:s1+$0x6410];
	[tilespmem:s20+$0x178] =	vst v3  }
0x3c3: {  	[tilespmem:s23+$0xFFFFFE18] =	vst v9;
	v61 =	vld [tilespmem:s4+$0x6420]  }
0x3c4: {  	(v2sf) =	vpush v2, $0x5;
	s10 =	spop (v2sf);
	v9 =	vld [tilespmem:s18+$0x6400];
	[tilespmem:s0+$0x250] =	vst v8  }
0x3c5: {  	v3 =	vmul.u32 $0xC0, v10;
	v8 =	vld [tilespmem:s10+$0x6400];
	[tilespmem:s20+$0xFFFFFEE8] =	vst v5  }
0x3c6: {  	[tilespmem:s23+$0xA0] =	vst v6;
	v6 =	vld [tilespmem:s5+$0x6410]  }
0x3c7: {  	v3 =	vshra.s32 v3, $0x2;
	[tilespmem:s0+$0xFFFFFFC0] =	vst v7;
	v5 =	vld [tilespmem:s9+$0x6410]  }
0x3c8: {  	s11 =	spop (v2sf);
	(v2sf) =	vpush v3, $0x0;
	v10 =	vld [tilespmem:s1+$0x6420];
	[tilespmem:s20+$0x188] =	vst v61  }
0x3c9: {  	v7 =	vmul.u32 $0xC0, v11;
	[tilespmem:s23+$0xFFFFFE20] =	vst v9;
	v9 =	vld [tilespmem:s11+$0x6400]  }
0x3ca: {  	v11 =	vld [tilespmem:s18+$0x6410];
	[tilespmem:s0+$0x258] =	vst v8  }
0x3cb: {  	v7 =	vshra.s32 v7, $0x2;
	v8 =	vld [tilespmem:s10+$0x6410];
	[tilespmem:s20+$0xFFFFFEF8] =	vst v6  }
0x3cc: {  	(v2sf) =	vpush v7, $0x0;
	[tilespmem:s23+$0xB0] =	vst v5;
	v6 =	vld [tilespmem:s5+$0x6420]  }
0x3cd: {  	(v2sf) =	vpush v4, $0xB;
	[tilespmem:s0+$0xFFFFFFD0] =	vst v10;
	v5 =	vld [tilespmem:s9+$0x6420]  }
0x3ce: {  	[tilespmem:s20+$0x190] =	vst v9;
	v9 =	vld [tilespmem:s28+$0x6400]  }
0x3cf: {  	(v2sf) =	vpush v7, $0x1;
	[tilespmem:s23+$0xFFFFFE30] =	vst v11;
	v10 =	vld [tilespmem:s11+$0x6410]  }
0x3d0: {  	(v2sf) =	vpush v7, $0x2;
	[tilespmem:s0+$0x268] =	vst v8  }
0x3d1: {  	(v2sf) =	vpush v7, $0x3;
	[tilespmem:s20+$0xFFFFFF08] =	vst v6  }
0x3d2: {  	s14 =	simm.s32 $0x280;
	(v2sf) =	vpush v7, $0x4;
	v11 =	vld [tilespmem:s18+$0x6420];
	[tilespmem:s23+$0xC0] =	vst v5  }
0x3d3: {  	s15 =	spop (v2sf);
	(v2sf) =	vpush v7, $0x5;
	v5 =	vadd.s32 s14, v0;
	v6 =	vld [tilespmem:s2+$0x6400];
	[tilespmem:s0+$0xFFFFFFD8] =	vst v9  }
0x3d4: {  	(v2sf) =	vpush v7, $0x6;
	v62 =	vld [tilespmem:s15+$0x6400];
	v5 =	vand.u32 $0x1FFF8, v5;
	[tilespmem:s20+$0x1A0] =	vst v10  }
0x3d5: {  	v8 =	vld [tilespmem:s10+$0x6420];
	(v2sf) =	vpush v7, $0x7;
	v5 =	vor.u32 v1, v5;
	[dreg:$0x3] =	wrdreg s28  }
0x3d6: {  	(v2sf) =	vpush v2, $0x6;
	v9 =	vld [tilespmem:s28+$0x6410]  }
0x3d7: {  	(v2sf) =	vpush v7, $0x8;
	s18 =	spop (v2sf);
	[tilespmem:s23+$0xFFFFFE40] =	vst v11;
	v10 =	vld [tilespmem:s11+$0x6420]  }
0x3d8: {  	(v2sf) =	vpush v7, $0x9;
	[tilespmem:s20+$0xFFFFFF10] =	vst v6;
	v6 =	vld [tilespmem:s18+$0x6400]  }
0x3d9: {  	s25 =	simm.s32 $0xCBC0;
	(v2sf) =	vpush v7, $0xA;
	v11 =	vld [tilespmem:s13+$0x6400];
	[tilespmem:s23+$0xC8] =	vst v62  }
0x3da: {  	(v2sf) =	vpush v7, $0xB;
	v12 =	vld [tilespmem:s15+$0x6410];
	[tilespmem:v5+s25+$0x0] =	vst.idx.msk $0xff, v8  }
0x3db: {  	(v2sf) =	vpush v7, $0xC;
	s22 =	spop (v2sf);
	v5 =	vld [tilespmem:s2+$0x6410];
	[tilespmem:s0+$0xFFFFFFE8] =	vst v9  }
0x3dc: {  	s1 =	simm.s32 $0xDD40;
	(v2sf) =	vpush v7, $0xD;
	v8 =	vld [tilespmem:s22+$0x6400];
	s24 =	spop (v2sf);
	[tilespmem:s20+$0x1B0] =	vst v10  }
0x3dd: {  	(v2sf) =	vpush v7, $0xE;
	[tilespmem:s1+$0x0] =	vst v6;
	v9 =	vld [tilespmem:s24+$0x6400]  }
0x3de: {  	(v2sf) =	vpush v3, $0x1;
	s19 =	spop (v2sf);
	[tilespmem:s23+$0xFFFFFE48] =	vst v11;
	v6 =	vld [tilespmem:s18+$0x6410]  }
0x3df: {  	(v2sf) =	vpush v7, $0xF;
	s11 =	spop (v2sf);
	v7 =	vld [tilespmem:s13+$0x6410];
	[tilespmem:s23+$0xD8] =	vst v12  }
0x3e0: {  	s10 =	spop (v2sf);
	[tilespmem:s20+$0xFFFFFF20] =	vst v5;
	v10 =	vld [tilespmem:s15+$0x6420]  }
0x3e1: {  	[tilespmem:s1+$0xFFFFFD80] =	vst v8;
	v5 =	vld [tilespmem:s2+$0x6420];
	s15 =	spop (v2sf)  }
0x3e2: {  	(v2sf) =	vpush v4, $0xC;
	s4 =	spop (v2sf);
	[tilespmem:s20+$0x1B8] =	vst v9  }
0x3e3: {  	v8 =	vld [tilespmem:s22+$0x6410];
	s3 =	spop (v2sf);
	[tilespmem:s1+$0x10] =	vst v6  }
0x3e4: {  	s14 =	spop (v2sf);
	[tilespmem:s23+$0xFFFFFE58] =	vst v7;
	v7 =	vld [tilespmem:s24+$0x6410]  }
0x3e5: {  	s21 =	spop (v2sf);
	[tilespmem:s23+$0xE8] =	vst v10  }
0x3e6: {  	s5 =	smov.u32 s31;
	v9 =	vld [tilespmem:s13+$0x6420];
	[tilespmem:s20+$0xFFFFFF30] =	vst v5;
	s31 =	spop (v2sf)  }
0x3e7: {  	v6 =	vld [tilespmem:s18+$0x6420];
	s8 =	sld [smem:$0x7F5];
	s13 =	spop (v2sf)  }
0x3e8: {  	v10 =	vld [tilespmem:s21+$0x6400];
	[tilespmem:s1+$0xFFFFFD90] =	vst v8;
	s7 =	spop (v2sf)  }
0x3e9: {  	v8 =	vld [tilespmem:s22+$0x6420];
	s18 =	spop (v2sf);
	[tilespmem:s20+$0x1C8] =	vst v7  }
0x3ea: {  	v5 =	vld [tilespmem:s8+$0x6400];
	[dreg:$0xf] =	wrdreg s18  }
0x3eb: {  	s22 =	spop (v2sf);
	[tilespmem:s23+$0xFFFFFE68] =	vst v9  }
0x3ec: {  	s9 =	spop (v2sf);
	v7 =	vld [tilespmem:s24+$0x6420];
	[dreg:$0xc] =	wrdreg s22  }
0x3ed: {  	(v2sf) =	vpush v2, $0x7;
	s2 =	spop (v2sf);
	v9 =	vld [tilespmem:s12+$0x6400];
	[tilespmem:s23+$0xF0] =	vst v10  }
0x3ee: {  	s24 =	spop (v2sf);
	[tilespmem:s1+$0x20] =	vst v6;
	v10 =	vld [tilespmem:s21+$0x6410]  }
0x3ef: {  	[tilespmem:s20+$0xFFFFFF38] =	vst v5;
	v6 =	vld [tilespmem:s24+$0x6400]  }
0x3f0: {  	[tilespmem:s1+$0xFFFFFDA0] =	vst v8;
	s28 =	spop (v2sf);
	v5 =	vld [tilespmem:s8+$0x6410]  }
0x3f1: {  	v8 =	vld [tilespmem:s19+$0x6400];
	s0 =	spop (v2sf);
	[tilespmem:s20+$0x1D8] =	vst v7  }
0x3f2: {  	v7 =	vld [tilespmem:s0+$0x6400];
	[tilespmem:s23+$0xFFFFFE70] =	vst v9  }
0x3f3: {  	v9 =	vld [tilespmem:s12+$0x6410];
	[tilespmem:s23+$0x100] =	vst v10  }
0x3f4: {  	(v2sf) =	vpush v3, $0x2;
	[tilespmem:s1+$0x28] =	vst v6;
	v10 =	vld [tilespmem:s21+$0x6420]  }
0x3f5: {  	[tilespmem:s20+$0xFFFFFF48] =	vst v5;
	v6 =	vld [tilespmem:s24+$0x6410]  }
0x3f6: {  	[tilespmem:s1+$0xFFFFFDA8] =	vst v8;
	v5 =	vld [tilespmem:s8+$0x6420]  }
0x3f7: {  	(v2sf) =	vpush v4, $0xD;
	[tilespmem:s20+$0x1E0] =	vst v7  }
0x3f8: {  	[tilespmem:s23+$0xFFFFFE80] =	vst v9  }
0x3f9: {  	[tilespmem:s23+$0x110] =	vst v10  }
0x3fa: {  	v8 =	vld [tilespmem:s19+$0x6410];
	[tilespmem:s1+$0x38] =	vst v6  }
0x3fb: {  	v7 =	vld [tilespmem:s0+$0x6410];
	[tilespmem:s20+$0xFFFFFF58] =	vst v5  }
0x3fc: {  	s18 =	spop (v2sf);
	v9 =	vld [tilespmem:s12+$0x6420];
	s21 =	sld [smem:$0x7F6]  }
0x3fd: {  	v10 =	vld [tilespmem:s18+$0x6400]  }
0x3fe: {  	v6 =	vld [tilespmem:s24+$0x6420]  }
0x3ff: {  	(v2sf) =	vpush v2, $0x8;
	[tilespmem:s1+$0xFFFFFDB8] =	vst v8;
	v5 =	vld [tilespmem:s21+$0x6400]  }
0x400: {  	v8 =	vld [tilespmem:s19+$0x6420];
	[tilespmem:s20+$0x1F0] =	vst v7  }
0x401: {  	v7 =	vld [tilespmem:s0+$0x6420];
	[tilespmem:s23+$0xFFFFFE90] =	vst v9  }
0x402: {  	v9 =	vld [tilespmem:s16+$0x6400];
	[tilespmem:s23+$0x118] =	vst v10  }
0x403: {  	s24 =	spop (v2sf);
	[tilespmem:s1+$0x48] =	vst v6;
	v10 =	vld [tilespmem:s18+$0x6410]  }
0x404: {  	v6 =	vld [tilespmem:s24+$0x6400];
	[tilespmem:s20+$0xFFFFFF60] =	vst v5  }
0x405: {  	[tilespmem:s1+$0xFFFFFDC8] =	vst v8;
	v5 =	vld [tilespmem:s21+$0x6410]  }
0x406: {  	(v2sf) =	vpush v3, $0x3;
	s8 =	spop (v2sf);
	v8 =	vld [tilespmem:s11+$0x6400];
	[tilespmem:s20+$0x200] =	vst v7  }
0x407: {  	v7 =	vld [tilespmem:s8+$0x6400];
	[tilespmem:s23+$0xFFFFFE98] =	vst v9  }
0x408: {  	v9 =	vld [tilespmem:s16+$0x6410];
	[tilespmem:s23+$0x128] =	vst v10  }
0x409: {  	(v2sf) =	vpush v4, $0xE;
	[tilespmem:s1+$0x50] =	vst v6;
	v10 =	vld [tilespmem:s18+$0x6420]  }
0x40a: {  	v6 =	vld [tilespmem:s24+$0x6410];
	[tilespmem:s20+$0xFFFFFF70] =	vst v5  }
0x40b: {  	[tilespmem:s1+$0xFFFFFDD0] =	vst v8;
	v5 =	vld [tilespmem:s21+$0x6420]  }
0x40c: {  	v8 =	vld [tilespmem:s11+$0x6410];
	[tilespmem:s20+$0x208] =	vst v7  }
0x40d: {  	v7 =	vld [tilespmem:s8+$0x6410];
	[tilespmem:s23+$0xFFFFFEA8] =	vst v9  }
0x40e: {  	s18 =	spop (v2sf);
	v9 =	vld [tilespmem:s16+$0x6420];
	[tilespmem:s23+$0x138] =	vst v10  }
0x40f: {  	[tilespmem:s1+$0x60] =	vst v6;
	v10 =	vld [tilespmem:s18+$0x6400]  }
0x410: {  	v6 =	vld [tilespmem:s24+$0x6420];
	[tilespmem:s20+$0xFFFFFF80] =	vst v5  }
0x411: {  	(v2sf) =	vpush v2, $0x9;
	[tilespmem:s1+$0xFFFFFDE0] =	vst v8;
	v5 =	vld [tilespmem:s26+$0x6400]  }
0x412: {  	v8 =	vld [tilespmem:s11+$0x6420];
	[tilespmem:s20+$0x218] =	vst v7  }
0x413: {  	v7 =	vld [tilespmem:s8+$0x6420];
	[tilespmem:s23+$0xFFFFFEB8] =	vst v9  }
0x414: {  	v9 =	vld [tilespmem:s17+$0x6400];
	[tilespmem:s23+$0x140] =	vst v10  }
0x415: {  	s22 =	spop (v2sf);
	[tilespmem:s1+$0x70] =	vst v6;
	v10 =	vld [tilespmem:s18+$0x6410]  }
0x416: {  	v6 =	vld [tilespmem:s22+$0x6400];
	[tilespmem:s20+$0xFFFFFF88] =	vst v5  }
0x417: {  	[tilespmem:s1+$0xFFFFFDF0] =	vst v8;
	v5 =	vld [tilespmem:s26+$0x6410]  }
0x418: {  	s24 =	spop (v2sf);
	v8 =	vld [tilespmem:s10+$0x6400];
	[tilespmem:s20+$0x228] =	vst v7  }
0x419: {  	v7 =	vld [tilespmem:s24+$0x6400];
	[tilespmem:s23+$0xFFFFFEC0] =	vst v9  }
0x41a: {  	v9 =	vld [tilespmem:s17+$0x6410];
	[tilespmem:s23+$0x150] =	vst v10  }
0x41b: {  	[tilespmem:s1+$0x78] =	vst v6;
	v10 =	vld [tilespmem:s18+$0x6420]  }
0x41c: {  	(v2sf) =	vpush v3, $0x4;
	v6 =	vld [tilespmem:s22+$0x6410];
	[tilespmem:s20+$0xFFFFFF98] =	vst v5  }
0x41d: {  	[tilespmem:s1+$0xFFFFFDF8] =	vst v8;
	v5 =	vld [tilespmem:s26+$0x6420]  }
0x41e: {  	v8 =	vld [tilespmem:s10+$0x6410];
	[tilespmem:s20+$0x230] =	vst v7  }
0x41f: {  	v7 =	vld [tilespmem:s24+$0x6410];
	[tilespmem:s23+$0xFFFFFED0] =	vst v9  }
0x420: {  	s11 =	spop (v2sf);
	v9 =	vld [tilespmem:s17+$0x6420];
	[tilespmem:s23+$0x160] =	vst v10  }
0x421: {  	[tilespmem:s1+$0x88] =	vst v6;
	v10 =	vld [tilespmem:s11+$0x6400]  }
0x422: {  	v11 =	vld [tilespmem:s22+$0x6420];
	[tilespmem:s20+$0xFFFFFFA8] =	vst v5  }
0x423: {  	[tilespmem:s1+$0xFFFFFE08] =	vst v8;
	v6 =	vld [tilespmem:s5+$0x6400]  }
0x424: {  	(v2sf) =	vpush v4, $0xF;
	[tilespmem:s20+$0x240] =	vst v7  }
0x425: {  	[tilespmem:s23+$0xFFFFFEE0] =	vst v9  }
0x426: {  	[tilespmem:s23+$0x168] =	vst v10  }
0x427: {  	v63 =	vld [tilespmem:s10+$0x6420];
	[tilespmem:s1+$0x98] =	vst v11  }
0x428: {  	v5 =	vld [tilespmem:s24+$0x6420];
	[tilespmem:s20+$0xFFFFFFB0] =	vst v6  }
0x429: {  	s12 =	simm.s32 $0x0;
	v8 =	vld [tilespmem:s30+$0x6400];
	s26 =	rddreg [dreg:$0x1f]  }
0x42a: {  	v9 =	vadd.s32 s12, v0;
	v7 =	vld [tilespmem:s11+$0x6410];
	s0 =	sor.u32 $0x1, s26  }
0x42b: {  	s10 =	spop (v2sf);
	v9 =	vand.u32 $0x1FFF8, v9;
	v6 =	vld [tilespmem:s5+$0x6410];
	[smem:$0x7F7] =	sst s0  }
0x42c: {  	s16 =	sadd.s32 $0x20, s6;
	s6 =	simm.s32 $0x6;
	(v2sf) =	vpush v2, $0xA;
	v4 =	vor.u32 v1, v9;
	[tilespmem:s1+$0xFFFFFE18] =	vst v63;
	v9 =	vld [tilespmem:s10+$0x6400]  }
.LBB2_5:
0x42d: {  	_ =	sdelay $0x5  }
0x42e: {  	v10 =	vld [tilespmem:s16+$0x0];
	[tilespmem:s20+$0x250] =	vst v5;
	s17 =	spop (v2sf)  }
0x42f: {  	[tilespmem:s23+$0xFFFFFEE8] =	vst v8;
	v5 =	vld [tilespmem:s17+$0x6400]  }
0x430: {  	(v2sf) =	vpush v3, $0x5;
	[tilespmem:s23+$0x178] =	vst v7;
	v8 =	vld [tilespmem:s16+$0xFFFFFFF0]  }
0x431: {  	v7 =	vld [tilespmem:s11+$0x6420];
	[tilespmem:s20+$0xFFFFFFC0] =	vst v6  }
0x432: {  	v6 =	vld [tilespmem:s15+$0x6400]  }
0x433: {  	[tilespmem:s1+$0xA0] =	vst v9;
	v11 =	vld [tilespmem:s30+$0x6410]  }
0x434: {  	v9 =	vld [tilespmem:s10+$0x6410];
	[tilespmem:s20+$0x258] =	vst v5  }
0x435: {  	v10 =	vmul.u32 $0xC0, v10;
	v12 =	vld [tilespmem:s17+$0x6410]  }
0x436: {  	v8 =	vmul.u32 $0xC0, v8;
	[tilespmem:s23+$0x188] =	vst v7;
	v7 =	vld [tilespmem:s5+$0x6420];
	s11 =	spop (v2sf)  }
0x437: {  	v5 =	vshra.s32 v10, $0x2;
	[tilespmem:s1+$0xFFFFFE20] =	vst v6;
	v6 =	vld [tilespmem:s11+$0x6400]  }
0x438: {  	v8 =	vshra.s32 v8, $0x2;
	v10 =	vld [tilespmem:s15+$0x6410];
	[tilespmem:s23+$0xFFFFFEF8] =	vst v11;
	(v2sf) =	vpush v5, $0x0  }
0x439: {  	s12 =	sadd.s32 $0x500, s12;
	v14 =	vld [tilespmem:s30+$0x6420];
	(v2sf) =	vpush v8, $0x0;
	[tilespmem:s1+$0xB0] =	vst v9  }
0x43a: {  	s8 =	sadd.s32 $0x280, s12;
	v13 =	vld [tilespmem:s10+$0x6420];
	(v2sf) =	vpush v2, $0xB;
	[tilespmem:s20+$0x268] =	vst v12  }
0x43b: {  	s18 =	smov.u32 s13;
	s13 =	rddreg [dreg:$0x5];
	v11 =	vadd.s32 s8, v0;
	[tilespmem:s20+$0xFFFFFFD0] =	vst v7;
	(v2sf) =	vpush v8, $0x1;
	v7 =	vld [tilespmem:s17+$0x6420]  }
0x43c: {  	v11 =	vand.u32 $0x1FFF8, v11;
	(v2sf) =	vpush v8, $0x2;
	[tilespmem:s23+$0x190] =	vst v6;
	v6 =	vld [tilespmem:s13+$0x6400]  }
0x43d: {  	v11 =	vor.u32 v1, v11;
	(v2sf) =	vpush v8, $0x3  }
0x43e: {  	(v2sf) =	vpush v8, $0x4;
	[tilespmem:s1+$0xFFFFFE30] =	vst v10;
	v10 =	vld [tilespmem:s11+$0x6410]  }
0x43f: {  	(v2sf) =	vpush v8, $0x5;
	v60 =	vld [tilespmem:s15+$0x6420];
	[tilespmem:s1+$0xC0] =	vst v13;
	s15 =	spop (v2sf)  }
0x440: {  	[tilespmem:s23+$0xFFFFFF08] =	vst v14;
	(v2sf) =	vpush v8, $0x6;
	v13 =	vld [tilespmem:s15+$0x6400]  }
0x441: {  	s19 =	rddreg [dreg:$0x3];
	v14 =	vld [tilespmem:s29+$0x6400];
	(v2sf) =	vpush v8, $0x7;
	[tilespmem:s20+$0xFFFFFFD8] =	vst v6  }
0x442: {  	s21 =	smov.u32 s13;
	[tilespmem:v11+s25+$0x0] =	vst.idx.msk $0xff, v7;
	(v2sf) =	vpush v3, $0x6;
	v6 =	vld [tilespmem:s19+$0x6420]  }
0x443: {  	(v2sf) =	vpush v8, $0x8;
	[tilespmem:s23+$0x1A0] =	vst v10;
	v7 =	vld [tilespmem:s21+$0x6410]  }
0x444: {  	(v2sf) =	vpush v8, $0x9;
	[tilespmem:s1+$0xFFFFFE40] =	vst v60;
	v10 =	vld [tilespmem:s11+$0x6420]  }
0x445: {  	(v2sf) =	vpush v8, $0xA;
	v11 =	vld [tilespmem:s4+$0x6400];
	[tilespmem:s1+$0xC8] =	vst v13  }
0x446: {  	[tilespmem:s23+$0xFFFFFF10] =	vst v14;
	(v2sf) =	vpush v8, $0xB;
	v61 =	vld [tilespmem:s15+$0x6410]  }
0x447: {  	v9 =	vadd.s32 s12, v0;
	v62 =	vld [tilespmem:s29+$0x6410];
	(v2sf) =	vpush v8, $0xC;
	s13 =	spop (v2sf);
	[tilespmem:v4+s25+$0x0] =	vst.idx.msk $0xff, v6  }
0x448: {  	[dreg:$0x3] =	wrdreg s21;
	v9 =	vand.u32 $0x1FFF8, v9;
	s21 =	spop (v2sf);
	(v2sf) =	vpush v8, $0xD;
	v6 =	vld [tilespmem:s13+$0x6400];
	[tilespmem:s20+$0xFFFFFFE8] =	vst v7;
	s20 =	smov.u32 s23  }
0x449: {  	v9 =	vor.u32 v1, v9;
	(v2sf) =	vpush v8, $0xE;
	s19 =	spop (v2sf);
	v7 =	vld [tilespmem:s21+$0x6400];
	[tilespmem:s20+$0x1B0] =	vst v10  }
0x44a: {  	v4 =	vmov v9;
	s25 =	spop (v2sf);
	(v2sf) =	vpush v5, $0x1;
	[tilespmem:s1+$0xFFFFFE48] =	vst v11;
	v9 =	vld [tilespmem:s19+$0x6400]  }
0x44b: {  	s0 =	rddreg [dreg:$0x7];
	s11 =	spop (v2sf);
	(v2sf) =	vpush v8, $0xF;
	v8 =	vld [tilespmem:s4+$0x6410];
	[tilespmem:s1+$0xD8] =	vst v61  }
0x44c: {  	s23 =	smov.u32 s1;
	s17 =	spop (v2sf);
	s1 =	sadd.s32 $0x500, s1;
	[tilespmem:s20+$0xFFFFFF20] =	vst v62;
	(v2sf) =	vpush v2, $0xC;
	v10 =	vld [tilespmem:s15+$0x6420]  }
0x44d: {  	s22 =	rddreg [dreg:$0x6];
	s8 =	smov.u32 s28;
	s15 =	spop (v2sf);
	[tilespmem:s1+$0x0] =	vst v6;
	v6 =	vld [tilespmem:s29+$0x6420]  }
0x44e: {  	s24 =	smov.u32 s22;
	[dreg:$0x6] =	wrdreg s8;
	s8 =	spop (v2sf);
	[tilespmem:s1+$0xFFFFFD80] =	vst v7;
	v7 =	vld [tilespmem:s13+$0x6410]  }
0x44f: {  	[dreg:$0x5] =	wrdreg s24;
	s24 =	smov.u32 s7;
	s22 =	spop (v2sf);
	v11 =	vld [tilespmem:s21+$0x6410];
	[tilespmem:s20+$0x1B8] =	vst v9  }
0x450: {  	[dreg:$0x14] =	wrdreg s24;
	s24 =	spop (v2sf);
	[tilespmem:s23+$0xFFFFFE58] =	vst v8;
	v8 =	vld [tilespmem:s19+$0x6410]  }
0x451: {  	s26 =	smov.u32 s0;
	s0 =	spop (v2sf);
	v9 =	vld [tilespmem:s4+$0x6420];
	[tilespmem:s23+$0xE8] =	vst v10  }
0x452: {  	s30 =	rddreg [dreg:$0x11];
	s10 =	spop (v2sf);
	v10 =	vld [tilespmem:s0+$0x6400];
	[tilespmem:s20+$0xFFFFFF30] =	vst v6  }
0x453: {  	s4 =	smov.u32 s8;
	s8 =	spop (v2sf);
	v6 =	vld [tilespmem:s30+$0x6400];
	[tilespmem:s1+$0x10] =	vst v7  }
0x454: {  	s29 =	spop (v2sf);
	(v2sf) =	vpush v3, $0x7;
	[tilespmem:s1+$0xFFFFFD90] =	vst v11;
	v7 =	vld [tilespmem:s13+$0x6420]  }
0x455: {  	s13 =	smov.u32 s9;
	s9 =	spop (v2sf);
	v11 =	vld [tilespmem:s21+$0x6420];
	[tilespmem:s20+$0x1C8] =	vst v8  }
0x456: {  	s21 =	spop (v2sf);
	[tilespmem:s23+$0xFFFFFE68] =	vst v9;
	v8 =	vld [tilespmem:s19+$0x6420]  }
0x457: {  	s19 =	spop (v2sf);
	v9 =	vld [tilespmem:s3+$0x6400];
	[tilespmem:s23+$0xF0] =	vst v10  }
0x458: {  	s5 =	smov.u32 s2;
	s2 =	spop (v2sf);
	v10 =	vld [tilespmem:s0+$0x6410];
	[tilespmem:s20+$0xFFFFFF38] =	vst v6  }
0x459: {  	[dreg:$0x7] =	wrdreg s5;
	s5 =	spop (v2sf);
	v6 =	vld [tilespmem:s30+$0x6410];
	[tilespmem:s1+$0x20] =	vst v7  }
0x45a: {  	s28 =	spop (v2sf);
	[tilespmem:s1+$0xFFFFFDA0] =	vst v11;
	v7 =	vld [tilespmem:s5+$0x6400]  }
0x45b: {  	s7 =	spop (v2sf);
	v11 =	vld [tilespmem:s25+$0x6400];
	[tilespmem:s20+$0x1D8] =	vst v8  }
0x45c: {  	(v2sf) =	vpush v5, $0x2;
	[tilespmem:s23+$0xFFFFFE70] =	vst v9;
	v8 =	vld [tilespmem:s7+$0x6400]  }
0x45d: {  	v9 =	vld [tilespmem:s3+$0x6410];
	[tilespmem:s23+$0x100] =	vst v10  }
0x45e: {  	(v2sf) =	vpush v2, $0xD;
	v10 =	vld [tilespmem:s0+$0x6420];
	[tilespmem:s20+$0xFFFFFF48] =	vst v6  }
0x45f: {  	v6 =	vld [tilespmem:s30+$0x6420];
	[tilespmem:s1+$0x28] =	vst v7  }
0x460: {  	[tilespmem:s1+$0xFFFFFDA8] =	vst v11;
	v7 =	vld [tilespmem:s5+$0x6410]  }
0x461: {  	v11 =	vld [tilespmem:s25+$0x6410];
	[tilespmem:s20+$0x1E0] =	vst v8  }
0x462: {  	s0 =	rddreg [dreg:$0xf];
	[tilespmem:s23+$0xFFFFFE80] =	vst v9;
	v8 =	vld [tilespmem:s7+$0x6410]  }
0x463: {  	s30 =	smov.u32 s0;
	s0 =	smov.u32 s9;
	s9 =	spop (v2sf);
	v9 =	vld [tilespmem:s3+$0x6420];
	[tilespmem:s23+$0x110] =	vst v10  }
0x464: {  	s3 =	smov.u32 s22;
	s22 =	rddreg [dreg:$0xb];
	v10 =	vld [tilespmem:s9+$0x6400];
	[tilespmem:s20+$0xFFFFFF58] =	vst v6  }
0x465: {  	v6 =	vld [tilespmem:s22+$0x6400];
	[tilespmem:s1+$0x38] =	vst v7  }
0x466: {  	(v2sf) =	vpush v3, $0x8;
	[tilespmem:s1+$0xFFFFFDB8] =	vst v11;
	v7 =	vld [tilespmem:s5+$0x6420]  }
0x467: {  	v11 =	vld [tilespmem:s25+$0x6420];
	[tilespmem:s20+$0x1F0] =	vst v8  }
0x468: {  	[tilespmem:s23+$0xFFFFFE90] =	vst v9;
	v8 =	vld [tilespmem:s7+$0x6420]  }
0x469: {  	v9 =	vld [tilespmem:s14+$0x6400];
	[tilespmem:s23+$0x118] =	vst v10  }
0x46a: {  	v10 =	vld [tilespmem:s9+$0x6410];
	[tilespmem:s20+$0xFFFFFF60] =	vst v6  }
0x46b: {  	s5 =	spop (v2sf);
	v6 =	vld [tilespmem:s22+$0x6410];
	[tilespmem:s1+$0x48] =	vst v7  }
0x46c: {  	[tilespmem:s1+$0xFFFFFDC8] =	vst v11;
	v7 =	vld [tilespmem:s5+$0x6400]  }
0x46d: {  	s7 =	spop (v2sf);
	v11 =	vld [tilespmem:s11+$0x6400];
	[tilespmem:s20+$0x200] =	vst v8  }
0x46e: {  	(v2sf) =	vpush v5, $0x3;
	[tilespmem:s23+$0xFFFFFE98] =	vst v9;
	v8 =	vld [tilespmem:s7+$0x6400]  }
0x46f: {  	v9 =	vld [tilespmem:s14+$0x6410];
	[tilespmem:s23+$0x128] =	vst v10  }
0x470: {  	(v2sf) =	vpush v2, $0xE;
	v10 =	vld [tilespmem:s9+$0x6420];
	[tilespmem:s20+$0xFFFFFF70] =	vst v6  }
0x471: {  	v6 =	vld [tilespmem:s22+$0x6420];
	[tilespmem:s1+$0x50] =	vst v7  }
0x472: {  	[tilespmem:s1+$0xFFFFFDD0] =	vst v11;
	v7 =	vld [tilespmem:s5+$0x6410]  }
0x473: {  	v11 =	vld [tilespmem:s11+$0x6410];
	[tilespmem:s20+$0x208] =	vst v8  }
0x474: {  	[tilespmem:s23+$0xFFFFFEA8] =	vst v9;
	v8 =	vld [tilespmem:s7+$0x6410]  }
0x475: {  	s9 =	spop (v2sf);
	v9 =	vld [tilespmem:s14+$0x6420];
	[tilespmem:s23+$0x138] =	vst v10  }
0x476: {  	s14 =	smov.u32 s24;
	s24 =	rddreg [dreg:$0x8];
	v10 =	vld [tilespmem:s9+$0x6400];
	[tilespmem:s20+$0xFFFFFF80] =	vst v6  }
0x477: {  	v6 =	vld [tilespmem:s24+$0x6400];
	[tilespmem:s1+$0x60] =	vst v7  }
0x478: {  	(v2sf) =	vpush v3, $0x9;
	[tilespmem:s1+$0xFFFFFDE0] =	vst v11;
	v7 =	vld [tilespmem:s5+$0x6420]  }
0x479: {  	v11 =	vld [tilespmem:s11+$0x6420];
	[tilespmem:s20+$0x218] =	vst v8  }
0x47a: {  	[dreg:$0xf] =	wrdreg s0;
	[tilespmem:s23+$0xFFFFFEB8] =	vst v9;
	v8 =	vld [tilespmem:s7+$0x6420]  }
0x47b: {  	s0 =	rddreg [dreg:$0xc];
	v9 =	vld [tilespmem:s31+$0x6400];
	[tilespmem:s23+$0x140] =	vst v10  }
0x47c: {  	s22 =	smov.u32 s0;
	v10 =	vld [tilespmem:s9+$0x6410];
	[tilespmem:s20+$0xFFFFFF88] =	vst v6  }
0x47d: {  	[dreg:$0xb] =	wrdreg s22;
	s22 =	smov.u32 s21;
	s21 =	spop (v2sf);
	v6 =	vld [tilespmem:s24+$0x6410];
	[tilespmem:s1+$0x70] =	vst v7  }
0x47e: {  	[tilespmem:s1+$0xFFFFFDF0] =	vst v11;
	v7 =	vld [tilespmem:s21+$0x6400]  }
0x47f: {  	[dreg:$0xc] =	wrdreg s22;
	s22 =	spop (v2sf);
	v11 =	vld [tilespmem:s17+$0x6400];
	[tilespmem:s20+$0x228] =	vst v8  }
0x480: {  	(v2sf) =	vpush v5, $0x4;
	[tilespmem:s23+$0xFFFFFEC0] =	vst v9;
	v8 =	vld [tilespmem:s22+$0x6400]  }
0x481: {  	v9 =	vld [tilespmem:s31+$0x6410];
	[tilespmem:s23+$0x150] =	vst v10  }
0x482: {  	v10 =	vld [tilespmem:s9+$0x6420];
	[tilespmem:s20+$0xFFFFFF98] =	vst v6  }
0x483: {  	(v2sf) =	vpush v2, $0xF;
	v2 =	vmov v3;
	v3 =	vmov v5;
	v5 =	vld [tilespmem:s24+$0x6420];
	[tilespmem:s1+$0x78] =	vst v7  }
0x484: {  	[tilespmem:s1+$0xFFFFFDF8] =	vst v11;
	v6 =	vld [tilespmem:s21+$0x6410]  }
0x485: {  	v7 =	vld [tilespmem:s17+$0x6410];
	[tilespmem:s20+$0x230] =	vst v8  }
0x486: {  	[tilespmem:s23+$0xFFFFFED0] =	vst v9;
	v8 =	vld [tilespmem:s22+$0x6410]  }
0x487: {  	s11 =	spop (v2sf);
	v9 =	vld [tilespmem:s31+$0x6420];
	[tilespmem:s23+$0x160] =	vst v10  }
0x488: {  	v10 =	vld [tilespmem:s11+$0x6400];
	[tilespmem:s20+$0xFFFFFFA8] =	vst v5  }
0x489: {  	[tilespmem:s1+$0x88] =	vst v6;
	v6 =	vld [tilespmem:s26+$0x6400]  }
0x48a: {  	s6 =	sadd.s32 $0x2, s6;
	[tilespmem:s1+$0xFFFFFE08] =	vst v7;
	v11 =	vld [tilespmem:s21+$0x6420]  }
0x48b: {  	p0 =	slt.u32 s6, $0x26;
	v63 =	vld [tilespmem:s17+$0x6420];
	[tilespmem:s20+$0x240] =	vst v8  }
.Ltmp1:
0x48c: {  	s16 =	sadd.s32 $0x20, s16;
	[tilespmem:s23+$0xFFFFFEE0] =	vst v9;
	v5 =	vld [tilespmem:s22+$0x6420];
	(pc) =	sbr.rel @p0 .LBB2_5-.Ltmp1, $4  }
0x48d: {  	[dreg:$0x11] =	wrdreg s30;
	s30 =	smov.u32 s18;
	s25 =	simm.s32 $0xCBC0;
	v8 =	vld [tilespmem:s18+$0x6400];
	[tilespmem:s23+$0x168] =	vst v10  }
0x48e: {  	s5 =	smov.u32 s26;
	s7 =	smov.u32 s29;
	s29 =	rddreg [dreg:$0x14];
	v7 =	vld [tilespmem:s11+$0x6410];
	[tilespmem:s20+$0xFFFFFFB0] =	vst v6  }
0x48f: {  	s24 =	smov.u32 s13;
	s31 =	smov.u32 s10;
	s10 =	spop (v2sf);
	[tilespmem:s1+$0x98] =	vst v11;
	v6 =	vld [tilespmem:s26+$0x6410]  }
0x490: {  	(v2sf) =	vpush v2, $0xA;
	s9 =	smov.u32 s19;
	s13 =	smov.u32 s8;
	[dreg:$0x8] =	wrdreg s24;
	[tilespmem:s1+$0xFFFFFE18] =	vst v63;
	v9 =	vld [tilespmem:s10+$0x6400]  }
0x491: {  	v10 =	vld [tilespmem:s15+$0x6400]  }
0x492: {  	(v2sf) =	vpush v3, $0x5;
	_ =	sdelay $0x2  }
0x493: {  	[tilespmem:s1+$0xA0] =	vst v9  }
0x494: {  	v9 =	vld [tilespmem:s10+$0x6410];
	[tilespmem:s1+$0xFFFFFE20] =	vst v10  }
0x495: {  	v10 =	vld [tilespmem:s15+$0x6410];
	_ =	sdelay $0x3  }
0x496: {  	[tilespmem:s1+$0xB0] =	vst v9  }
0x497: {  	v9 =	vld [tilespmem:s10+$0x6420];
	[tilespmem:s1+$0xFFFFFE30] =	vst v10  }
0x498: {  	v10 =	vld [tilespmem:s15+$0x6420];
	_ =	sdelay $0x1  }
0x499: {  	s6 =	spop (v2sf)  }
0x49a: {  	s17 =	spop (v2sf)  }
0x49b: {  	s0 =	spop (v2sf);
	[tilespmem:s1+$0xC0] =	vst v9  }
0x49c: {  	v9 =	vld [tilespmem:s0+$0x6400];
	[tilespmem:s1+$0xFFFFFE40] =	vst v10  }
0x49d: {  	(v2sf) =	vpush v2, $0xB;
	v10 =	vld [tilespmem:s4+$0x6400]  }
0x49e: {  	(v2sf) =	vpush v3, $0x6;
	_ =	sdelay $0x2  }
0x49f: {  	[tilespmem:s1+$0xC8] =	vst v9  }
0x4a0: {  	v9 =	vld [tilespmem:s0+$0x6410];
	[tilespmem:s1+$0xFFFFFE48] =	vst v10  }
0x4a1: {  	v10 =	vld [tilespmem:s4+$0x6410];
	_ =	sdelay $0x3  }
0x4a2: {  	[tilespmem:s1+$0xD8] =	vst v9  }
0x4a3: {  	v9 =	vld [tilespmem:s0+$0x6420];
	[tilespmem:s1+$0xFFFFFE58] =	vst v10  }
0x4a4: {  	v10 =	vld [tilespmem:s4+$0x6420];
	_ =	sdelay $0x2  }
0x4a5: {  	s16 =	spop (v2sf)  }
0x4a6: {  	s26 =	spop (v2sf);
	[tilespmem:s1+$0xE8] =	vst v9  }
0x4a7: {  	v9 =	vld [tilespmem:s26+$0x6400];
	[tilespmem:s1+$0xFFFFFE68] =	vst v10  }
0x4a8: {  	(v2sf) =	vpush v2, $0xC;
	v10 =	vld [tilespmem:s3+$0x6400]  }
0x4a9: {  	(v2sf) =	vpush v3, $0x7;
	_ =	sdelay $0x2  }
0x4aa: {  	[tilespmem:s1+$0xF0] =	vst v9  }
0x4ab: {  	v9 =	vld [tilespmem:s26+$0x6410];
	[tilespmem:s1+$0xFFFFFE70] =	vst v10  }
0x4ac: {  	v10 =	vld [tilespmem:s3+$0x6410];
	_ =	sdelay $0x3  }
0x4ad: {  	[tilespmem:s1+$0x100] =	vst v9  }
0x4ae: {  	v9 =	vld [tilespmem:s26+$0x6420];
	[tilespmem:s1+$0xFFFFFE80] =	vst v10  }
0x4af: {  	v10 =	vld [tilespmem:s3+$0x6420];
	_ =	sdelay $0x2  }
0x4b0: {  	s4 =	spop (v2sf)  }
0x4b1: {  	s10 =	spop (v2sf);
	[tilespmem:s1+$0x110] =	vst v9  }
0x4b2: {  	v9 =	vld [tilespmem:s10+$0x6400];
	[tilespmem:s1+$0xFFFFFE90] =	vst v10  }
0x4b3: {  	(v2sf) =	vpush v2, $0xD;
	v10 =	vld [tilespmem:s14+$0x6400]  }
0x4b4: {  	(v2sf) =	vpush v3, $0x8;
	_ =	sdelay $0x2  }
0x4b5: {  	[tilespmem:s1+$0x118] =	vst v9  }
0x4b6: {  	v9 =	vld [tilespmem:s10+$0x6410];
	[tilespmem:s1+$0xFFFFFE98] =	vst v10  }
0x4b7: {  	v10 =	vld [tilespmem:s14+$0x6410];
	_ =	sdelay $0x3  }
0x4b8: {  	[tilespmem:s1+$0x128] =	vst v9  }
0x4b9: {  	v9 =	vld [tilespmem:s10+$0x6420];
	[tilespmem:s1+$0xFFFFFEA8] =	vst v10  }
0x4ba: {  	v10 =	vld [tilespmem:s14+$0x6420];
	_ =	sdelay $0x2  }
0x4bb: {  	s14 =	spop (v2sf)  }
0x4bc: {  	s18 =	spop (v2sf);
	[tilespmem:s1+$0x138] =	vst v9  }
0x4bd: {  	v9 =	vld [tilespmem:s18+$0x6400];
	[tilespmem:s1+$0xFFFFFEB8] =	vst v10  }
0x4be: {  	(v2sf) =	vpush v2, $0xE;
	v10 =	vld [tilespmem:s31+$0x6400]  }
0x4bf: {  	(v2sf) =	vpush v3, $0x9;
	_ =	sdelay $0x2  }
0x4c0: {  	[tilespmem:s1+$0x140] =	vst v9  }
0x4c1: {  	v9 =	vld [tilespmem:s18+$0x6410];
	[tilespmem:s1+$0xFFFFFEC0] =	vst v10  }
0x4c2: {  	v10 =	vld [tilespmem:s31+$0x6410];
	_ =	sdelay $0x3  }
0x4c3: {  	[tilespmem:s1+$0x150] =	vst v9  }
0x4c4: {  	v9 =	vld [tilespmem:s18+$0x6420];
	[tilespmem:s1+$0xFFFFFED0] =	vst v10  }
0x4c5: {  	v10 =	vld [tilespmem:s31+$0x6420];
	_ =	sdelay $0x2  }
0x4c6: {  	s19 =	spop (v2sf)  }
0x4c7: {  	s21 =	spop (v2sf);
	[tilespmem:s1+$0x160] =	vst v9  }
0x4c8: {  	v9 =	vld [tilespmem:s21+$0x6400];
	[tilespmem:s1+$0xFFFFFEE0] =	vst v10  }
0x4c9: {  	[tilespmem:s23+$0xFFFFFEE8] =	vst v8;
	(v2sf) =	vpush v2, $0xF;
	v2 =	vld [tilespmem:s13+$0x6400]  }
0x4ca: {  	v8 =	vld [tilespmem:s30+$0x6410];
	(v2sf) =	vpush v3, $0xA;
	_ =	sdelay $0x2  }
0x4cb: {  	[tilespmem:s1+$0x168] =	vst v9  }
0x4cc: {  	v9 =	vld [tilespmem:s21+$0x6410];
	[tilespmem:s1+$0xFFFFFEE8] =	vst v2  }
0x4cd: {  	[tilespmem:s23+$0xFFFFFEF8] =	vst v8;
	v2 =	vld [tilespmem:s13+$0x6410]  }
0x4ce: {  	[tilespmem:s23+$0x178] =	vst v7;
	v8 =	vld [tilespmem:s30+$0x6420]  }
0x4cf: {  	v7 =	vld [tilespmem:s11+$0x6420];
	_ =	sdelay $0x1  }
0x4d0: {  	[tilespmem:s1+$0x178] =	vst v9  }
0x4d1: {  	v9 =	vld [tilespmem:s21+$0x6420];
	[tilespmem:s1+$0xFFFFFEF8] =	vst v2  }
0x4d2: {  	[tilespmem:s23+$0xFFFFFF08] =	vst v8;
	v2 =	vld [tilespmem:s13+$0x6420]  }
0x4d3: {  	[tilespmem:s23+$0x188] =	vst v7;
	v8 =	vld [tilespmem:s29+$0x6400]  }
0x4d4: {  	v7 =	vld [tilespmem:s17+$0x6400]  }
0x4d5: {  	s3 =	spop (v2sf)  }
0x4d6: {  	s22 =	spop (v2sf);
	[tilespmem:s1+$0x188] =	vst v9  }
0x4d7: {  	v9 =	vld [tilespmem:s22+$0x6400];
	[tilespmem:s1+$0xFFFFFF08] =	vst v2  }
0x4d8: {  	[tilespmem:s23+$0xFFFFFF10] =	vst v8;
	v2 =	vld [tilespmem:s7+$0x6400]  }
0x4d9: {  	[tilespmem:s23+$0x190] =	vst v7;
	v8 =	vld [tilespmem:s29+$0x6410]  }
0x4da: {  	v7 =	vld [tilespmem:s17+$0x6410];
	(v2sf) =	vpush v3, $0xB;
	_ =	sdelay $0x1  }
0x4db: {  	[tilespmem:s1+$0x190] =	vst v9  }
0x4dc: {  	v9 =	vld [tilespmem:s22+$0x6410];
	[tilespmem:s1+$0xFFFFFF10] =	vst v2  }
0x4dd: {  	[tilespmem:s23+$0xFFFFFF20] =	vst v8;
	v2 =	vld [tilespmem:s7+$0x6410]  }
0x4de: {  	[tilespmem:s23+$0x1A0] =	vst v7;
	v8 =	vld [tilespmem:s29+$0x6420]  }
0x4df: {  	v7 =	vld [tilespmem:s17+$0x6420];
	_ =	sdelay $0x1  }
0x4e0: {  	[tilespmem:s1+$0x1A0] =	vst v9  }
0x4e1: {  	v9 =	vld [tilespmem:s22+$0x6420];
	[tilespmem:s1+$0xFFFFFF20] =	vst v2  }
0x4e2: {  	[tilespmem:s23+$0xFFFFFF30] =	vst v8;
	v2 =	vld [tilespmem:s7+$0x6420]  }
0x4e3: {  	[tilespmem:s23+$0x1B0] =	vst v7  }
0x4e4: {  	v7 =	vld [tilespmem:s16+$0x6400];
	s8 =	rddreg [dreg:$0x11]  }
0x4e5: {  	v8 =	vld [tilespmem:s8+$0x6400]  }
0x4e6: {  	[tilespmem:s1+$0x1B0] =	vst v9  }
0x4e7: {  	s24 =	spop (v2sf);
	[tilespmem:s1+$0xFFFFFF30] =	vst v2  }
0x4e8: {  	v9 =	vld [tilespmem:s24+$0x6400];
	s26 =	rddreg [dreg:$0xf]  }
0x4e9: {  	[tilespmem:s23+$0x1B8] =	vst v7;
	v2 =	vld [tilespmem:s26+$0x6400]  }
0x4ea: {  	[tilespmem:s23+$0xFFFFFF38] =	vst v8;
	v7 =	vld [tilespmem:s16+$0x6410]  }
0x4eb: {  	(v2sf) =	vpush v3, $0xC;
	v8 =	vld [tilespmem:s8+$0x6410];
	_ =	sdelay $0x1  }
0x4ec: {  	[tilespmem:s1+$0x1B8] =	vst v9  }
0x4ed: {  	v9 =	vld [tilespmem:s24+$0x6410];
	[tilespmem:s1+$0xFFFFFF38] =	vst v2  }
0x4ee: {  	[tilespmem:s23+$0x1C8] =	vst v7;
	v2 =	vld [tilespmem:s26+$0x6410]  }
0x4ef: {  	[tilespmem:s23+$0xFFFFFF48] =	vst v8;
	v7 =	vld [tilespmem:s16+$0x6420]  }
0x4f0: {  	v8 =	vld [tilespmem:s8+$0x6420];
	_ =	sdelay $0x1  }
0x4f1: {  	[tilespmem:s1+$0x1C8] =	vst v9  }
0x4f2: {  	v9 =	vld [tilespmem:s24+$0x6420];
	[tilespmem:s1+$0xFFFFFF48] =	vst v2  }
0x4f3: {  	[tilespmem:s23+$0x1D8] =	vst v7;
	v2 =	vld [tilespmem:s26+$0x6420]  }
0x4f4: {  	[tilespmem:s23+$0xFFFFFF58] =	vst v8  }
0x4f5: {  	v7 =	vld [tilespmem:s4+$0x6400];
	s29 =	rddreg [dreg:$0xb]  }
0x4f6: {  	v8 =	vld [tilespmem:s29+$0x6400]  }
0x4f7: {  	[tilespmem:s1+$0x1D8] =	vst v9  }
0x4f8: {  	s30 =	spop (v2sf);
	[tilespmem:s1+$0xFFFFFF58] =	vst v2  }
0x4f9: {  	v9 =	vld [tilespmem:s30+$0x6400];
	s31 =	rddreg [dreg:$0xc]  }
0x4fa: {  	[tilespmem:s23+$0x1E0] =	vst v7;
	v2 =	vld [tilespmem:s31+$0x6400]  }
0x4fb: {  	[tilespmem:s23+$0xFFFFFF60] =	vst v8;
	v7 =	vld [tilespmem:s4+$0x6410]  }
0x4fc: {  	(v2sf) =	vpush v3, $0xD;
	v8 =	vld [tilespmem:s29+$0x6410];
	_ =	sdelay $0x1  }
0x4fd: {  	[tilespmem:s1+$0x1E0] =	vst v9  }
0x4fe: {  	v9 =	vld [tilespmem:s30+$0x6410];
	[tilespmem:s1+$0xFFFFFF60] =	vst v2  }
0x4ff: {  	[tilespmem:s23+$0x1F0] =	vst v7;
	v2 =	vld [tilespmem:s31+$0x6410]  }
0x500: {  	[tilespmem:s23+$0xFFFFFF70] =	vst v8;
	v7 =	vld [tilespmem:s4+$0x6420]  }
0x501: {  	v8 =	vld [tilespmem:s29+$0x6420];
	_ =	sdelay $0x1  }
0x502: {  	[tilespmem:s1+$0x1F0] =	vst v9  }
0x503: {  	[tilespmem:s1+$0xFFFFFF70] =	vst v2  }
0x504: {  	v9 =	vld [tilespmem:s30+$0x6420];
	[tilespmem:s23+$0x200] =	vst v7  }
0x505: {  	[tilespmem:s23+$0xFFFFFF80] =	vst v8;
	v2 =	vld [tilespmem:s31+$0x6420]  }
0x506: {  	v7 =	vld [tilespmem:s14+$0x6400];
	s0 =	rddreg [dreg:$0x8]  }
0x507: {  	v8 =	vld [tilespmem:s0+$0x6400];
	_ =	sdelay $0x1  }
0x508: {  	s8 =	spop (v2sf);
	[tilespmem:s1+$0x200] =	vst v9  }
0x509: {  	v9 =	vld [tilespmem:s8+$0x6400];
	[tilespmem:s1+$0xFFFFFF80] =	vst v2  }
0x50a: {  	[tilespmem:s23+$0x208] =	vst v7;
	v2 =	vld [tilespmem:s9+$0x6400]  }
0x50b: {  	(v2sf) =	vpush v3, $0xE;
	v7 =	vld [tilespmem:s14+$0x6410];
	[tilespmem:s23+$0xFFFFFF88] =	vst v8  }
0x50c: {  	v8 =	vld [tilespmem:s0+$0x6410];
	_ =	sdelay $0x1  }
0x50d: {  	[tilespmem:s1+$0x208] =	vst v9  }
0x50e: {  	v9 =	vld [tilespmem:s8+$0x6410];
	[tilespmem:s1+$0xFFFFFF88] =	vst v2  }
0x50f: {  	[tilespmem:s23+$0x218] =	vst v7;
	v2 =	vld [tilespmem:s9+$0x6410]  }
0x510: {  	v7 =	vld [tilespmem:s14+$0x6420];
	[tilespmem:s23+$0xFFFFFF98] =	vst v8  }
0x511: {  	v8 =	vld [tilespmem:s0+$0x6420];
	_ =	sdelay $0x1  }
0x512: {  	[tilespmem:s1+$0x218] =	vst v9  }
0x513: {  	v9 =	vld [tilespmem:s8+$0x6420];
	[tilespmem:s1+$0xFFFFFF98] =	vst v2  }
0x514: {  	[tilespmem:s23+$0x228] =	vst v7  }
0x515: {  	v2 =	vld [tilespmem:s9+$0x6420];
	[tilespmem:s23+$0xFFFFFFA8] =	vst v8  }
0x516: {  	v7 =	vld [tilespmem:s19+$0x6400];
	s10 =	rddreg [dreg:$0x7]  }
0x517: {  	v8 =	vld [tilespmem:s10+$0x6400]  }
0x518: {  	s11 =	spop (v2sf);
	[tilespmem:s1+$0x228] =	vst v9  }
0x519: {  	v9 =	vld [tilespmem:s11+$0x6400]  }
0x51a: {  	[tilespmem:s1+$0xFFFFFFA8] =	vst v2  }
0x51b: {  	(v2sf) =	vpush v3, $0xF;
	[tilespmem:s23+$0x230] =	vst v7;
	v2 =	vld [tilespmem:s2+$0x6400]  }
0x51c: {  	v3 =	vld [tilespmem:s19+$0x6410];
	[tilespmem:s23+$0xFFFFFFB0] =	vst v8  }
0x51d: {  	v49 =	vld [tilespmem:s10+$0x6410]  }
0x51e: {  	[tilespmem:s1+$0x230] =	vst v9  }
0x51f: {  	[tilespmem:s20+$0xFFFFFFC0] =	vst v6;
	v50 =	vld [tilespmem:s11+$0x6410]  }
0x520: {  	v6 =	vld [tilespmem:s5+$0x6420];
	[tilespmem:s1+$0xFFFFFFB0] =	vst v2  }
0x521: {  	[tilespmem:s23+$0x240] =	vst v3;
	v2 =	vld [tilespmem:s2+$0x6410]  }
0x522: {  	v3 =	vld [tilespmem:s19+$0x6420];
	[tilespmem:s23+$0xFFFFFFC0] =	vst v49  }
0x523: {  	[tilespmem:s20+$0x250] =	vst v5;
	v7 =	vld [tilespmem:s10+$0x6420]  }
0x524: {  	[tilespmem:s1+$0x240] =	vst v50  }
0x525: {  	[tilespmem:s20+$0xFFFFFFD0] =	vst v6;
	v8 =	vld [tilespmem:s11+$0x6420]  }
0x526: {  	v5 =	vld [tilespmem:s6+$0x6400];
	[tilespmem:s1+$0xFFFFFFC0] =	vst v2  }
0x527: {  	v2 =	vld [tilespmem:s2+$0x6420];
	s13 =	rddreg [dreg:$0x5];
	[tilespmem:s23+$0x250] =	vst v3  }
0x528: {  	v6 =	vld [tilespmem:s13+$0x6400];
	[tilespmem:s23+$0xFFFFFFD0] =	vst v7  }
0x529: {  	v3 =	vld [tilespmem:s3+$0x6400];
	s14 =	rddreg [dreg:$0x6]  }
0x52a: {  	s15 =	spop (v2sf);
	[tilespmem:s1+$0x250] =	vst v8;
	v7 =	vld [tilespmem:s14+$0x6400]  }
0x52b: {  	[tilespmem:s20+$0x258] =	vst v5;
	v8 =	vld [tilespmem:s15+$0x6400]  }
0x52c: {  	v5 =	vld [tilespmem:s6+$0x6410];
	[tilespmem:s1+$0xFFFFFFD0] =	vst v2  }
0x52d: {  	v2 =	vld [tilespmem:s28+$0x6400];
	[tilespmem:s20+$0xFFFFFFD8] =	vst v6  }
0x52e: {  	[tilespmem:s23+$0x258] =	vst v3;
	v6 =	vld [tilespmem:s13+$0x6410]  }
0x52f: {  	[tilespmem:s23+$0xFFFFFFD8] =	vst v7  }
0x530: {  	s16 =	sadd.s32 $0x500, s12;
	v3 =	vld [tilespmem:s3+$0x6410];
	[tilespmem:s1+$0x258] =	vst v8  }
0x531: {  	s17 =	sadd.s32 $0x280, s16;
	[tilespmem:s20+$0x268] =	vst v5;
	v7 =	vld [tilespmem:s14+$0x6410]  }
0x532: {  	s18 =	sadd.s32 $0x500, s16;
	v51 =	vadd.s32 s17, v0;
	v9 =	vld [tilespmem:s15+$0x6410];
	[tilespmem:s1+$0xFFFFFFD8] =	vst v2  }
0x533: {  	s19 =	sadd.s32 $0x280, s18;
	v2 =	vand.u32 $0x1FFF8, v51;
	v52 =	vld [tilespmem:s28+$0x6410];
	[tilespmem:s20+$0xFFFFFFE8] =	vst v6  }
0x534: {  	v54 =	vadd.s32 s19, v0;
	v53 =	vld [tilespmem:s6+$0x6420];
	v2 =	vor.u32 v1, v2;
	s20 =	sadd.s32 $0x500, s18;
	s21 =	rddreg [dreg:$0x3]  }
0x535: {  	v55 =	vadd.s32 s16, v0;
	[tilespmem:s23+$0x268] =	vst v3;
	v3 =	vand.u32 $0x1FFF8, v54;
	s22 =	sadd.s32 $0x280, s20;
	v11 =	vld [tilespmem:s21+$0x6420]  }
0x536: {  	v10 =	vand.u32 $0x1FFF8, v55;
	v56 =	vld [tilespmem:s3+$0x6420];
	[tilespmem:s23+$0xFFFFFFE8] =	vst v7;
	v57 =	vadd.s32 s22, v0;
	v3 =	vor.u32 v1, v3  }
0x537: {  	v12 =	vadd.s32 s18, v0;
	v10 =	vor.u32 v1, v10;
	v13 =	vld [tilespmem:s13+$0x6420];
	[tilespmem:s1+$0x268] =	vst v9;
	v7 =	vand.u32 $0x1FFF8, v57  }
0x538: {  	v59 =	vand.u32 $0x1FFF8, v12;
	v58 =	vadd.s32 s20, v0;
	v14 =	vld [tilespmem:s15+$0x6420];
	v7 =	vor.u32 v1, v7;
	[tilespmem:s1+$0xFFFFFFE8] =	vst v52  }
0x539: {  	v61 =	vand.u32 $0x1FFF8, v58;
	v60 =	vld [tilespmem:s14+$0x6420];
	[tilespmem:v2+s25+$0x0] =	vst.idx.msk $0xff, v53;
	v2 =	vor.u32 v1, v59  }
0x53a: {  	v63 =	vor.u32 v1, v61;
	v62 =	vld [tilespmem:s28+$0x6420];
	[tilespmem:v4+s25+$0x0] =	vst.idx.msk $0xff, v11  }
0x53b: {  	s24 =	sld [smem:$0x7F7];
	[tilespmem:v3+s25+$0x0] =	vst.idx.msk $0xff, v56  }
0x53c: {  	[tilespmem:v10+s25+$0x0] =	vst.idx.msk $0xff, v13  }
0x53d: {  	s1 =	rddreg [dreg:$0x17];
	[tilespmem:v7+s25+$0x0] =	vst.idx.msk $0xff, v14  }
0x53e: {  	[tilespmem:v2+s25+$0x0] =	vst.idx.msk $0xff, v60  }
0x53f: {  	s0 =	smul.u32 $0x280, s24;
	[tilespmem:v63+s25+$0x0] =	vst.idx.msk $0xff, v62  }
0x540: {  	s29 =	rddreg [dreg:$0x1e]  }
0x541: {  	s0 =	sadd.s32 s1, s0;
	s1 =	sadd.s32 $0x1, s29  }
0x542: {  	s0 =	smul.u32 $0x5, s0;
	p0 =	sne.s32 s1, $0x14  }
.Ltmp2:
0x543: {  	s26 =	rddreg [dreg:$0x1];
	(pc) =	sbr.rel @p0 .LBB2_2-.Ltmp2, $4  }
0x544: {  	s28 =	simm.s32 $0x0;
	s31 =	rddreg [dreg:$0x1d];
	s0 =	sadd.s32 s26, s0  }
0x545: {  	[hbm4b:s0+s28] =	stream.linear.scatter [tilespmem:s25], [sflag:$0x2], $0x6400, $0x38;
	[tilespmem:$0x12FC0] =	vst v63  }
0x546: {  	s30 =	rddreg [dreg:$0x1c];
	s0 =	sadd.s32 $0x500, s31  }
0x547: {  	s2 =	sadd.s32 $0x500, s30;
	s25 =	simm.s32 $0x67C0;
	[dreg:$0x1d] =	wrdreg s0  }
0x548: {  	s0 =	simm.s32 $0x1  }
0x549: {  	_ =	swait.ge [sflag:s0], $0x6400  }
0x54a: {  	[sflag:s0] =	ssyncset.done $0x0  }
0x54b: {  	s1 =	simm.s32 $0x2;
	[sflag:s0] =	ssyncadd.s32 $0xFFFF9C00  }
0x54c: {  	_ =	swait.ge [sflag:s1], $0x6400  }
0x54d: {  	s2 =	rddreg [dreg:$0x1b]  }
0x54e: {  	s31 =	rddreg [dreg:$0x1a];
	s2 =	sadd.s32 $0x1, s2  }
0x54f: {  	p0 =	sne.s32 s2, s31  }
.Ltmp3:
0x550: {  	_ = 	snop;
	(pc) =	sbr.rel @p0 .LBB2_1-.Ltmp3, $3  }
0x551: {  	_ =	sdelay $0x1  }
0x552: {  	[sflag:s1] =	ssyncset.done $0x0  }
0x553: {  	[sflag:s1] =	ssyncadd.s32 $0xFFFF9C00  }
0x554: {  	_ =	sfence.sel $0x180000  }
0x555: {  	[bflag:$0x0] =	sbarrier.arrive $0xFFFF  }
0x556: {  	_ =	strace $0x90000047  }
0x557: {  	s0 =	stileid.u32;
	[bflag:$0x2] =	sbarrier.arrive $0xFFFF  }
0x558: {  	p0 =	sne.s32 s0, $0x0;
	s0 =	rddreg [dreg:$0x2]  }
0x559: {  	s0 =	sadd.s32 @!p0 $0x100000, s0  }
0x55a: {  	[sflag:s0] =	ssyncadd.tile.s32 @!p0 $0x1;
	_ =	shalt  }
.Lfunc_end2:
_tile_overlayer_lowered:
.L_overlay_start_2:
0x55b: {  	(tag) =	ssettag $0x2  }
0x55c: {  	s0 =	rddreg [dreg:$0x0];
	s2 =	stileid.u32  }
0x55d: {  	s1 =	rddreg [dreg:$0x1];
	p0 =	sne.s32 s2, $0x0  }
0x55e: {  	s3 =	rddreg [dreg:$0x2];
	[bflag:$0x3] =	sbarrier.arrive $0xFFFF;
	s2 =	simm.s32 @!p0 $0x1C03  }
0x55f: {  	[timem:s3], [sflag:s2] =	dma.local @!p0 [hbm:s0], s1  }
0x560: {  	s0 =	simm.s32 @!p0 $0x3  }
0x561: {  	_ =	swait.ge @!p0 [sflag:s0], s1  }
0x562: {  	s1 =	ssub.s32 @!p0 $0x0, s1;
	[sflag:s0] =	ssyncset.done @!p0 $0x0  }
0x563: {  	[sflag:s0] =	ssyncadd.s32 @!p0 s1  }
0x564: {  	[bflag:$0x3] =	sbarrier.arrive $0xFFFF  }
0x565: {  	_ =	shalt  }

// kernel: sparse-core-data-format-call.cloned.1.call-start
scs
called_computation_lowered:
.L_overlay_start_0:
0x0: {  	s2 =	sld [smem:$0x3FD9]  }
0x1: {  	s3 =	sld [smem:$0x3FFE];
	_ =	sdelay $0x1  }
0x2: {  	s1 =	srdreg.scid  }
0x3: {  	s0 =	sand.u32 $0x1, s1  }
0x4: {  	s18 =	sshll.u32 s0, $0xA;
	s2 =	sadd.s32 s3, s2  }
0x5: {  	s2 =	sadd.s32 s2, s18  }
0x6: {  	[smem:$0x3FC6] =	sst s2  }
0x7: {  	_ = 	snop  }
0x8: {  	s2 =	sld [smem:$0x3FD0];
	(tm) =	ssettm $0x1  }
0x9: {  	s19 =	sld [smem:$0x3FFB];
	_ =	sdelay $0x3  }
0xa: {  	_ =	strace s19  }
0xb: {  	s3 =	sld [smem:$0x3FFC];
	_ =	sdelay $0x3  }
0xc: {  	_ =	strace s3  }
0xd: {  	s3 =	sld [smem:$0x3FFD];
	_ =	sdelay $0x3  }
0xe: {  	_ =	strace s3  }
0xf: {  	_ =	strace $0x8FFFFFFF  }
0x10: {  	s20 =	sld [smem:$0x3FDB];
	_ =	sdelay $0x1  }
0x11: {  	s4 =	simm.s32 $_scs_section_size  }
0x12: {  	s5 =	simm.s32 $_size__tile_overlayer_lowered;
	s6 =	simm.s32 $_tile_overlayer_lowered  }
0x13: {  	s23 =	simm.s32 $0x1BFF;
	s22 =	sshll.u32 s6, $0x1;
	s3 =	sadd.s32 s4, s20  }
0x14: {  	s7 =	simm.s32 $0x0;
	s21 =	sshll.u32 s5, $0x1;
	s5 =	sadd.s32 s22, s3  }
0x15: {  	[timem:s7], [sflag:s23] =	dma.local [hbm:s5], s21  }
0x16: {  	_ =	swait.ge [sflag:s23], s21  }
0x17: {  	s4 =	ssub.s32 $0x0, s21;
	[sflag:s23] =	ssyncset.done $0x0  }
0x18: {  	[sflag:s23] =	ssyncadd.s32 s4;
	_ =	sdelay $0x1  }
0x19: {  	s24 =	simm.s32 $0x1B8B  }
0x1a: {  	_ =	swait.ge [sflag:s24], $0x1  }
0x1b: {  	[sflag:s24] =	ssyncset.done $0x0  }
0x1c: {  	s26 =	simm.s32 $0x1B8E;
	s25 =	sld [smem:$0x3FFE];
	[sflag:s24] =	ssyncadd.s32 $0xFFFFFFFF  }
0x1d: {  	s27 =	simm.s32 $execute0_lowered;
	[smem:$0x3FD2] =	sst s26  }
0x1e: {  	s5 =	sshll.u32 s27, $0x1;
	_ =	strace $0x80000049;
	[dreg:$0x1] =	wrdreg $0xFFFFFFFF  }
0x1f: {  	s28 =	simm.s32 $_size_execute0_lowered;
	s3 =	sadd.s32 s3, s5;
	[dreg:$0x0] =	wrdreg $0x0  }
0x20: {  	s5 =	sshll.u32 s28, $0x1;
	[dreg:$0x2] =	wrdreg s3  }
0x21: {  	[dreg:$0x3] =	wrdreg s5  }
0x22: {  	[dreg:$0x4] =	wrdreg $0xC0  }
0x23: {  	_ =	task [dreg:s7], $0x5FFFF  }
0x24: {  	[dreg:$0x1] =	wrdreg $0xFFFFFFFF  }
0x25: {  	[dreg:$0x0] =	wrdreg $0x60  }
0x26: {  	[dreg:$0x2] =	wrdreg s25  }
0x27: {  	[dreg:$0x3] =	wrdreg s2  }
0x28: {  	[dreg:$0x4] =	wrdreg $0x9  }
0x29: {  	_ =	task.clear_ibuf [dreg:s7], $0x5FFFF;
	_ =	strace $0x90000049  }
0x2a: {  	s29 =	simm.s32 $0x9;
	_ =	strace $0x8000004B  }
0x2b: {  	_ =	swait.ge [sflag:s29], $0x1  }
0x2c: {  	[sflag:s29] =	ssyncadd.s32 $0xFFFFFFFF  }
0x2d: {  	_ =	strace $0x9000004B  }
0x2e: {  	_ =	sfence  }
0x2f: {  	s30 =	sld [smem:$0x0];
	_ =	sdelay $0x2  }
0x30: {  	s31 =	sshll.u32 s1, $0xD;
	s1 =	sshrl.u32 s1, $0x2  }
0x31: {  	s3 =	sand.u32 $0x4000, s31;
	s1 =	sadd.s32 s1, s30  }
0x32: {  	s0 =	sor.u32 s3, s0;
	s1 =	sshll.u32 s1, $0x11  }
0x33: {  	s0 =	sor.u32 s1, s0  }
0x34: {  	s0 =	sadd.s32 $0x8F2B, s0  }
0x35: {  	[sflag:s0] =	ssyncadd.remote.s32 $0x1  }
0x36: {  	_ =	sfence.sel $0xFFFF  }
0x37: {  	[dreg:$0x0] =	wrdreg $0xFFFFFFFF;
	(pc) =	sbr.abs _section_cstart, $3  }
0x38: {  	[dreg:$0x1] =	wrdreg $0xFFFFFFFF  }
0x39: {  	_ =	task.clear_ibuf [dreg:s7], $0x2FFFF;
	_ =	strace $0x9FFFFFFF  }
0x3a: {  	(tm) =	ssettm $0x7FFFFFFF  }
0x3b: {  	_ =	shalt  }
tec
execute0_lowered:
.L_overlay_start_1:
0x0: {  	(tag) =	ssettag $0x1  }
0x1: {  	s0 =	srdreg.scid  }
0x2: {  	s1 =	sshll.u32 s0, $0x4  }
0x3: {  	s6 =	rddreg [dreg:$0x0];
	s0 =	stileid.u32;
	s1 =	sand.u32 $0x10, s1  }
0x4: {  	s3 =	rddreg [dreg:$0x1];
	s1 =	sor.u32 s0, s1  }
0x5: {  	s5 =	simm.s32 $0x1;
	s31 =	simm.s32 $0x2;
	s2 =	sshll.u32 s1, $0x7  }
0x6: {  	s15 =	simm.s32 $0x0;
	s8 =	simm.s32 $0x8000;
	s4 =	ssub.s32 $0x1000, s2  }
0x7: {  	s14 =	simm.s32 $0x0;
	s9 =	simm.s32 $0x0;
	s30 =	sand.u32 $0xF80, s4  }
0x8: {  	s10 =	simm.s32 $0x0;
	s11 =	simm.s32 $0x0;
	p0 =	sne.s32 s30, $0x0  }
.Ltmp0:
0x9: {  	s7 =	sshrl.u32 s4, $0xC;
	s5 =	simm.s32 @!p0 $0x0;
	(pc) =	sbr.rel .LBB1_1-.Ltmp0, $4  }
0xa: {  	s13 =	simm.s32 $0x0;
	s1 =	rddreg [dreg:$0x2];
	s5 =	sadd.s32 s5, s7  }
0xb: {  	_ =	strace $0x8000004A;
	s4 =	simm.s32 $0x1;
	s5 =	smul.u32 $0xC8, s5  }
0xc: {  	s6 =	sadd.s32 $0x800, s6;
	s12 =	smov.u32 s2;
	[sflag:s4] =	ssyncpa.u1 $0x0  }
0xd: {  	[sflag:s31] =	ssyncpa.u1 $0x0;
	p0 =	por $0x0, $0x0;
	s7 =	sor.u32 $0x1, s5  }
.LBB1_4:
0xe: {  	s18 =	sshll.u32 s10, $0x3  }
0xf: {  	p1 =	sgt.s32 s9, $0xC7;
	s19 =	smov.u32 s9;
	s21 =	sshra.s32 s9, $0x1F  }
0x10: {  	s22 =	smov.u32 s10;
	s23 =	sshra.s32 s10, $0x1F;
	s25 =	sand.u32 $0x78, s10  }
0x11: {  	s27 =	smul.u32 $0x5000, s9;
	s28 =	sand.u32 $0x7, s10;
	s20 =	sshrl.u32 s18, $0xC  }
0x12: {  	s19 =	simm.s32 @!p1 $0xC7;
	s21 =	sand.u32 s21, s9;
	p1 =	sgt.s32 s10, $0xF80  }
0x13: {  	s30 =	sand.u32 s23, s10;
	s18 =	sand.u32 $0xC00, s18;
	s19 =	ssub.s32 s19, s21  }
0x14: {  	s22 =	simm.s32 @!p1 $0xF80;
	s31 =	smulhi.u32 $0x6666667, s20;
	s24 =	ssub.s32 $0xC8, s19  }
0x15: {  	s21 =	ssub.s32 s22, s30;
	s19 =	sadd.s32 $0xFFFFFF39, s19;
	s24 =	smul.u32 $0x28, s24  }
0x16: {  	s23 =	smul.u32 $0x28, s31;
	p1 =	sgt.s32 s19, $0x0;
	s26 =	sadd.s32 $0xFFFFF080, s21  }
0x17: {  	s19 =	ssub.s32 $0x1000, s21;
	s24 =	simm.s32 @p1 $0x0;
	p1 =	sgt.s32 s26, $0x7F  }
0x18: {  	s18 =	sor.u32 s25, s18;
	s20 =	ssub.s32 s20, s23;
	s19 =	simm.s32 @p1 $0x0  }
0x19: {  	[tilespmem:s17+$0x810 ss:$0x81] =	vst.msk $0xffff, v2;
	s21 =	sadd.s32 s3, s27;
	s20 =	sshll.u32 s20, $0x9;
	s19 =	smul.u32 s19, s24  }
0x1a: {  	[tilespmem:s17+$0x1020 ss:$0x81] =	vst.msk $0xffff, v0;
	s29 =	sshll.u32 s28, $0x12;
	s18 =	sshrl.u32 s18, $0x3;
	s20 =	sadd.s32 s20, s21  }
0x1b: {  	[tilespmem:s17+$0x0 ss:$0x81] =	vst.msk $0xffff, v1;
	s31 =	sor.u32 $0x400, s29;
	s18 =	sadd.s32 s18, s20;
	s30 =	sand.u32 $0x3FFFFFF8, s19  }
0x1c: {  	[hbm4b:s18+s31] =	stream.strided.scatter [tilespmem:s16], [sflag:$0x2], s30, s8, s31, $0x20;
	[tilespmem:$0x8080] =	vst v63  }
.LBB1_5:
0x1d: {  	p1 =	slt.u32 s13, $0x2  }
0x1e: {  	s17 =	smov.u32 s15;
	p2 =	sgt.s32 @!p1 s15, $0xC7;
	s16 =	sshra.s32 @!p1 s15, $0x1F  }
0x1f: {  	p3 =	sgt.s32 @!p1 s14, $0xF80;
	s18 =	sshra.s32 @!p1 s14, $0x1F;
	p2 =	por !p2, p1  }
0x20: {  	s15 =	sand.u32 @!p1 s16, s15;
	p3 =	por !p3, p1;
	s16 =	smov.u32 s14  }
0x21: {  	s14 =	sand.u32 @!p1 s18, s14;
	s17 =	simm.s32 @p2 $0xC7;
	s16 =	simm.s32 @p3 $0xF80  }
0x22: {  	s18 =	smov.u32 s12;
	s15 =	ssub.s32 @!p1 s17, s15;
	s14 =	ssub.s32 @!p1 s16, s14  }
0x23: {  	s16 =	sadd.s32 @!p1 $0xFFFFFF39, s15;
	s15 =	ssub.s32 @!p1 $0xC8, s15;
	s17 =	sadd.s32 @!p1 $0xFFFFF080, s14  }
0x24: {  	p2 =	sgt.s32 @!p1 s16, $0x0;
	s15 =	smul.u32 @!p1 $0x28, s15;
	p3 =	sgt.s32 @!p1 s17, $0x7F  }
0x25: {  	s14 =	ssub.s32 @!p1 $0x1000, s14;
	p2 =	por !p2, p1;
	p3 =	por !p3, p1  }
0x26: {  	s16 =	sadd.s32 $0x1, s11;
	s15 =	simm.s32 @!p2 $0x0;
	s14 =	simm.s32 @!p3 $0x0  }
0x27: {  	p2 =	sgt.s32 s16, $0xC7;
	s14 =	smul.u32 @!p1 s14, s15;
	s15 =	sadd.s32 $0x1000, s12  }
0x28: {  	s18 =	smov.u32 @p2 s15  }
0x29: {  	s16 =	simm.s32 @p2 $0x0;
	p2 =	sgt.s32 s18, $0xFFF  }
0x2a: {  	s18 =	smov.u32 @p2 s2;
	p2 =	sne.s32 s13, s7  }
.Ltmp1:
0x2b: {  	p0 =	por !p0, !p0;
	s17 =	simm.s32 @!p1 $0x2;
	(pc) =	sbr.rel @!p2 .LBB1_6-.Ltmp1, $4  }
0x2c: {  	s15 =	smov.u32 s9;
	s9 =	smov.u32 s11;
	s14 =	sand.u32 @!p1 $0x3FFFFFF8, s14  }
0x2d: {  	s11 =	smov.u32 s16;
	_ =	swait.ge @!p1 [sflag:s17], s14;
	s19 =	ssub.s32 @!p1 $0x0, s14  }
0x2e: {  	s14 =	smov.u32 s10;
	s13 =	sadd.s32 $0x1, s13;
	[sflag:s17] =	ssyncset.done @!p1 $0x0  }
0x2f: {  	s10 =	smov.u32 s12;
	s12 =	smov.u32 s18;
	[sflag:s17] =	ssyncadd.s32 @!p1 s19  }
.LBB1_1:
0x30: {  	p1 =	sge.u32 s13, s5  }
0x31: {  	s16 =	sand.u32 @!p1 $0x1FFFFFF, s11  }
0x32: {  	s17 =	smulhi.u32 @!p1 $0x147AE15, s16;
	_ =	sdelay $0x1  }
0x33: {  	s17 =	smul.u32 @!p1 $0xC8, s17  }
0x34: {  	s18 =	sxor.u32 @!p1 $0xFFFFFFFF, s13;
	s19 =	smul.u32 @!p1 $0xC80, s12  }
0x35: {  	s31 =	sadd.s32 $0xFFFFFFFF, s13;
	s18 =	sshll.u32 @!p1 s18, $0xD;
	s16 =	ssub.s32 @!p1 s16, s17  }
0x36: {  	s17 =	sand.u32 @!p1 $0x2000, s18;
	s18 =	sadd.s32 @!p1 s6, s19;
	s16 =	sshll.u32 @!p1 s16, $0x4  }
0x37: {  	s19 =	simm.s32 @!p1 $0x6400;
	s16 =	sadd.s32 @!p1 s16, s18;
	s18 =	simm.s32 @!p1 $0x40  }
0x38: {  	[tilespmem:s17], [sflag:$0x1] =	stream.strided.gather @!p1 [hbm4b:s16+s18], $0x2000, s19, s18, $0x38;
	[tilespmem:$0x8080] =	vst v63  }
0x39: {  	p1 =	sge.u32 s31, s5  }
.Ltmp2:
0x3a: {  	_ = 	snop;
	(pc) =	sbr.rel @p1 .LBB1_5-.Ltmp2, $1  }
0x3b: {  	_ =	sdelay $0x3  }
0x3c: {  	s16 =	simm.s32 $0x1  }
0x3d: {  	_ =	swait.ge [sflag:s4], $0x2000;
	s16 =	simm.s32 @!p0 $0x0  }
0x3e: {  	[sflag:s4] =	ssyncset.done $0x0;
	s17 =	sshll.u32 s16, $0xD  }
0x3f: {  	[sflag:s4] =	ssyncadd.s32 $0xFFFFE000;
	s20 =	sor.u32 $0x20, s17  }
0x40: {  	s16 =	smul.u32 $0x8100, s16;
	v3 =	vld [tilespmem:s20+$0x10]  }
0x41: {  	s30 =	sand.u32 $0x1, s13;
	v2 =	vld [tilespmem:s20+$0xFFFFFFF0]  }
0x42: {  	s17 =	smul.u32 $0x8100, s30;
	s16 =	sshrl.u32 s16, $0x2;
	v0 =	vld [tilespmem:s20+$0x0]  }
0x43: {  	v1 =	vld [tilespmem:s20+$0xFFFFFFE0];
	s18 =	sor.u32 $0x4000, s16  }
0x44: {  	s31 =	sshrl.u32 s17, $0x2;
	s17 =	sadd.s32 $0x0, s18  }
0x45: {  	s19 =	simm.s32 $0x4;
	s20 =	sadd.s32 $0x40, s20;
	s16 =	sor.u32 $0x4000, s31;
	[tilespmem:s17+$0x1830 ss:$0x81] =	vst.msk $0xffff, v3  }
.LBB1_3:
0x46: {  	v3 =	vld [tilespmem:s20+$0x10];
	p1 =	sne.s32 s19, $0x1FC;
	[tilespmem:s17+$0x810 ss:$0x81] =	vst.msk $0xffff, v2;
	s21 =	smov.u32 s19;
	s19 =	sadd.s32 $0x4, s19  }
.Ltmp3:
0x47: {  	v2 =	vld [tilespmem:s20+$0xFFFFFFF0];
	[tilespmem:s17+$0x1020 ss:$0x81] =	vst.msk $0xffff, v0;
	(pc) =	sbr.rel @p1 .LBB1_3-.Ltmp3, $4  }
0x48: {  	v0 =	vld [tilespmem:s20+$0x0];
	[tilespmem:s17+$0x0 ss:$0x81] =	vst.msk $0xffff, v1  }
0x49: {  	s17 =	sshra.s32 s21, $0x2;
	v1 =	vld [tilespmem:s20+$0xFFFFFFE0]  }
0x4a: {  	s17 =	sadd.s32 s17, s18  }
0x4b: {  	s20 =	sadd.s32 $0x40, s20;
	[tilespmem:s17+$0x1830 ss:$0x81] =	vst.msk $0xffff, v3  }
.Ltmp4:
0x4c: {  	_ = 	snop;
	(pc) =	sbr.rel .LBB1_4-.Ltmp4, $1  }
0x4d: {  	_ =	sdelay $0x3  }
.LBB1_6:
0x4e: {  	_ =	sfence.sel $0x180000  }
0x4f: {  	s2 =	simm.s32 $0x1;
	[bflag:$0x0] =	sbarrier.arrive $0xFFFF  }
0x50: {  	s31 =	simm.s32 $0x2;
	[sflag:s2] =	ssyncpa.u1 $0x1  }
0x51: {  	[sflag:s31] =	ssyncpa.u1 $0x1  }
0x52: {  	p0 =	sne.s32 s0, $0x0;
	_ =	strace $0x9000004A  }
0x53: {  	s0 =	sadd.s32 @!p0 $0x100000, s1;
	[bflag:$0x2] =	sbarrier.arrive $0xFFFF  }
0x54: {  	[sflag:s0] =	ssyncadd.tile.s32 @!p0 $0x1;
	_ =	shalt  }
.Lfunc_end1:
_tile_overlayer_lowered:
.L_overlay_start_2:
0x55: {  	(tag) =	ssettag $0x2  }
0x56: {  	s0 =	rddreg [dreg:$0x0];
	s2 =	stileid.u32  }
0x57: {  	s1 =	rddreg [dreg:$0x1];
	p0 =	sne.s32 s2, $0x0  }
0x58: {  	s3 =	rddreg [dreg:$0x2];
	[bflag:$0x3] =	sbarrier.arrive $0xFFFF;
	s2 =	simm.s32 @!p0 $0x1C01  }
0x59: {  	[timem:s3], [sflag:s2] =	dma.local @!p0 [hbm:s0], s1  }
0x5a: {  	s0 =	simm.s32 @!p0 $0x1  }
0x5b: {  	_ =	swait.ge @!p0 [sflag:s0], s1  }
0x5c: {  	s1 =	ssub.s32 @!p0 $0x0, s1;
	[sflag:s0] =	ssyncset.done @!p0 $0x0  }
0x5d: {  	[sflag:s0] =	ssyncadd.s32 @!p0 s1  }
0x5e: {  	[bflag:$0x3] =	sbarrier.arrive $0xFFFF  }
0x5f: {  	_ =	shalt  }

</sc_bundles>
